<compile_context>
chip_gen: v7x
topology: tpu7x:2x2x1
jax: 0.10.2.dev20260603
libtpu: 0.0.44.dev20260713+nightly
codegen_flags: <defaults>
</compile_context>

<pallas_src>
import functools

import jax
import jax.numpy as jnp
from jax import lax
from jax.experimental import pallas as pl
from jax.experimental.pallas import tpu as pltpu
from jax.experimental.pallas import tpu_sc as plsc

NC = 2
NS = 16
NW = NC * NS
LANES = 16
K = 125



def _make_deg(n, e):
    epw = e // NW

    @functools.partial(
        pl.kernel,
        mesh=plsc.VectorSubcoreMesh(core_axis_name="c", subcore_axis_name="s"),
        out_type=jax.ShapeDtypeStruct((NW, n), jnp.float32),
        scratch_types=[
            pltpu.VMEM((n,), jnp.float32),
            pltpu.VMEM((epw,), jnp.int32),
        ],
        compiler_params=pltpu.CompilerParams(needs_layout_passes=False),
    )
    def deg_kernel(dst_hbm, zeros_hbm, out_hbm, hist_v, idx_v):
        c = lax.axis_index("c")
        s = lax.axis_index("s")
        wid = s * NC + c
        pltpu.sync_copy(zeros_hbm, hist_v)
        pltpu.sync_copy(dst_hbm.at[pl.ds(wid * epw, epw)], idx_v)
        ones = jnp.ones((LANES,), jnp.float32)

        def body(j, carry):
            iv = idx_v[pl.ds(j * LANES, LANES)]
            plsc.addupdate_scatter(hist_v, [iv], ones)
            return carry

        lax.fori_loop(0, epw // LANES, body, 0)
        pltpu.sync_copy(hist_v, out_hbm.at[wid])

    return deg_kernel


def _make_agg(n, e, d, ng):
    epw = e // NW
    nch = epw // K
    rpt = n // NS
    NR = 3
    NI = 6
    BODY = 6
    nbody = (nch - 2) // BODY
    assert nbody * BODY + 2 == nch

    def body_fn(g_hbms, ei_hbm, zeros_hbm, out_hbm, rows, ibufs, acc,
                sgs, sss, sis):
        cc = lax.axis_index("c")
        s = lax.axis_index("s")
        wid = s * NC + cc
        rs = s * rpt

        def idx_start(c, islot):
            pltpu.async_copy(ei_hbm.at[wid, c], ibufs[islot], sis[islot])

        def idx_wait(c, islot):
            pltpu.make_async_copy(
                ei_hbm.at[wid, c], ibufs[islot], sis[islot]).wait()

        for gi, g_hbm in enumerate(g_hbms):
            pltpu.sync_copy(zeros_hbm.at[pl.ds(rs, rpt)],
                            acc.at[pl.ds(rs, rpt)])
            plsc.subcore_barrier()

            def g_start(c, rslot, islot):
                pltpu.async_copy(g_hbm.at[ibufs[islot].at[0]],
                                 rows[rslot], sgs[rslot])

            def g_wait(c, rslot, islot):
                pltpu.make_async_copy(g_hbm.at[ibufs[islot].at[0]],
                                      rows[rslot], sgs[rslot]).wait()

            def s_start(c, rslot, islot):
                pltpu.async_copy(rows[rslot], acc.at[ibufs[islot].at[1]],
                                 sss[rslot], add=True)

            def s_wait(c, rslot, islot):
                pltpu.make_async_copy(rows[rslot],
                                      acc.at[ibufs[islot].at[1]],
                                      sss[rslot]).wait()

            def step(c, p):
                rslot, islot = p % NR, p % NI
                g_wait(c, rslot, islot)
                s_start(c, rslot, islot)

                @pl.when(c + 2 < nch)
                def _():
                    @pl.when(c >= 1)
                    def _():
                        s_wait(c - 1, (p - 1) % NR, (p - 1) % NI)

                    idx_wait(c + 2, (p + 2) % NI)
                    g_start(c + 2, (p + 2) % NR, (p + 2) % NI)

                @pl.when(c + 4 < nch)
                def _():
                    idx_start(c + 4, (p + 4) % NI)

            for c0 in range(4):
                idx_start(c0, c0)
            idx_wait(0, 0)
            g_start(0, 0, 0)
            idx_wait(1, 1)
            g_start(1, 1, 1)

            def loop_body(j, carry):
                base = j * BODY
                for p in range(BODY):
                    step(base + p, p)
                return carry

            lax.fori_loop(0, nbody, loop_body, 0)
            step(nch - 2, 0)
            step(nch - 1, 1)
            for c0 in (nch - 3, nch - 2, nch - 1):
                s_wait(c0, c0 % NR, c0 % NI)

            plsc.subcore_barrier()
            pltpu.sync_copy(acc.at[pl.ds(rs, rpt)],
                            out_hbm.at[gi, cc, pl.ds(rs, rpt)])

    if ng == 1:
        def raw(g0, ei, z, out, r0, r1, r2, i0, i1, i2, i3, i4, i5, acc,
                sg0, sg1, sg2, ss0, ss1, ss2, si0, si1, si2, si3, si4, si5):
            body_fn([g0], ei, z, out, [r0, r1, r2],
                    [i0, i1, i2, i3, i4, i5], acc, [sg0, sg1, sg2],
                    [ss0, ss1, ss2], [si0, si1, si2, si3, si4, si5])
    else:
        def raw(g0, g1, ei, z, out, r0, r1, r2, i0, i1, i2, i3, i4, i5,
                acc, sg0, sg1, sg2, ss0, ss1, ss2,
                si0, si1, si2, si3, si4, si5):
            body_fn([g0, g1], ei, z, out, [r0, r1, r2],
                    [i0, i1, i2, i3, i4, i5], acc, [sg0, sg1, sg2],
                    [ss0, ss1, ss2], [si0, si1, si2, si3, si4, si5])

    return pl.kernel(
        raw,
        mesh=plsc.VectorSubcoreMesh(core_axis_name="c", subcore_axis_name="s"),
        out_type=jax.ShapeDtypeStruct((ng, NC, n, d), jnp.float32),
        scratch_types=(
            [pltpu.VMEM((K, d), jnp.float32) for _ in range(3)]
            + [pltpu.VMEM((2, K), jnp.int32) for _ in range(6)]
            + [pltpu.VMEM_SHARED((n, d), jnp.float32)]
            + [pltpu.SemaphoreType.DMA for _ in range(12)]
        ),
        compiler_params=pltpu.CompilerParams(use_tc_tiling_on_sc=False),
    )



def _mm1_body(x_ref, w_ref, degp_ref, ga_ref, gb_ref, dbc_ref):
    deg = 1.0 + jnp.sum(degp_ref[...], axis=1, keepdims=True)
    d = lax.rsqrt(deg)
    h = jnp.dot(x_ref[...], w_ref[...], preferred_element_type=jnp.float32)
    g = h * d
    ga_ref[...] = g[:, :128]
    gb_ref[...] = g[:, 128:]
    dbc_ref[...] = jnp.broadcast_to(d, dbc_ref.shape)


def _mid_body(p1_ref, ga_ref, gb_ref, d_ref, b1_ref, w2_ref, g2_ref):
    dcol = d_ref[...][:, :1]
    b1 = b1_ref[...]
    h1a = jnp.maximum(dcol * (p1_ref[0, 0] + p1_ref[0, 1] + ga_ref[...])
                      + b1[:, :128], 0.0)
    h1b = jnp.maximum(dcol * (p1_ref[1, 0] + p1_ref[1, 1] + gb_ref[...])
                      + b1[:, 128:], 0.0)
    h2 = (jnp.dot(h1a, w2_ref[0], preferred_element_type=jnp.float32)
          + jnp.dot(h1b, w2_ref[1], preferred_element_type=jnp.float32))
    g2_ref[...] = h2 * dcol


def _fin_body(p2_ref, g2_ref, d_ref, b2_ref, out_ref):
    dcol = d_ref[...][:, :1]
    out_ref[...] = (dcol * (p2_ref[0, 0] + p2_ref[0, 1] + g2_ref[...])
                    + b2_ref[...])



def kernel(x, edge_index, W1, b1, W2, b2):
    n, df = x.shape
    e = edge_index.shape[1]
    h = W1.shape[1]
    do = W2.shape[1]
    ha = h // 2
    nch = (e // NW) // K

    src3 = edge_index[0].reshape(NW, nch, K)
    dst3 = edge_index[1].reshape(NW, nch, K)
    ei4 = jnp.stack([src3, dst3], axis=2)

    deg_k = _make_deg(n, e)
    degp = deg_k(edge_index[1], jnp.zeros((n,), jnp.float32))

    bm = 5000
    grid = (n // bm,)

    ga, gb, dbc = pl.pallas_call(
        _mm1_body,
        grid=grid,
        in_specs=[
            pl.BlockSpec((bm, df), lambda i: (i, 0)),
            pl.BlockSpec((df, h), lambda i: (0, 0)),
            pl.BlockSpec((bm, NW), lambda i: (i, 0)),
        ],
        out_specs=[
            pl.BlockSpec((bm, ha), lambda i: (i, 0)),
            pl.BlockSpec((bm, ha), lambda i: (i, 0)),
            pl.BlockSpec((bm, 8), lambda i: (i, 0)),
        ],
        out_shape=[
            jax.ShapeDtypeStruct((n, ha), jnp.float32),
            jax.ShapeDtypeStruct((n, ha), jnp.float32),
            jax.ShapeDtypeStruct((n, 8), jnp.float32),
        ],
    )(x, W1, degp.T)

    agg128 = _make_agg(n, e, ha, 2)
    p1 = agg128(ga, gb, ei4, jnp.zeros((n, ha), jnp.float32))

    g2 = pl.pallas_call(
        _mid_body,
        grid=grid,
        in_specs=[
            pl.BlockSpec((2, NC, bm, ha), lambda i: (0, 0, i, 0)),
            pl.BlockSpec((bm, ha), lambda i: (i, 0)),
            pl.BlockSpec((bm, ha), lambda i: (i, 0)),
            pl.BlockSpec((bm, 8), lambda i: (i, 0)),
            pl.BlockSpec((1, h), lambda i: (0, 0)),
            pl.BlockSpec((2, ha, do), lambda i: (0, 0, 0)),
        ],
        out_specs=pl.BlockSpec((bm, do), lambda i: (i, 0)),
        out_shape=jax.ShapeDtypeStruct((n, do), jnp.float32),
    )(p1, ga, gb, dbc, b1.reshape(1, h), W2.reshape(2, ha, do))

    agg64 = _make_agg(n, e, do, 1)
    p2 = agg64(g2, ei4, jnp.zeros((n, do), jnp.float32))

    out = pl.pallas_call(
        _fin_body,
        grid=grid,
        in_specs=[
            pl.BlockSpec((1, NC, bm, do), lambda i: (0, 0, i, 0)),
            pl.BlockSpec((bm, do), lambda i: (i, 0)),
            pl.BlockSpec((bm, 8), lambda i: (i, 0)),
            pl.BlockSpec((1, do), lambda i: (0, 0)),
        ],
        out_specs=pl.BlockSpec((bm, do), lambda i: (i, 0)),
        out_shape=jax.ShapeDtypeStruct((n, do), jnp.float32),
    )(p2, g2, dbc, b2.reshape(1, do))

    return out

# --- scband reference (transcript-rebuilt; emitter-appended) ---
"""Pipeline reference for scband-social-gnn-56444460204567 (READ-ONLY COPY).

The authoritative reference and input builder live on the scoring server;
editing this copy changes nothing except your own understanding.
"""

import jax, jax.numpy as jnp
import numpy as np

NUM_NODES = 10000
NUM_EDGES = 320000
D_FEAT = 128
HIDDEN = 256
NUM_CLASS = 63
OUT_DIM = NUM_CLASS + 1


def _glorot(key, shape):
    fan_in, fan_out = shape[0], shape[1]
    limit = jnp.sqrt(6.0 / (fan_in + fan_out))
    return jax.random.uniform(key, shape, dtype=jnp.float32, minval=-limit, maxval=limit)


def setup_inputs(seed: int = 0) -> dict:
    key = jax.random.key(seed)
    k_x, k_e, k_w1, k_w2 = jax.random.split(key, 4)
    x = jax.random.normal(k_x, (NUM_NODES, D_FEAT), dtype=jnp.float32)
    edge_index = jax.random.randint(k_e, (2, NUM_EDGES), 0, NUM_NODES, dtype=jnp.int64 if jax.config.jax_enable_x64 else jnp.int32).astype(jnp.int32)
    W1 = _glorot(k_w1, (D_FEAT, HIDDEN))
    b1 = jnp.zeros((HIDDEN,), dtype=jnp.float32)
    W2 = _glorot(k_w2, (HIDDEN, OUT_DIM))
    b2 = jnp.zeros((OUT_DIM,), dtype=jnp.float32)
    return {"x": x, "edge_index": edge_index, "W1": W1, "b1": b1, "W2": W2, "b2": b2}


def _gcn_conv(x, edge_index, W, b, num_nodes):
    # PyG-style GCNConv: add self-loops, symmetric normalization, linear transform,
    # scatter-add aggregation over destination nodes, bias.
    loop = jnp.arange(num_nodes, dtype=edge_index.dtype)
    src = jnp.concatenate([edge_index[0], loop])
    dst = jnp.concatenate([edge_index[1], loop])
    h = x @ W
    ones = jnp.ones_like(dst, dtype=jnp.float32)
    deg = jax.ops.segment_sum(ones, dst, num_segments=num_nodes)
    deg_inv_sqrt = jnp.where(deg > 0, 1.0 / jnp.sqrt(deg), 0.0)
    norm = deg_inv_sqrt[src] * deg_inv_sqrt[dst]
    msg = h[src] * norm[:, None]
    out = jax.ops.segment_sum(msg, dst, num_segments=num_nodes)
    return out + b


def reference(x, edge_index, W1, b1, W2, b2):
    x = x.astype(jnp.float32)
    h = _gcn_conv(x, edge_index, W1, b1, NUM_NODES)
    h = jax.nn.relu(h)
    out = _gcn_conv(h, edge_index, W2, b2, NUM_NODES)
    return out

if __name__ == "__main__":
    import jax
    _d = setup_inputs()
    print(jax.jit(kernel)(*tuple(_d.values())))

</pallas_src>

<mosaic_0001>
#map = affine_map<(d0, d1) -> (0, 0)>
#map1 = affine_map<(d0, d1) -> (0, 0, 0, 0)>
module attributes {stable_mosaic.version = 14 : i64} {
  func.func @raw(%arg0: i32, %arg1: i32, %arg2: memref<10000x128xf32, #tpu.memory_space<hbm>>, %arg3: memref<10000x128xf32, #tpu.memory_space<hbm>>, %arg4: memref<32x80x2x125xi32, #tpu.memory_space<hbm>>, %arg5: memref<10000x128xf32, #tpu.memory_space<hbm>>, %arg6: memref<2x2x10000x128xf32, #tpu.memory_space<hbm>>, %arg7: memref<125x128xf32, #tpu.memory_space<vmem>>, %arg8: memref<125x128xf32, #tpu.memory_space<vmem>>, %arg9: memref<125x128xf32, #tpu.memory_space<vmem>>, %arg10: memref<2x125xi32, #tpu.memory_space<vmem>>, %arg11: memref<2x125xi32, #tpu.memory_space<vmem>>, %arg12: memref<2x125xi32, #tpu.memory_space<vmem>>, %arg13: memref<2x125xi32, #tpu.memory_space<vmem>>, %arg14: memref<2x125xi32, #tpu.memory_space<vmem>>, %arg15: memref<2x125xi32, #tpu.memory_space<vmem>>, %arg16: memref<10000x128xf32, #tpu.memory_space<vmem_shared>>, %arg17: memref<!tpu.dma_semaphore, #tpu.memory_space<semaphore_mem>>, %arg18: memref<!tpu.dma_semaphore, #tpu.memory_space<semaphore_mem>>, %arg19: memref<!tpu.dma_semaphore, #tpu.memory_space<semaphore_mem>>, %arg20: memref<!tpu.dma_semaphore, #tpu.memory_space<semaphore_mem>>, %arg21: memref<!tpu.dma_semaphore, #tpu.memory_space<semaphore_mem>>, %arg22: memref<!tpu.dma_semaphore, #tpu.memory_space<semaphore_mem>>, %arg23: memref<!tpu.dma_semaphore, #tpu.memory_space<semaphore_mem>>, %arg24: memref<!tpu.dma_semaphore, #tpu.memory_space<semaphore_mem>>, %arg25: memref<!tpu.dma_semaphore, #tpu.memory_space<semaphore_mem>>, %arg26: memref<!tpu.dma_semaphore, #tpu.memory_space<semaphore_mem>>, %arg27: memref<!tpu.dma_semaphore, #tpu.memory_space<semaphore_mem>>, %arg28: memref<!tpu.dma_semaphore, #tpu.memory_space<semaphore_mem>>) attributes {dimension_semantics = [#tpu.dimension_semantics<core_parallel>, #tpu.dimension_semantics<subcore_parallel>], iteration_bounds = array<i64: 2, 16>, scalar_prefetch = 0 : i64, scratch_operands = 22 : i64, tpu.core_type = #tpu.core_type<sc_vector_subcore>, window_params = [{transform_indices = #map}, {transform_indices = #map}, {transform_indices = #map1}, {transform_indices = #map}, {transform_indices = #map1}]} {
    %mul3A = arith.constant 2 : i32
    %mul3A_0 = arith.muli %arg1, %mul3A : i32
    %add3A = arith.addi %mul3A_0, %arg0 : i32
    %mul3A_1 = arith.constant 625 : i32
    %mul3A_2 = arith.muli %arg1, %mul3A_1 : i32
    "tpu.region"() ({
      %run_scoped3A_250 = tpu.sem_alloc : memref<!tpu.dma_semaphore, #tpu.memory_space<semaphore_mem>>
      %dma_start3A_251 = arith.constant 0 : i32
      %dma_start3A_252 = tpu.memref_slice %arg16[%mul3A_2, %dma_start3A_251] : memref<10000x128xf32, #tpu.memory_space<vmem_shared>> -> memref<625x128xf32, #tpu.memory_space<vmem_shared>>
      %dma_start3A_253 = arith.constant 0 : i32
      %dma_start3A_254 = tpu.memref_slice %arg5[%mul3A_2, %dma_start3A_253] : memref<10000x128xf32, #tpu.memory_space<hbm>> -> memref<625x128xf32, #tpu.memory_space<hbm>>
      tpu.enqueue_dma source(%dma_start3A_254 : memref<625x128xf32, #tpu.memory_space<hbm>>) target(%dma_start3A_252 : memref<625x128xf32, #tpu.memory_space<vmem_shared>>) target_semaphore(%run_scoped3A_250 : memref<!tpu.dma_semaphore, #tpu.memory_space<semaphore_mem>>)
      %dma_wait3A_255 = arith.constant 0 : i32
      %dma_wait3A_256 = tpu.memref_slice %arg16[%mul3A_2, %dma_wait3A_255] : memref<10000x128xf32, #tpu.memory_space<vmem_shared>> -> memref<625x128xf32, #tpu.memory_space<vmem_shared>>
      %dma_wait3A_257 = arith.constant 0 : i32
      %dma_wait3A_258 = tpu.memref_slice %arg5[%mul3A_2, %dma_wait3A_257] : memref<10000x128xf32, #tpu.memory_space<hbm>> -> memref<625x128xf32, #tpu.memory_space<hbm>>
      tpu.wait_dma2 semaphore(%run_scoped3A_250 : memref<!tpu.dma_semaphore, #tpu.memory_space<semaphore_mem>>) src(%dma_wait3A_258 : memref<625x128xf32, #tpu.memory_space<hbm>>) dst(%dma_wait3A_256 : memref<625x128xf32, #tpu.memory_space<vmem_shared>>)
      tpu.yield
    }) : () -> ()
    %barrier3A = arith.constant 0 : index
    tpu.barrier barrier_id(%barrier3A)
    %dma_start3A = arith.constant 0 : i32
    %dma_start3A_3 = arith.constant 0 : i32
    %dma_start3A_4 = arith.constant 0 : i32
    %dma_start3A_5 = tpu.memref_slice %arg4[%add3A, %dma_start3A, %dma_start3A_3, %dma_start3A_4] : memref<32x80x2x125xi32, #tpu.memory_space<hbm>> -> memref<1x1x2x125xi32, #tpu.memory_space<hbm>>
    %dma_start3A_6 = tpu.memref_squeeze %dma_start3A_5 : memref<1x1x2x125xi32, #tpu.memory_space<hbm>> -> memref<2x125xi32, #tpu.memory_space<hbm>>
    %dma_start3A_7 = arith.constant 0 : i32
    %dma_start3A_8 = arith.constant 0 : i32
    %dma_start3A_9 = tpu.memref_slice %arg4[%add3A, %dma_start3A, %dma_start3A_7, %dma_start3A_8] : memref<32x80x2x125xi32, #tpu.memory_space<hbm>> -> memref<1x1x2x125xi32, #tpu.memory_space<hbm>>
    %dma_start3A_10 = tpu.memref_squeeze %dma_start3A_9 : memref<1x1x2x125xi32, #tpu.memory_space<hbm>> -> memref<2x125xi32, #tpu.memory_space<hbm>>
    tpu.enqueue_dma source(%dma_start3A_10 : memref<2x125xi32, #tpu.memory_space<hbm>>) target(%arg10 : memref<2x125xi32, #tpu.memory_space<vmem>>) target_semaphore(%arg23 : memref<!tpu.dma_semaphore, #tpu.memory_space<semaphore_mem>>)
    %dma_start3A_11 = arith.constant 1 : i32
    %dma_start3A_12 = arith.constant 0 : i32
    %dma_start3A_13 = arith.constant 0 : i32
    %dma_start3A_14 = tpu.memref_slice %arg4[%add3A, %dma_start3A_11, %dma_start3A_12, %dma_start3A_13] : memref<32x80x2x125xi32, #tpu.memory_space<hbm>> -> memref<1x1x2x125xi32, #tpu.memory_space<hbm>>
    %dma_start3A_15 = tpu.memref_squeeze %dma_start3A_14 : memref<1x1x2x125xi32, #tpu.memory_space<hbm>> -> memref<2x125xi32, #tpu.memory_space<hbm>>
    %dma_start3A_16 = arith.constant 0 : i32
    %dma_start3A_17 = arith.constant 0 : i32
    %dma_start3A_18 = tpu.memref_slice %arg4[%add3A, %dma_start3A_11, %dma_start3A_16, %dma_start3A_17] : memref<32x80x2x125xi32, #tpu.memory_space<hbm>> -> memref<1x1x2x125xi32, #tpu.memory_space<hbm>>
    %dma_start3A_19 = tpu.memref_squeeze %dma_start3A_18 : memref<1x1x2x125xi32, #tpu.memory_space<hbm>> -> memref<2x125xi32, #tpu.memory_space<hbm>>
    tpu.enqueue_dma source(%dma_start3A_19 : memref<2x125xi32, #tpu.memory_space<hbm>>) target(%arg11 : memref<2x125xi32, #tpu.memory_space<vmem>>) target_semaphore(%arg24 : memref<!tpu.dma_semaphore, #tpu.memory_space<semaphore_mem>>)
    %dma_start3A_20 = arith.constant 2 : i32
    %dma_start3A_21 = arith.constant 0 : i32
    %dma_start3A_22 = arith.constant 0 : i32
    %dma_start3A_23 = tpu.memref_slice %arg4[%add3A, %dma_start3A_20, %dma_start3A_21, %dma_start3A_22] : memref<32x80x2x125xi32, #tpu.memory_space<hbm>> -> memref<1x1x2x125xi32, #tpu.memory_space<hbm>>
    %dma_start3A_24 = tpu.memref_squeeze %dma_start3A_23 : memref<1x1x2x125xi32, #tpu.memory_space<hbm>> -> memref<2x125xi32, #tpu.memory_space<hbm>>
    %dma_start3A_25 = arith.constant 0 : i32
    %dma_start3A_26 = arith.constant 0 : i32
    %dma_start3A_27 = tpu.memref_slice %arg4[%add3A, %dma_start3A_20, %dma_start3A_25, %dma_start3A_26] : memref<32x80x2x125xi32, #tpu.memory_space<hbm>> -> memref<1x1x2x125xi32, #tpu.memory_space<hbm>>
    %dma_start3A_28 = tpu.memref_squeeze %dma_start3A_27 : memref<1x1x2x125xi32, #tpu.memory_space<hbm>> -> memref<2x125xi32, #tpu.memory_space<hbm>>
    tpu.enqueue_dma source(%dma_start3A_28 : memref<2x125xi32, #tpu.memory_space<hbm>>) target(%arg12 : memref<2x125xi32, #tpu.memory_space<vmem>>) target_semaphore(%arg25 : memref<!tpu.dma_semaphore, #tpu.memory_space<semaphore_mem>>)
    %dma_start3A_29 = arith.constant 3 : i32
    %dma_start3A_30 = arith.constant 0 : i32
    %dma_start3A_31 = arith.constant 0 : i32
    %dma_start3A_32 = tpu.memref_slice %arg4[%add3A, %dma_start3A_29, %dma_start3A_30, %dma_start3A_31] : memref<32x80x2x125xi32, #tpu.memory_space<hbm>> -> memref<1x1x2x125xi32, #tpu.memory_space<hbm>>
    %dma_start3A_33 = tpu.memref_squeeze %dma_start3A_32 : memref<1x1x2x125xi32, #tpu.memory_space<hbm>> -> memref<2x125xi32, #tpu.memory_space<hbm>>
    %dma_start3A_34 = arith.constant 0 : i32
    %dma_start3A_35 = arith.constant 0 : i32
    %dma_start3A_36 = tpu.memref_slice %arg4[%add3A, %dma_start3A_29, %dma_start3A_34, %dma_start3A_35] : memref<32x80x2x125xi32, #tpu.memory_space<hbm>> -> memref<1x1x2x125xi32, #tpu.memory_space<hbm>>
    %dma_start3A_37 = tpu.memref_squeeze %dma_start3A_36 : memref<1x1x2x125xi32, #tpu.memory_space<hbm>> -> memref<2x125xi32, #tpu.memory_space<hbm>>
    tpu.enqueue_dma source(%dma_start3A_37 : memref<2x125xi32, #tpu.memory_space<hbm>>) target(%arg13 : memref<2x125xi32, #tpu.memory_space<vmem>>) target_semaphore(%arg26 : memref<!tpu.dma_semaphore, #tpu.memory_space<semaphore_mem>>)
    %dma_wait3A = arith.constant 0 : i32
    %dma_wait3A_38 = arith.constant 0 : i32
    %dma_wait3A_39 = arith.constant 0 : i32
    %dma_wait3A_40 = tpu.memref_slice %arg4[%add3A, %dma_wait3A, %dma_wait3A_38, %dma_wait3A_39] : memref<32x80x2x125xi32, #tpu.memory_space<hbm>> -> memref<1x1x2x125xi32, #tpu.memory_space<hbm>>
    %dma_wait3A_41 = tpu.memref_squeeze %dma_wait3A_40 : memref<1x1x2x125xi32, #tpu.memory_space<hbm>> -> memref<2x125xi32, #tpu.memory_space<hbm>>
    %dma_wait3A_42 = arith.constant 0 : i32
    %dma_wait3A_43 = arith.constant 0 : i32
    %dma_wait3A_44 = tpu.memref_slice %arg4[%add3A, %dma_wait3A, %dma_wait3A_42, %dma_wait3A_43] : memref<32x80x2x125xi32, #tpu.memory_space<hbm>> -> memref<1x1x2x125xi32, #tpu.memory_space<hbm>>
    %dma_wait3A_45 = tpu.memref_squeeze %dma_wait3A_44 : memref<1x1x2x125xi32, #tpu.memory_space<hbm>> -> memref<2x125xi32, #tpu.memory_space<hbm>>
    tpu.wait_dma2 semaphore(%arg23 : memref<!tpu.dma_semaphore, #tpu.memory_space<semaphore_mem>>) src(%dma_wait3A_45 : memref<2x125xi32, #tpu.memory_space<hbm>>) dst(%arg10 : memref<2x125xi32, #tpu.memory_space<vmem>>)
    %dma_start3A_46 = arith.constant 0 : i32
    %dma_start3A_47 = arith.constant 0 : i32
    %dma_start3A_48 = tpu.memref_slice %arg10[%dma_start3A_46, %dma_start3A_47] : memref<2x125xi32, #tpu.memory_space<vmem>> -> memref<1x125xi32, #tpu.memory_space<vmem>>
    %dma_start3A_49 = tpu.memref_squeeze %dma_start3A_48 : memref<1x125xi32, #tpu.memory_space<vmem>> -> memref<125xi32, #tpu.memory_space<vmem>>
    %dma_start3A_50 = arith.constant 0 : i32
    %dma_start3A_51 = arith.constant 0 : i32
    %dma_start3A_52 = tpu.memref_slice %arg2[%dma_start3A_50, %dma_start3A_51] : memref<10000x128xf32, #tpu.memory_space<hbm>> -> memref<10000x128xf32, #tpu.memory_space<hbm>>
    tpu.enqueue_indirect_dma source(%dma_start3A_52 : memref<10000x128xf32, #tpu.memory_space<hbm>>) target(%arg7 : memref<125x128xf32, #tpu.memory_space<vmem>>) offsets(%dma_start3A_49 : memref<125xi32, #tpu.memory_space<vmem>>) semaphore(%arg17 : memref<!tpu.dma_semaphore, #tpu.memory_space<semaphore_mem>>)
    %dma_wait3A_53 = arith.constant 1 : i32
    %dma_wait3A_54 = arith.constant 0 : i32
    %dma_wait3A_55 = arith.constant 0 : i32
    %dma_wait3A_56 = tpu.memref_slice %arg4[%add3A, %dma_wait3A_53, %dma_wait3A_54, %dma_wait3A_55] : memref<32x80x2x125xi32, #tpu.memory_space<hbm>> -> memref<1x1x2x125xi32, #tpu.memory_space<hbm>>
    %dma_wait3A_57 = tpu.memref_squeeze %dma_wait3A_56 : memref<1x1x2x125xi32, #tpu.memory_space<hbm>> -> memref<2x125xi32, #tpu.memory_space<hbm>>
    %dma_wait3A_58 = arith.constant 0 : i32
    %dma_wait3A_59 = arith.constant 0 : i32
    %dma_wait3A_60 = tpu.memref_slice %arg4[%add3A, %dma_wait3A_53, %dma_wait3A_58, %dma_wait3A_59] : memref<32x80x2x125xi32, #tpu.memory_space<hbm>> -> memref<1x1x2x125xi32, #tpu.memory_space<hbm>>
    %dma_wait3A_61 = tpu.memref_squeeze %dma_wait3A_60 : memref<1x1x2x125xi32, #tpu.memory_space<hbm>> -> memref<2x125xi32, #tpu.memory_space<hbm>>
    tpu.wait_dma2 semaphore(%arg24 : memref<!tpu.dma_semaphore, #tpu.memory_space<semaphore_mem>>) src(%dma_wait3A_61 : memref<2x125xi32, #tpu.memory_space<hbm>>) dst(%arg11 : memref<2x125xi32, #tpu.memory_space<vmem>>)
    %dma_start3A_62 = arith.constant 0 : i32
    %dma_start3A_63 = arith.constant 0 : i32
    %dma_start3A_64 = tpu.memref_slice %arg11[%dma_start3A_62, %dma_start3A_63] : memref<2x125xi32, #tpu.memory_space<vmem>> -> memref<1x125xi32, #tpu.memory_space<vmem>>
    %dma_start3A_65 = tpu.memref_squeeze %dma_start3A_64 : memref<1x125xi32, #tpu.memory_space<vmem>> -> memref<125xi32, #tpu.memory_space<vmem>>
    %dma_start3A_66 = arith.constant 0 : i32
    %dma_start3A_67 = arith.constant 0 : i32
    %dma_start3A_68 = tpu.memref_slice %arg2[%dma_start3A_66, %dma_start3A_67] : memref<10000x128xf32, #tpu.memory_space<hbm>> -> memref<10000x128xf32, #tpu.memory_space<hbm>>
    tpu.enqueue_indirect_dma source(%dma_start3A_68 : memref<10000x128xf32, #tpu.memory_space<hbm>>) target(%arg8 : memref<125x128xf32, #tpu.memory_space<vmem>>) offsets(%dma_start3A_65 : memref<125xi32, #tpu.memory_space<vmem>>) semaphore(%arg18 : memref<!tpu.dma_semaphore, #tpu.memory_space<semaphore_mem>>)
    %scan3A = arith.constant 0 : i32
    %scan3A_69 = arith.constant 0 : i32
    %scan3A_70 = arith.constant 13 : i32
    %scan3A_71 = arith.addi %scan3A_69, %scan3A_70 : i32
    %scan3A_72 = arith.constant 1 : i32
    scf.for %scan3A_250 = %scan3A_69 to %scan3A_71 step %scan3A_72  : i32 {
      %mul3A_251 = arith.constant 6 : i32
      %mul3A_252 = arith.muli %scan3A_250, %mul3A_251 : i32
      %add3A_253 = arith.constant 0 : i32
      %add3A_254 = arith.addi %mul3A_252, %add3A_253 : i32
      %dma_wait3A_255 = arith.constant 0 : i32
      %dma_wait3A_256 = arith.constant 0 : i32
      %dma_wait3A_257 = tpu.memref_slice %arg10[%dma_wait3A_255, %dma_wait3A_256] : memref<2x125xi32, #tpu.memory_space<vmem>> -> memref<1x125xi32, #tpu.memory_space<vmem>>
      %dma_wait3A_258 = tpu.memref_squeeze %dma_wait3A_257 : memref<1x125xi32, #tpu.memory_space<vmem>> -> memref<125xi32, #tpu.memory_space<vmem>>
      %dma_wait3A_259 = arith.constant 0 : i32
      %dma_wait3A_260 = arith.constant 0 : i32
      %dma_wait3A_261 = tpu.memref_slice %arg2[%dma_wait3A_259, %dma_wait3A_260] : memref<10000x128xf32, #tpu.memory_space<hbm>> -> memref<10000x128xf32, #tpu.memory_space<hbm>>
      tpu.wait_indirect_dma semaphore(%arg17 : memref<!tpu.dma_semaphore, #tpu.memory_space<semaphore_mem>>) src(%dma_wait3A_261 : memref<10000x128xf32, #tpu.memory_space<hbm>>) dst(%arg7 : memref<125x128xf32, #tpu.memory_space<vmem>>)
      %dma_start3A_262 = arith.constant 1 : i32
      %dma_start3A_263 = arith.constant 0 : i32
      %dma_start3A_264 = tpu.memref_slice %arg10[%dma_start3A_262, %dma_start3A_263] : memref<2x125xi32, #tpu.memory_space<vmem>> -> memref<1x125xi32, #tpu.memory_space<vmem>>
      %dma_start3A_265 = tpu.memref_squeeze %dma_start3A_264 : memref<1x125xi32, #tpu.memory_space<vmem>> -> memref<125xi32, #tpu.memory_space<vmem>>
      %dma_start3A_266 = arith.constant 0 : i32
      %dma_start3A_267 = arith.constant 0 : i32
      %dma_start3A_268 = tpu.memref_slice %arg16[%dma_start3A_266, %dma_start3A_267] : memref<10000x128xf32, #tpu.memory_space<vmem_shared>> -> memref<10000x128xf32, #tpu.memory_space<vmem_shared>>
      tpu.enqueue_indirect_dma source(%arg7 : memref<125x128xf32, #tpu.memory_space<vmem>>) target(%dma_start3A_268 : memref<10000x128xf32, #tpu.memory_space<vmem_shared>>) offsets(%dma_start3A_265 : memref<125xi32, #tpu.memory_space<vmem>>) semaphore(%arg20 : memref<!tpu.dma_semaphore, #tpu.memory_space<semaphore_mem>>) {add = true}
      %add3A_269 = arith.constant 2 : i32
      %add3A_270 = arith.addi %add3A_254, %add3A_269 : i32
      %lt3A = arith.constant 80 : i32
      %lt3A_271 = arith.cmpi slt, %add3A_270, %lt3A : i32
      %convert_element_type3A = arith.extui %lt3A_271 : i1 to i32
      %cond3A = arith.constant 0 : i32
      %cond3A_272 = arith.cmpi ne, %convert_element_type3A, %cond3A : i32
      scf.if %cond3A_272 {
        %ge3A = arith.constant 1 : i32
        %ge3A_430 = arith.cmpi sge, %add3A_254, %ge3A : i32
        %convert_element_type3A_431 = arith.extui %ge3A_430 : i1 to i32
        %cond3A_432 = arith.constant 0 : i32
        %cond3A_433 = arith.cmpi ne, %convert_element_type3A_431, %cond3A_432 : i32
        scf.if %cond3A_433 {
          %sub3A = arith.constant 1 : i32
          %sub3A_453 = arith.subi %add3A_254, %sub3A : i32
          %dma_wait3A_454 = arith.constant 1 : i32
          %dma_wait3A_455 = arith.constant 0 : i32
          %dma_wait3A_456 = tpu.memref_slice %arg15[%dma_wait3A_454, %dma_wait3A_455] : memref<2x125xi32, #tpu.memory_space<vmem>> -> memref<1x125xi32, #tpu.memory_space<vmem>>
          %dma_wait3A_457 = tpu.memref_squeeze %dma_wait3A_456 : memref<1x125xi32, #tpu.memory_space<vmem>> -> memref<125xi32, #tpu.memory_space<vmem>>
          %dma_wait3A_458 = arith.constant 0 : i32
          %dma_wait3A_459 = arith.constant 0 : i32
          %dma_wait3A_460 = tpu.memref_slice %arg16[%dma_wait3A_458, %dma_wait3A_459] : memref<10000x128xf32, #tpu.memory_space<vmem_shared>> -> memref<10000x128xf32, #tpu.memory_space<vmem_shared>>
          tpu.wait_indirect_dma semaphore(%arg22 : memref<!tpu.dma_semaphore, #tpu.memory_space<semaphore_mem>>) src(%arg9 : memref<125x128xf32, #tpu.memory_space<vmem>>) dst(%dma_wait3A_460 : memref<10000x128xf32, #tpu.memory_space<vmem_shared>>)
        } else {
        }
        %add3A_434 = arith.constant 2 : i32
        %add3A_435 = arith.addi %add3A_254, %add3A_434 : i32
        %dma_wait3A_436 = arith.constant 0 : i32
        %dma_wait3A_437 = arith.constant 0 : i32
        %dma_wait3A_438 = tpu.memref_slice %arg4[%add3A, %add3A_435, %dma_wait3A_436, %dma_wait3A_437] : memref<32x80x2x125xi32, #tpu.memory_space<hbm>> -> memref<1x1x2x125xi32, #tpu.memory_space<hbm>>
        %dma_wait3A_439 = tpu.memref_squeeze %dma_wait3A_438 : memref<1x1x2x125xi32, #tpu.memory_space<hbm>> -> memref<2x125xi32, #tpu.memory_space<hbm>>
        %dma_wait3A_440 = arith.constant 0 : i32
        %dma_wait3A_441 = arith.constant 0 : i32
        %dma_wait3A_442 = tpu.memref_slice %arg4[%add3A, %add3A_435, %dma_wait3A_440, %dma_wait3A_441] : memref<32x80x2x125xi32, #tpu.memory_space<hbm>> -> memref<1x1x2x125xi32, #tpu.memory_space<hbm>>
        %dma_wait3A_443 = tpu.memref_squeeze %dma_wait3A_442 : memref<1x1x2x125xi32, #tpu.memory_space<hbm>> -> memref<2x125xi32, #tpu.memory_space<hbm>>
        tpu.wait_dma2 semaphore(%arg25 : memref<!tpu.dma_semaphore, #tpu.memory_space<semaphore_mem>>) src(%dma_wait3A_443 : memref<2x125xi32, #tpu.memory_space<hbm>>) dst(%arg12 : memref<2x125xi32, #tpu.memory_space<vmem>>)
        %add3A_444 = arith.constant 2 : i32
        %add3A_445 = arith.addi %add3A_254, %add3A_444 : i32
        %dma_start3A_446 = arith.constant 0 : i32
        %dma_start3A_447 = arith.constant 0 : i32
        %dma_start3A_448 = tpu.memref_slice %arg12[%dma_start3A_446, %dma_start3A_447] : memref<2x125xi32, #tpu.memory_space<vmem>> -> memref<1x125xi32, #tpu.memory_space<vmem>>
        %dma_start3A_449 = tpu.memref_squeeze %dma_start3A_448 : memref<1x125xi32, #tpu.memory_space<vmem>> -> memref<125xi32, #tpu.memory_space<vmem>>
        %dma_start3A_450 = arith.constant 0 : i32
        %dma_start3A_451 = arith.constant 0 : i32
        %dma_start3A_452 = tpu.memref_slice %arg2[%dma_start3A_450, %dma_start3A_451] : memref<10000x128xf32, #tpu.memory_space<hbm>> -> memref<10000x128xf32, #tpu.memory_space<hbm>>
        tpu.enqueue_indirect_dma source(%dma_start3A_452 : memref<10000x128xf32, #tpu.memory_space<hbm>>) target(%arg9 : memref<125x128xf32, #tpu.memory_space<vmem>>) offsets(%dma_start3A_449 : memref<125xi32, #tpu.memory_space<vmem>>) semaphore(%arg19 : memref<!tpu.dma_semaphore, #tpu.memory_space<semaphore_mem>>)
      } else {
      }
      %add3A_273 = arith.constant 4 : i32
      %add3A_274 = arith.addi %add3A_254, %add3A_273 : i32
      %lt3A_275 = arith.constant 80 : i32
      %lt3A_276 = arith.cmpi slt, %add3A_274, %lt3A_275 : i32
      %convert_element_type3A_277 = arith.extui %lt3A_276 : i1 to i32
      %cond3A_278 = arith.constant 0 : i32
      %cond3A_279 = arith.cmpi ne, %convert_element_type3A_277, %cond3A_278 : i32
      scf.if %cond3A_279 {
        %add3A_430 = arith.constant 4 : i32
        %add3A_431 = arith.addi %add3A_254, %add3A_430 : i32
        %dma_start3A_432 = arith.constant 0 : i32
        %dma_start3A_433 = arith.constant 0 : i32
        %dma_start3A_434 = tpu.memref_slice %arg4[%add3A, %add3A_431, %dma_start3A_432, %dma_start3A_433] : memref<32x80x2x125xi32, #tpu.memory_space<hbm>> -> memref<1x1x2x125xi32, #tpu.memory_space<hbm>>
        %dma_start3A_435 = tpu.memref_squeeze %dma_start3A_434 : memref<1x1x2x125xi32, #tpu.memory_space<hbm>> -> memref<2x125xi32, #tpu.memory_space<hbm>>
        %dma_start3A_436 = arith.constant 0 : i32
        %dma_start3A_437 = arith.constant 0 : i32
        %dma_start3A_438 = tpu.memref_slice %arg4[%add3A, %add3A_431, %dma_start3A_436, %dma_start3A_437] : memref<32x80x2x125xi32, #tpu.memory_space<hbm>> -> memref<1x1x2x125xi32, #tpu.memory_space<hbm>>
        %dma_start3A_439 = tpu.memref_squeeze %dma_start3A_438 : memref<1x1x2x125xi32, #tpu.memory_space<hbm>> -> memref<2x125xi32, #tpu.memory_space<hbm>>
        tpu.enqueue_dma source(%dma_start3A_439 : memref<2x125xi32, #tpu.memory_space<hbm>>) target(%arg14 : memref<2x125xi32, #tpu.memory_space<vmem>>) target_semaphore(%arg27 : memref<!tpu.dma_semaphore, #tpu.memory_space<semaphore_mem>>)
      } else {
      }
      %add3A_280 = arith.constant 1 : i32
      %add3A_281 = arith.addi %mul3A_252, %add3A_280 : i32
      %dma_wait3A_282 = arith.constant 0 : i32
      %dma_wait3A_283 = arith.constant 0 : i32
      %dma_wait3A_284 = tpu.memref_slice %arg11[%dma_wait3A_282, %dma_wait3A_283] : memref<2x125xi32, #tpu.memory_space<vmem>> -> memref<1x125xi32, #tpu.memory_space<vmem>>
      %dma_wait3A_285 = tpu.memref_squeeze %dma_wait3A_284 : memref<1x125xi32, #tpu.memory_space<vmem>> -> memref<125xi32, #tpu.memory_space<vmem>>
      %dma_wait3A_286 = arith.constant 0 : i32
      %dma_wait3A_287 = arith.constant 0 : i32
      %dma_wait3A_288 = tpu.memref_slice %arg2[%dma_wait3A_286, %dma_wait3A_287] : memref<10000x128xf32, #tpu.memory_space<hbm>> -> memref<10000x128xf32, #tpu.memory_space<hbm>>
      tpu.wait_indirect_dma semaphore(%arg18 : memref<!tpu.dma_semaphore, #tpu.memory_space<semaphore_mem>>) src(%dma_wait3A_288 : memref<10000x128xf32, #tpu.memory_space<hbm>>) dst(%arg8 : memref<125x128xf32, #tpu.memory_space<vmem>>)
      %dma_start3A_289 = arith.constant 1 : i32
      %dma_start3A_290 = arith.constant 0 : i32
      %dma_start3A_291 = tpu.memref_slice %arg11[%dma_start3A_289, %dma_start3A_290] : memref<2x125xi32, #tpu.memory_space<vmem>> -> memref<1x125xi32, #tpu.memory_space<vmem>>
      %dma_start3A_292 = tpu.memref_squeeze %dma_start3A_291 : memref<1x125xi32, #tpu.memory_space<vmem>> -> memref<125xi32, #tpu.memory_space<vmem>>
      %dma_start3A_293 = arith.constant 0 : i32
      %dma_start3A_294 = arith.constant 0 : i32
      %dma_start3A_295 = tpu.memref_slice %arg16[%dma_start3A_293, %dma_start3A_294] : memref<10000x128xf32, #tpu.memory_space<vmem_shared>> -> memref<10000x128xf32, #tpu.memory_space<vmem_shared>>
      tpu.enqueue_indirect_dma source(%arg8 : memref<125x128xf32, #tpu.memory_space<vmem>>) target(%dma_start3A_295 : memref<10000x128xf32, #tpu.memory_space<vmem_shared>>) offsets(%dma_start3A_292 : memref<125xi32, #tpu.memory_space<vmem>>) semaphore(%arg21 : memref<!tpu.dma_semaphore, #tpu.memory_space<semaphore_mem>>) {add = true}
      %add3A_296 = arith.constant 2 : i32
      %add3A_297 = arith.addi %add3A_281, %add3A_296 : i32
      %lt3A_298 = arith.constant 80 : i32
      %lt3A_299 = arith.cmpi slt, %add3A_297, %lt3A_298 : i32
      %convert_element_type3A_300 = arith.extui %lt3A_299 : i1 to i32
      %cond3A_301 = arith.constant 0 : i32
      %cond3A_302 = arith.cmpi ne, %convert_element_type3A_300, %cond3A_301 : i32
      scf.if %cond3A_302 {
        %ge3A = arith.constant 1 : i32
        %ge3A_430 = arith.cmpi sge, %add3A_281, %ge3A : i32
        %convert_element_type3A_431 = arith.extui %ge3A_430 : i1 to i32
        %cond3A_432 = arith.constant 0 : i32
        %cond3A_433 = arith.cmpi ne, %convert_element_type3A_431, %cond3A_432 : i32
        scf.if %cond3A_433 {
          %sub3A = arith.constant 1 : i32
          %sub3A_453 = arith.subi %add3A_281, %sub3A : i32
          %dma_wait3A_454 = arith.constant 1 : i32
          %dma_wait3A_455 = arith.constant 0 : i32
          %dma_wait3A_456 = tpu.memref_slice %arg10[%dma_wait3A_454, %dma_wait3A_455] : memref<2x125xi32, #tpu.memory_space<vmem>> -> memref<1x125xi32, #tpu.memory_space<vmem>>
          %dma_wait3A_457 = tpu.memref_squeeze %dma_wait3A_456 : memref<1x125xi32, #tpu.memory_space<vmem>> -> memref<125xi32, #tpu.memory_space<vmem>>
          %dma_wait3A_458 = arith.constant 0 : i32
          %dma_wait3A_459 = arith.constant 0 : i32
          %dma_wait3A_460 = tpu.memref_slice %arg16[%dma_wait3A_458, %dma_wait3A_459] : memref<10000x128xf32, #tpu.memory_space<vmem_shared>> -> memref<10000x128xf32, #tpu.memory_space<vmem_shared>>
          tpu.wait_indirect_dma semaphore(%arg20 : memref<!tpu.dma_semaphore, #tpu.memory_space<semaphore_mem>>) src(%arg7 : memref<125x128xf32, #tpu.memory_space<vmem>>) dst(%dma_wait3A_460 : memref<10000x128xf32, #tpu.memory_space<vmem_shared>>)
        } else {
        }
        %add3A_434 = arith.constant 2 : i32
        %add3A_435 = arith.addi %add3A_281, %add3A_434 : i32
        %dma_wait3A_436 = arith.constant 0 : i32
        %dma_wait3A_437 = arith.constant 0 : i32
        %dma_wait3A_438 = tpu.memref_slice %arg4[%add3A, %add3A_435, %dma_wait3A_436, %dma_wait3A_437] : memref<32x80x2x125xi32, #tpu.memory_space<hbm>> -> memref<1x1x2x125xi32, #tpu.memory_space<hbm>>
        %dma_wait3A_439 = tpu.memref_squeeze %dma_wait3A_438 : memref<1x1x2x125xi32, #tpu.memory_space<hbm>> -> memref<2x125xi32, #tpu.memory_space<hbm>>
        %dma_wait3A_440 = arith.constant 0 : i32
        %dma_wait3A_441 = arith.constant 0 : i32
        %dma_wait3A_442 = tpu.memref_slice %arg4[%add3A, %add3A_435, %dma_wait3A_440, %dma_wait3A_441] : memref<32x80x2x125xi32, #tpu.memory_space<hbm>> -> memref<1x1x2x125xi32, #tpu.memory_space<hbm>>
        %dma_wait3A_443 = tpu.memref_squeeze %dma_wait3A_442 : memref<1x1x2x125xi32, #tpu.memory_space<hbm>> -> memref<2x125xi32, #tpu.memory_space<hbm>>
        tpu.wait_dma2 semaphore(%arg26 : memref<!tpu.dma_semaphore, #tpu.memory_space<semaphore_mem>>) src(%dma_wait3A_443 : memref<2x125xi32, #tpu.memory_space<hbm>>) dst(%arg13 : memref<2x125xi32, #tpu.memory_space<vmem>>)
        %add3A_444 = arith.constant 2 : i32
        %add3A_445 = arith.addi %add3A_281, %add3A_444 : i32
        %dma_start3A_446 = arith.constant 0 : i32
        %dma_start3A_447 = arith.constant 0 : i32
        %dma_start3A_448 = tpu.memref_slice %arg13[%dma_start3A_446, %dma_start3A_447] : memref<2x125xi32, #tpu.memory_space<vmem>> -> memref<1x125xi32, #tpu.memory_space<vmem>>
        %dma_start3A_449 = tpu.memref_squeeze %dma_start3A_448 : memref<1x125xi32, #tpu.memory_space<vmem>> -> memref<125xi32, #tpu.memory_space<vmem>>
        %dma_start3A_450 = arith.constant 0 : i32
        %dma_start3A_451 = arith.constant 0 : i32
        %dma_start3A_452 = tpu.memref_slice %arg2[%dma_start3A_450, %dma_start3A_451] : memref<10000x128xf32, #tpu.memory_space<hbm>> -> memref<10000x128xf32, #tpu.memory_space<hbm>>
        tpu.enqueue_indirect_dma source(%dma_start3A_452 : memref<10000x128xf32, #tpu.memory_space<hbm>>) target(%arg7 : memref<125x128xf32, #tpu.memory_space<vmem>>) offsets(%dma_start3A_449 : memref<125xi32, #tpu.memory_space<vmem>>) semaphore(%arg17 : memref<!tpu.dma_semaphore, #tpu.memory_space<semaphore_mem>>)
      } else {
      }
      %add3A_303 = arith.constant 4 : i32
      %add3A_304 = arith.addi %add3A_281, %add3A_303 : i32
      %lt3A_305 = arith.constant 80 : i32
      %lt3A_306 = arith.cmpi slt, %add3A_304, %lt3A_305 : i32
      %convert_element_type3A_307 = arith.extui %lt3A_306 : i1 to i32
      %cond3A_308 = arith.constant 0 : i32
      %cond3A_309 = arith.cmpi ne, %convert_element_type3A_307, %cond3A_308 : i32
      scf.if %cond3A_309 {
        %add3A_430 = arith.constant 4 : i32
        %add3A_431 = arith.addi %add3A_281, %add3A_430 : i32
        %dma_start3A_432 = arith.constant 0 : i32
        %dma_start3A_433 = arith.constant 0 : i32
        %dma_start3A_434 = tpu.memref_slice %arg4[%add3A, %add3A_431, %dma_start3A_432, %dma_start3A_433] : memref<32x80x2x125xi32, #tpu.memory_space<hbm>> -> memref<1x1x2x125xi32, #tpu.memory_space<hbm>>
        %dma_start3A_435 = tpu.memref_squeeze %dma_start3A_434 : memref<1x1x2x125xi32, #tpu.memory_space<hbm>> -> memref<2x125xi32, #tpu.memory_space<hbm>>
        %dma_start3A_436 = arith.constant 0 : i32
        %dma_start3A_437 = arith.constant 0 : i32
        %dma_start3A_438 = tpu.memref_slice %arg4[%add3A, %add3A_431, %dma_start3A_436, %dma_start3A_437] : memref<32x80x2x125xi32, #tpu.memory_space<hbm>> -> memref<1x1x2x125xi32, #tpu.memory_space<hbm>>
        %dma_start3A_439 = tpu.memref_squeeze %dma_start3A_438 : memref<1x1x2x125xi32, #tpu.memory_space<hbm>> -> memref<2x125xi32, #tpu.memory_space<hbm>>
        tpu.enqueue_dma source(%dma_start3A_439 : memref<2x125xi32, #tpu.memory_space<hbm>>) target(%arg15 : memref<2x125xi32, #tpu.memory_space<vmem>>) target_semaphore(%arg28 : memref<!tpu.dma_semaphore, #tpu.memory_space<semaphore_mem>>)
      } else {
      }
      %add3A_310 = arith.constant 2 : i32
      %add3A_311 = arith.addi %mul3A_252, %add3A_310 : i32
      %dma_wait3A_312 = arith.constant 0 : i32
      %dma_wait3A_313 = arith.constant 0 : i32
      %dma_wait3A_314 = tpu.memref_slice %arg12[%dma_wait3A_312, %dma_wait3A_313] : memref<2x125xi32, #tpu.memory_space<vmem>> -> memref<1x125xi32, #tpu.memory_space<vmem>>
      %dma_wait3A_315 = tpu.memref_squeeze %dma_wait3A_314 : memref<1x125xi32, #tpu.memory_space<vmem>> -> memref<125xi32, #tpu.memory_space<vmem>>
      %dma_wait3A_316 = arith.constant 0 : i32
      %dma_wait3A_317 = arith.constant 0 : i32
      %dma_wait3A_318 = tpu.memref_slice %arg2[%dma_wait3A_316, %dma_wait3A_317] : memref<10000x128xf32, #tpu.memory_space<hbm>> -> memref<10000x128xf32, #tpu.memory_space<hbm>>
      tpu.wait_indirect_dma semaphore(%arg19 : memref<!tpu.dma_semaphore, #tpu.memory_space<semaphore_mem>>) src(%dma_wait3A_318 : memref<10000x128xf32, #tpu.memory_space<hbm>>) dst(%arg9 : memref<125x128xf32, #tpu.memory_space<vmem>>)
      %dma_start3A_319 = arith.constant 1 : i32
      %dma_start3A_320 = arith.constant 0 : i32
      %dma_start3A_321 = tpu.memref_slice %arg12[%dma_start3A_319, %dma_start3A_320] : memref<2x125xi32, #tpu.memory_space<vmem>> -> memref<1x125xi32, #tpu.memory_space<vmem>>
      %dma_start3A_322 = tpu.memref_squeeze %dma_start3A_321 : memref<1x125xi32, #tpu.memory_space<vmem>> -> memref<125xi32, #tpu.memory_space<vmem>>
      %dma_start3A_323 = arith.constant 0 : i32
      %dma_start3A_324 = arith.constant 0 : i32
      %dma_start3A_325 = tpu.memref_slice %arg16[%dma_start3A_323, %dma_start3A_324] : memref<10000x128xf32, #tpu.memory_space<vmem_shared>> -> memref<10000x128xf32, #tpu.memory_space<vmem_shared>>
      tpu.enqueue_indirect_dma source(%arg9 : memref<125x128xf32, #tpu.memory_space<vmem>>) target(%dma_start3A_325 : memref<10000x128xf32, #tpu.memory_space<vmem_shared>>) offsets(%dma_start3A_322 : memref<125xi32, #tpu.memory_space<vmem>>) semaphore(%arg22 : memref<!tpu.dma_semaphore, #tpu.memory_space<semaphore_mem>>) {add = true}
      %add3A_326 = arith.constant 2 : i32
      %add3A_327 = arith.addi %add3A_311, %add3A_326 : i32
      %lt3A_328 = arith.constant 80 : i32
      %lt3A_329 = arith.cmpi slt, %add3A_327, %lt3A_328 : i32
      %convert_element_type3A_330 = arith.extui %lt3A_329 : i1 to i32
      %cond3A_331 = arith.constant 0 : i32
      %cond3A_332 = arith.cmpi ne, %convert_element_type3A_330, %cond3A_331 : i32
      scf.if %cond3A_332 {
        %ge3A = arith.constant 1 : i32
        %ge3A_430 = arith.cmpi sge, %add3A_311, %ge3A : i32
        %convert_element_type3A_431 = arith.extui %ge3A_430 : i1 to i32
        %cond3A_432 = arith.constant 0 : i32
        %cond3A_433 = arith.cmpi ne, %convert_element_type3A_431, %cond3A_432 : i32
        scf.if %cond3A_433 {
          %sub3A = arith.constant 1 : i32
          %sub3A_453 = arith.subi %add3A_311, %sub3A : i32
          %dma_wait3A_454 = arith.constant 1 : i32
          %dma_wait3A_455 = arith.constant 0 : i32
          %dma_wait3A_456 = tpu.memref_slice %arg11[%dma_wait3A_454, %dma_wait3A_455] : memref<2x125xi32, #tpu.memory_space<vmem>> -> memref<1x125xi32, #tpu.memory_space<vmem>>
          %dma_wait3A_457 = tpu.memref_squeeze %dma_wait3A_456 : memref<1x125xi32, #tpu.memory_space<vmem>> -> memref<125xi32, #tpu.memory_space<vmem>>
          %dma_wait3A_458 = arith.constant 0 : i32
          %dma_wait3A_459 = arith.constant 0 : i32
          %dma_wait3A_460 = tpu.memref_slice %arg16[%dma_wait3A_458, %dma_wait3A_459] : memref<10000x128xf32, #tpu.memory_space<vmem_shared>> -> memref<10000x128xf32, #tpu.memory_space<vmem_shared>>
          tpu.wait_indirect_dma semaphore(%arg21 : memref<!tpu.dma_semaphore, #tpu.memory_space<semaphore_mem>>) src(%arg8 : memref<125x128xf32, #tpu.memory_space<vmem>>) dst(%dma_wait3A_460 : memref<10000x128xf32, #tpu.memory_space<vmem_shared>>)
        } else {
        }
        %add3A_434 = arith.constant 2 : i32
        %add3A_435 = arith.addi %add3A_311, %add3A_434 : i32
        %dma_wait3A_436 = arith.constant 0 : i32
        %dma_wait3A_437 = arith.constant 0 : i32
        %dma_wait3A_438 = tpu.memref_slice %arg4[%add3A, %add3A_435, %dma_wait3A_436, %dma_wait3A_437] : memref<32x80x2x125xi32, #tpu.memory_space<hbm>> -> memref<1x1x2x125xi32, #tpu.memory_space<hbm>>
        %dma_wait3A_439 = tpu.memref_squeeze %dma_wait3A_438 : memref<1x1x2x125xi32, #tpu.memory_space<hbm>> -> memref<2x125xi32, #tpu.memory_space<hbm>>
        %dma_wait3A_440 = arith.constant 0 : i32
        %dma_wait3A_441 = arith.constant 0 : i32
        %dma_wait3A_442 = tpu.memref_slice %arg4[%add3A, %add3A_435, %dma_wait3A_440, %dma_wait3A_441] : memref<32x80x2x125xi32, #tpu.memory_space<hbm>> -> memref<1x1x2x125xi32, #tpu.memory_space<hbm>>
        %dma_wait3A_443 = tpu.memref_squeeze %dma_wait3A_442 : memref<1x1x2x125xi32, #tpu.memory_space<hbm>> -> memref<2x125xi32, #tpu.memory_space<hbm>>
        tpu.wait_dma2 semaphore(%arg27 : memref<!tpu.dma_semaphore, #tpu.memory_space<semaphore_mem>>) src(%dma_wait3A_443 : memref<2x125xi32, #tpu.memory_space<hbm>>) dst(%arg14 : memref<2x125xi32, #tpu.memory_space<vmem>>)
        %add3A_444 = arith.constant 2 : i32
        %add3A_445 = arith.addi %add3A_311, %add3A_444 : i32
        %dma_start3A_446 = arith.constant 0 : i32
        %dma_start3A_447 = arith.constant 0 : i32
        %dma_start3A_448 = tpu.memref_slice %arg14[%dma_start3A_446, %dma_start3A_447] : memref<2x125xi32, #tpu.memory_space<vmem>> -> memref<1x125xi32, #tpu.memory_space<vmem>>
        %dma_start3A_449 = tpu.memref_squeeze %dma_start3A_448 : memref<1x125xi32, #tpu.memory_space<vmem>> -> memref<125xi32, #tpu.memory_space<vmem>>
        %dma_start3A_450 = arith.constant 0 : i32
        %dma_start3A_451 = arith.constant 0 : i32
        %dma_start3A_452 = tpu.memref_slice %arg2[%dma_start3A_450, %dma_start3A_451] : memref<10000x128xf32, #tpu.memory_space<hbm>> -> memref<10000x128xf32, #tpu.memory_space<hbm>>
        tpu.enqueue_indirect_dma source(%dma_start3A_452 : memref<10000x128xf32, #tpu.memory_space<hbm>>) target(%arg8 : memref<125x128xf32, #tpu.memory_space<vmem>>) offsets(%dma_start3A_449 : memref<125xi32, #tpu.memory_space<vmem>>) semaphore(%arg18 : memref<!tpu.dma_semaphore, #tpu.memory_space<semaphore_mem>>)
      } else {
      }
      %add3A_333 = arith.constant 4 : i32
      %add3A_334 = arith.addi %add3A_311, %add3A_333 : i32
      %lt3A_335 = arith.constant 80 : i32
      %lt3A_336 = arith.cmpi slt, %add3A_334, %lt3A_335 : i32
      %convert_element_type3A_337 = arith.extui %lt3A_336 : i1 to i32
      %cond3A_338 = arith.constant 0 : i32
      %cond3A_339 = arith.cmpi ne, %convert_element_type3A_337, %cond3A_338 : i32
      scf.if %cond3A_339 {
        %add3A_430 = arith.constant 4 : i32
        %add3A_431 = arith.addi %add3A_311, %add3A_430 : i32
        %dma_start3A_432 = arith.constant 0 : i32
        %dma_start3A_433 = arith.constant 0 : i32
        %dma_start3A_434 = tpu.memref_slice %arg4[%add3A, %add3A_431, %dma_start3A_432, %dma_start3A_433] : memref<32x80x2x125xi32, #tpu.memory_space<hbm>> -> memref<1x1x2x125xi32, #tpu.memory_space<hbm>>
        %dma_start3A_435 = tpu.memref_squeeze %dma_start3A_434 : memref<1x1x2x125xi32, #tpu.memory_space<hbm>> -> memref<2x125xi32, #tpu.memory_space<hbm>>
        %dma_start3A_436 = arith.constant 0 : i32
        %dma_start3A_437 = arith.constant 0 : i32
        %dma_start3A_438 = tpu.memref_slice %arg4[%add3A, %add3A_431, %dma_start3A_436, %dma_start3A_437] : memref<32x80x2x125xi32, #tpu.memory_space<hbm>> -> memref<1x1x2x125xi32, #tpu.memory_space<hbm>>
        %dma_start3A_439 = tpu.memref_squeeze %dma_start3A_438 : memref<1x1x2x125xi32, #tpu.memory_space<hbm>> -> memref<2x125xi32, #tpu.memory_space<hbm>>
        tpu.enqueue_dma source(%dma_start3A_439 : memref<2x125xi32, #tpu.memory_space<hbm>>) target(%arg10 : memref<2x125xi32, #tpu.memory_space<vmem>>) target_semaphore(%arg23 : memref<!tpu.dma_semaphore, #tpu.memory_space<semaphore_mem>>)
      } else {
      }
      %add3A_340 = arith.constant 3 : i32
      %add3A_341 = arith.addi %mul3A_252, %add3A_340 : i32
      %dma_wait3A_342 = arith.constant 0 : i32
      %dma_wait3A_343 = arith.constant 0 : i32
      %dma_wait3A_344 = tpu.memref_slice %arg13[%dma_wait3A_342, %dma_wait3A_343] : memref<2x125xi32, #tpu.memory_space<vmem>> -> memref<1x125xi32, #tpu.memory_space<vmem>>
      %dma_wait3A_345 = tpu.memref_squeeze %dma_wait3A_344 : memref<1x125xi32, #tpu.memory_space<vmem>> -> memref<125xi32, #tpu.memory_space<vmem>>
      %dma_wait3A_346 = arith.constant 0 : i32
      %dma_wait3A_347 = arith.constant 0 : i32
      %dma_wait3A_348 = tpu.memref_slice %arg2[%dma_wait3A_346, %dma_wait3A_347] : memref<10000x128xf32, #tpu.memory_space<hbm>> -> memref<10000x128xf32, #tpu.memory_space<hbm>>
      tpu.wait_indirect_dma semaphore(%arg17 : memref<!tpu.dma_semaphore, #tpu.memory_space<semaphore_mem>>) src(%dma_wait3A_348 : memref<10000x128xf32, #tpu.memory_space<hbm>>) dst(%arg7 : memref<125x128xf32, #tpu.memory_space<vmem>>)
      %dma_start3A_349 = arith.constant 1 : i32
      %dma_start3A_350 = arith.constant 0 : i32
      %dma_start3A_351 = tpu.memref_slice %arg13[%dma_start3A_349, %dma_start3A_350] : memref<2x125xi32, #tpu.memory_space<vmem>> -> memref<1x125xi32, #tpu.memory_space<vmem>>
      %dma_start3A_352 = tpu.memref_squeeze %dma_start3A_351 : memref<1x125xi32, #tpu.memory_space<vmem>> -> memref<125xi32, #tpu.memory_space<vmem>>
      %dma_start3A_353 = arith.constant 0 : i32
      %dma_start3A_354 = arith.constant 0 : i32
      %dma_start3A_355 = tpu.memref_slice %arg16[%dma_start3A_353, %dma_start3A_354] : memref<10000x128xf32, #tpu.memory_space<vmem_shared>> -> memref<10000x128xf32, #tpu.memory_space<vmem_shared>>
      tpu.enqueue_indirect_dma source(%arg7 : memref<125x128xf32, #tpu.memory_space<vmem>>) target(%dma_start3A_355 : memref<10000x128xf32, #tpu.memory_space<vmem_shared>>) offsets(%dma_start3A_352 : memref<125xi32, #tpu.memory_space<vmem>>) semaphore(%arg20 : memref<!tpu.dma_semaphore, #tpu.memory_space<semaphore_mem>>) {add = true}
      %add3A_356 = arith.constant 2 : i32
      %add3A_357 = arith.addi %add3A_341, %add3A_356 : i32
      %lt3A_358 = arith.constant 80 : i32
      %lt3A_359 = arith.cmpi slt, %add3A_357, %lt3A_358 : i32
      %convert_element_type3A_360 = arith.extui %lt3A_359 : i1 to i32
      %cond3A_361 = arith.constant 0 : i32
      %cond3A_362 = arith.cmpi ne, %convert_element_type3A_360, %cond3A_361 : i32
      scf.if %cond3A_362 {
        %ge3A = arith.constant 1 : i32
        %ge3A_430 = arith.cmpi sge, %add3A_341, %ge3A : i32
        %convert_element_type3A_431 = arith.extui %ge3A_430 : i1 to i32
        %cond3A_432 = arith.constant 0 : i32
        %cond3A_433 = arith.cmpi ne, %convert_element_type3A_431, %cond3A_432 : i32
        scf.if %cond3A_433 {
          %sub3A = arith.constant 1 : i32
          %sub3A_453 = arith.subi %add3A_341, %sub3A : i32
          %dma_wait3A_454 = arith.constant 1 : i32
          %dma_wait3A_455 = arith.constant 0 : i32
          %dma_wait3A_456 = tpu.memref_slice %arg12[%dma_wait3A_454, %dma_wait3A_455] : memref<2x125xi32, #tpu.memory_space<vmem>> -> memref<1x125xi32, #tpu.memory_space<vmem>>
          %dma_wait3A_457 = tpu.memref_squeeze %dma_wait3A_456 : memref<1x125xi32, #tpu.memory_space<vmem>> -> memref<125xi32, #tpu.memory_space<vmem>>
          %dma_wait3A_458 = arith.constant 0 : i32
          %dma_wait3A_459 = arith.constant 0 : i32
          %dma_wait3A_460 = tpu.memref_slice %arg16[%dma_wait3A_458, %dma_wait3A_459] : memref<10000x128xf32, #tpu.memory_space<vmem_shared>> -> memref<10000x128xf32, #tpu.memory_space<vmem_shared>>
          tpu.wait_indirect_dma semaphore(%arg22 : memref<!tpu.dma_semaphore, #tpu.memory_space<semaphore_mem>>) src(%arg9 : memref<125x128xf32, #tpu.memory_space<vmem>>) dst(%dma_wait3A_460 : memref<10000x128xf32, #tpu.memory_space<vmem_shared>>)
        } else {
        }
        %add3A_434 = arith.constant 2 : i32
        %add3A_435 = arith.addi %add3A_341, %add3A_434 : i32
        %dma_wait3A_436 = arith.constant 0 : i32
        %dma_wait3A_437 = arith.constant 0 : i32
        %dma_wait3A_438 = tpu.memref_slice %arg4[%add3A, %add3A_435, %dma_wait3A_436, %dma_wait3A_437] : memref<32x80x2x125xi32, #tpu.memory_space<hbm>> -> memref<1x1x2x125xi32, #tpu.memory_space<hbm>>
        %dma_wait3A_439 = tpu.memref_squeeze %dma_wait3A_438 : memref<1x1x2x125xi32, #tpu.memory_space<hbm>> -> memref<2x125xi32, #tpu.memory_space<hbm>>
        %dma_wait3A_440 = arith.constant 0 : i32
        %dma_wait3A_441 = arith.constant 0 : i32
        %dma_wait3A_442 = tpu.memref_slice %arg4[%add3A, %add3A_435, %dma_wait3A_440, %dma_wait3A_441] : memref<32x80x2x125xi32, #tpu.memory_space<hbm>> -> memref<1x1x2x125xi32, #tpu.memory_space<hbm>>
        %dma_wait3A_443 = tpu.memref_squeeze %dma_wait3A_442 : memref<1x1x2x125xi32, #tpu.memory_space<hbm>> -> memref<2x125xi32, #tpu.memory_space<hbm>>
        tpu.wait_dma2 semaphore(%arg28 : memref<!tpu.dma_semaphore, #tpu.memory_space<semaphore_mem>>) src(%dma_wait3A_443 : memref<2x125xi32, #tpu.memory_space<hbm>>) dst(%arg15 : memref<2x125xi32, #tpu.memory_space<vmem>>)
        %add3A_444 = arith.constant 2 : i32
        %add3A_445 = arith.addi %add3A_341, %add3A_444 : i32
        %dma_start3A_446 = arith.constant 0 : i32
        %dma_start3A_447 = arith.constant 0 : i32
        %dma_start3A_448 = tpu.memref_slice %arg15[%dma_start3A_446, %dma_start3A_447] : memref<2x125xi32, #tpu.memory_space<vmem>> -> memref<1x125xi32, #tpu.memory_space<vmem>>
        %dma_start3A_449 = tpu.memref_squeeze %dma_start3A_448 : memref<1x125xi32, #tpu.memory_space<vmem>> -> memref<125xi32, #tpu.memory_space<vmem>>
        %dma_start3A_450 = arith.constant 0 : i32
        %dma_start3A_451 = arith.constant 0 : i32
        %dma_start3A_452 = tpu.memref_slice %arg2[%dma_start3A_450, %dma_start3A_451] : memref<10000x128xf32, #tpu.memory_space<hbm>> -> memref<10000x128xf32, #tpu.memory_space<hbm>>
        tpu.enqueue_indirect_dma source(%dma_start3A_452 : memref<10000x128xf32, #tpu.memory_space<hbm>>) target(%arg9 : memref<125x128xf32, #tpu.memory_space<vmem>>) offsets(%dma_start3A_449 : memref<125xi32, #tpu.memory_space<vmem>>) semaphore(%arg19 : memref<!tpu.dma_semaphore, #tpu.memory_space<semaphore_mem>>)
      } else {
      }
      %add3A_363 = arith.constant 4 : i32
      %add3A_364 = arith.addi %add3A_341, %add3A_363 : i32
      %lt3A_365 = arith.constant 80 : i32
      %lt3A_366 = arith.cmpi slt, %add3A_364, %lt3A_365 : i32
      %convert_element_type3A_367 = arith.extui %lt3A_366 : i1 to i32
      %cond3A_368 = arith.constant 0 : i32
      %cond3A_369 = arith.cmpi ne, %convert_element_type3A_367, %cond3A_368 : i32
      scf.if %cond3A_369 {
        %add3A_430 = arith.constant 4 : i32
        %add3A_431 = arith.addi %add3A_341, %add3A_430 : i32
        %dma_start3A_432 = arith.constant 0 : i32
        %dma_start3A_433 = arith.constant 0 : i32
        %dma_start3A_434 = tpu.memref_slice %arg4[%add3A, %add3A_431, %dma_start3A_432, %dma_start3A_433] : memref<32x80x2x125xi32, #tpu.memory_space<hbm>> -> memref<1x1x2x125xi32, #tpu.memory_space<hbm>>
        %dma_start3A_435 = tpu.memref_squeeze %dma_start3A_434 : memref<1x1x2x125xi32, #tpu.memory_space<hbm>> -> memref<2x125xi32, #tpu.memory_space<hbm>>
        %dma_start3A_436 = arith.constant 0 : i32
        %dma_start3A_437 = arith.constant 0 : i32
        %dma_start3A_438 = tpu.memref_slice %arg4[%add3A, %add3A_431, %dma_start3A_436, %dma_start3A_437] : memref<32x80x2x125xi32, #tpu.memory_space<hbm>> -> memref<1x1x2x125xi32, #tpu.memory_space<hbm>>
        %dma_start3A_439 = tpu.memref_squeeze %dma_start3A_438 : memref<1x1x2x125xi32, #tpu.memory_space<hbm>> -> memref<2x125xi32, #tpu.memory_space<hbm>>
        tpu.enqueue_dma source(%dma_start3A_439 : memref<2x125xi32, #tpu.memory_space<hbm>>) target(%arg11 : memref<2x125xi32, #tpu.memory_space<vmem>>) target_semaphore(%arg24 : memref<!tpu.dma_semaphore, #tpu.memory_space<semaphore_mem>>)
      } else {
      }
      %add3A_370 = arith.constant 4 : i32
      %add3A_371 = arith.addi %mul3A_252, %add3A_370 : i32
      %dma_wait3A_372 = arith.constant 0 : i32
      %dma_wait3A_373 = arith.constant 0 : i32
      %dma_wait3A_374 = tpu.memref_slice %arg14[%dma_wait3A_372, %dma_wait3A_373] : memref<2x125xi32, #tpu.memory_space<vmem>> -> memref<1x125xi32, #tpu.memory_space<vmem>>
      %dma_wait3A_375 = tpu.memref_squeeze %dma_wait3A_374 : memref<1x125xi32, #tpu.memory_space<vmem>> -> memref<125xi32, #tpu.memory_space<vmem>>
      %dma_wait3A_376 = arith.constant 0 : i32
      %dma_wait3A_377 = arith.constant 0 : i32
      %dma_wait3A_378 = tpu.memref_slice %arg2[%dma_wait3A_376, %dma_wait3A_377] : memref<10000x128xf32, #tpu.memory_space<hbm>> -> memref<10000x128xf32, #tpu.memory_space<hbm>>
      tpu.wait_indirect_dma semaphore(%arg18 : memref<!tpu.dma_semaphore, #tpu.memory_space<semaphore_mem>>) src(%dma_wait3A_378 : memref<10000x128xf32, #tpu.memory_space<hbm>>) dst(%arg8 : memref<125x128xf32, #tpu.memory_space<vmem>>)
      %dma_start3A_379 = arith.constant 1 : i32
      %dma_start3A_380 = arith.constant 0 : i32
      %dma_start3A_381 = tpu.memref_slice %arg14[%dma_start3A_379, %dma_start3A_380] : memref<2x125xi32, #tpu.memory_space<vmem>> -> memref<1x125xi32, #tpu.memory_space<vmem>>
      %dma_start3A_382 = tpu.memref_squeeze %dma_start3A_381 : memref<1x125xi32, #tpu.memory_space<vmem>> -> memref<125xi32, #tpu.memory_space<vmem>>
      %dma_start3A_383 = arith.constant 0 : i32
      %dma_start3A_384 = arith.constant 0 : i32
      %dma_start3A_385 = tpu.memref_slice %arg16[%dma_start3A_383, %dma_start3A_384] : memref<10000x128xf32, #tpu.memory_space<vmem_shared>> -> memref<10000x128xf32, #tpu.memory_space<vmem_shared>>
      tpu.enqueue_indirect_dma source(%arg8 : memref<125x128xf32, #tpu.memory_space<vmem>>) target(%dma_start3A_385 : memref<10000x128xf32, #tpu.memory_space<vmem_shared>>) offsets(%dma_start3A_382 : memref<125xi32, #tpu.memory_space<vmem>>) semaphore(%arg21 : memref<!tpu.dma_semaphore, #tpu.memory_space<semaphore_mem>>) {add = true}
      %add3A_386 = arith.constant 2 : i32
      %add3A_387 = arith.addi %add3A_371, %add3A_386 : i32
      %lt3A_388 = arith.constant 80 : i32
      %lt3A_389 = arith.cmpi slt, %add3A_387, %lt3A_388 : i32
      %convert_element_type3A_390 = arith.extui %lt3A_389 : i1 to i32
      %cond3A_391 = arith.constant 0 : i32
      %cond3A_392 = arith.cmpi ne, %convert_element_type3A_390, %cond3A_391 : i32
      scf.if %cond3A_392 {
        %ge3A = arith.constant 1 : i32
        %ge3A_430 = arith.cmpi sge, %add3A_371, %ge3A : i32
        %convert_element_type3A_431 = arith.extui %ge3A_430 : i1 to i32
        %cond3A_432 = arith.constant 0 : i32
        %cond3A_433 = arith.cmpi ne, %convert_element_type3A_431, %cond3A_432 : i32
        scf.if %cond3A_433 {
          %sub3A = arith.constant 1 : i32
          %sub3A_453 = arith.subi %add3A_371, %sub3A : i32
          %dma_wait3A_454 = arith.constant 1 : i32
          %dma_wait3A_455 = arith.constant 0 : i32
          %dma_wait3A_456 = tpu.memref_slice %arg13[%dma_wait3A_454, %dma_wait3A_455] : memref<2x125xi32, #tpu.memory_space<vmem>> -> memref<1x125xi32, #tpu.memory_space<vmem>>
          %dma_wait3A_457 = tpu.memref_squeeze %dma_wait3A_456 : memref<1x125xi32, #tpu.memory_space<vmem>> -> memref<125xi32, #tpu.memory_space<vmem>>
          %dma_wait3A_458 = arith.constant 0 : i32
          %dma_wait3A_459 = arith.constant 0 : i32
          %dma_wait3A_460 = tpu.memref_slice %arg16[%dma_wait3A_458, %dma_wait3A_459] : memref<10000x128xf32, #tpu.memory_space<vmem_shared>> -> memref<10000x128xf32, #tpu.memory_space<vmem_shared>>
          tpu.wait_indirect_dma semaphore(%arg20 : memref<!tpu.dma_semaphore, #tpu.memory_space<semaphore_mem>>) src(%arg7 : memref<125x128xf32, #tpu.memory_space<vmem>>) dst(%dma_wait3A_460 : memref<10000x128xf32, #tpu.memory_space<vmem_shared>>)
        } else {
        }
        %add3A_434 = arith.constant 2 : i32
        %add3A_435 = arith.addi %add3A_371, %add3A_434 : i32
        %dma_wait3A_436 = arith.constant 0 : i32
        %dma_wait3A_437 = arith.constant 0 : i32
        %dma_wait3A_438 = tpu.memref_slice %arg4[%add3A, %add3A_435, %dma_wait3A_436, %dma_wait3A_437] : memref<32x80x2x125xi32, #tpu.memory_space<hbm>> -> memref<1x1x2x125xi32, #tpu.memory_space<hbm>>
        %dma_wait3A_439 = tpu.memref_squeeze %dma_wait3A_438 : memref<1x1x2x125xi32, #tpu.memory_space<hbm>> -> memref<2x125xi32, #tpu.memory_space<hbm>>
        %dma_wait3A_440 = arith.constant 0 : i32
        %dma_wait3A_441 = arith.constant 0 : i32
        %dma_wait3A_442 = tpu.memref_slice %arg4[%add3A, %add3A_435, %dma_wait3A_440, %dma_wait3A_441] : memref<32x80x2x125xi32, #tpu.memory_space<hbm>> -> memref<1x1x2x125xi32, #tpu.memory_space<hbm>>
        %dma_wait3A_443 = tpu.memref_squeeze %dma_wait3A_442 : memref<1x1x2x125xi32, #tpu.memory_space<hbm>> -> memref<2x125xi32, #tpu.memory_space<hbm>>
        tpu.wait_dma2 semaphore(%arg23 : memref<!tpu.dma_semaphore, #tpu.memory_space<semaphore_mem>>) src(%dma_wait3A_443 : memref<2x125xi32, #tpu.memory_space<hbm>>) dst(%arg10 : memref<2x125xi32, #tpu.memory_space<vmem>>)
        %add3A_444 = arith.constant 2 : i32
        %add3A_445 = arith.addi %add3A_371, %add3A_444 : i32
        %dma_start3A_446 = arith.constant 0 : i32
        %dma_start3A_447 = arith.constant 0 : i32
        %dma_start3A_448 = tpu.memref_slice %arg10[%dma_start3A_446, %dma_start3A_447] : memref<2x125xi32, #tpu.memory_space<vmem>> -> memref<1x125xi32, #tpu.memory_space<vmem>>
        %dma_start3A_449 = tpu.memref_squeeze %dma_start3A_448 : memref<1x125xi32, #tpu.memory_space<vmem>> -> memref<125xi32, #tpu.memory_space<vmem>>
        %dma_start3A_450 = arith.constant 0 : i32
        %dma_start3A_451 = arith.constant 0 : i32
        %dma_start3A_452 = tpu.memref_slice %arg2[%dma_start3A_450, %dma_start3A_451] : memref<10000x128xf32, #tpu.memory_space<hbm>> -> memref<10000x128xf32, #tpu.memory_space<hbm>>
        tpu.enqueue_indirect_dma source(%dma_start3A_452 : memref<10000x128xf32, #tpu.memory_space<hbm>>) target(%arg7 : memref<125x128xf32, #tpu.memory_space<vmem>>) offsets(%dma_start3A_449 : memref<125xi32, #tpu.memory_space<vmem>>) semaphore(%arg17 : memref<!tpu.dma_semaphore, #tpu.memory_space<semaphore_mem>>)
      } else {
      }
      %add3A_393 = arith.constant 4 : i32
      %add3A_394 = arith.addi %add3A_371, %add3A_393 : i32
      %lt3A_395 = arith.constant 80 : i32
      %lt3A_396 = arith.cmpi slt, %add3A_394, %lt3A_395 : i32
      %convert_element_type3A_397 = arith.extui %lt3A_396 : i1 to i32
      %cond3A_398 = arith.constant 0 : i32
      %cond3A_399 = arith.cmpi ne, %convert_element_type3A_397, %cond3A_398 : i32
      scf.if %cond3A_399 {
        %add3A_430 = arith.constant 4 : i32
        %add3A_431 = arith.addi %add3A_371, %add3A_430 : i32
        %dma_start3A_432 = arith.constant 0 : i32
        %dma_start3A_433 = arith.constant 0 : i32
        %dma_start3A_434 = tpu.memref_slice %arg4[%add3A, %add3A_431, %dma_start3A_432, %dma_start3A_433] : memref<32x80x2x125xi32, #tpu.memory_space<hbm>> -> memref<1x1x2x125xi32, #tpu.memory_space<hbm>>
        %dma_start3A_435 = tpu.memref_squeeze %dma_start3A_434 : memref<1x1x2x125xi32, #tpu.memory_space<hbm>> -> memref<2x125xi32, #tpu.memory_space<hbm>>
        %dma_start3A_436 = arith.constant 0 : i32
        %dma_start3A_437 = arith.constant 0 : i32
        %dma_start3A_438 = tpu.memref_slice %arg4[%add3A, %add3A_431, %dma_start3A_436, %dma_start3A_437] : memref<32x80x2x125xi32, #tpu.memory_space<hbm>> -> memref<1x1x2x125xi32, #tpu.memory_space<hbm>>
        %dma_start3A_439 = tpu.memref_squeeze %dma_start3A_438 : memref<1x1x2x125xi32, #tpu.memory_space<hbm>> -> memref<2x125xi32, #tpu.memory_space<hbm>>
        tpu.enqueue_dma source(%dma_start3A_439 : memref<2x125xi32, #tpu.memory_space<hbm>>) target(%arg12 : memref<2x125xi32, #tpu.memory_space<vmem>>) target_semaphore(%arg25 : memref<!tpu.dma_semaphore, #tpu.memory_space<semaphore_mem>>)
      } else {
      }
      %add3A_400 = arith.constant 5 : i32
      %add3A_401 = arith.addi %mul3A_252, %add3A_400 : i32
      %dma_wait3A_402 = arith.constant 0 : i32
      %dma_wait3A_403 = arith.constant 0 : i32
      %dma_wait3A_404 = tpu.memref_slice %arg15[%dma_wait3A_402, %dma_wait3A_403] : memref<2x125xi32, #tpu.memory_space<vmem>> -> memref<1x125xi32, #tpu.memory_space<vmem>>
      %dma_wait3A_405 = tpu.memref_squeeze %dma_wait3A_404 : memref<1x125xi32, #tpu.memory_space<vmem>> -> memref<125xi32, #tpu.memory_space<vmem>>
      %dma_wait3A_406 = arith.constant 0 : i32
      %dma_wait3A_407 = arith.constant 0 : i32
      %dma_wait3A_408 = tpu.memref_slice %arg2[%dma_wait3A_406, %dma_wait3A_407] : memref<10000x128xf32, #tpu.memory_space<hbm>> -> memref<10000x128xf32, #tpu.memory_space<hbm>>
      tpu.wait_indirect_dma semaphore(%arg19 : memref<!tpu.dma_semaphore, #tpu.memory_space<semaphore_mem>>) src(%dma_wait3A_408 : memref<10000x128xf32, #tpu.memory_space<hbm>>) dst(%arg9 : memref<125x128xf32, #tpu.memory_space<vmem>>)
      %dma_start3A_409 = arith.constant 1 : i32
      %dma_start3A_410 = arith.constant 0 : i32
      %dma_start3A_411 = tpu.memref_slice %arg15[%dma_start3A_409, %dma_start3A_410] : memref<2x125xi32, #tpu.memory_space<vmem>> -> memref<1x125xi32, #tpu.memory_space<vmem>>
      %dma_start3A_412 = tpu.memref_squeeze %dma_start3A_411 : memref<1x125xi32, #tpu.memory_space<vmem>> -> memref<125xi32, #tpu.memory_space<vmem>>
      %dma_start3A_413 = arith.constant 0 : i32
      %dma_start3A_414 = arith.constant 0 : i32
      %dma_start3A_415 = tpu.memref_slice %arg16[%dma_start3A_413, %dma_start3A_414] : memref<10000x128xf32, #tpu.memory_space<vmem_shared>> -> memref<10000x128xf32, #tpu.memory_space<vmem_shared>>
      tpu.enqueue_indirect_dma source(%arg9 : memref<125x128xf32, #tpu.memory_space<vmem>>) target(%dma_start3A_415 : memref<10000x128xf32, #tpu.memory_space<vmem_shared>>) offsets(%dma_start3A_412 : memref<125xi32, #tpu.memory_space<vmem>>) semaphore(%arg22 : memref<!tpu.dma_semaphore, #tpu.memory_space<semaphore_mem>>) {add = true}
      %add3A_416 = arith.constant 2 : i32
      %add3A_417 = arith.addi %add3A_401, %add3A_416 : i32
      %lt3A_418 = arith.constant 80 : i32
      %lt3A_419 = arith.cmpi slt, %add3A_417, %lt3A_418 : i32
      %convert_element_type3A_420 = arith.extui %lt3A_419 : i1 to i32
      %cond3A_421 = arith.constant 0 : i32
      %cond3A_422 = arith.cmpi ne, %convert_element_type3A_420, %cond3A_421 : i32
      scf.if %cond3A_422 {
        %ge3A = arith.constant 1 : i32
        %ge3A_430 = arith.cmpi sge, %add3A_401, %ge3A : i32
        %convert_element_type3A_431 = arith.extui %ge3A_430 : i1 to i32
        %cond3A_432 = arith.constant 0 : i32
        %cond3A_433 = arith.cmpi ne, %convert_element_type3A_431, %cond3A_432 : i32
        scf.if %cond3A_433 {
          %sub3A = arith.constant 1 : i32
          %sub3A_453 = arith.subi %add3A_401, %sub3A : i32
          %dma_wait3A_454 = arith.constant 1 : i32
          %dma_wait3A_455 = arith.constant 0 : i32
          %dma_wait3A_456 = tpu.memref_slice %arg14[%dma_wait3A_454, %dma_wait3A_455] : memref<2x125xi32, #tpu.memory_space<vmem>> -> memref<1x125xi32, #tpu.memory_space<vmem>>
          %dma_wait3A_457 = tpu.memref_squeeze %dma_wait3A_456 : memref<1x125xi32, #tpu.memory_space<vmem>> -> memref<125xi32, #tpu.memory_space<vmem>>
          %dma_wait3A_458 = arith.constant 0 : i32
          %dma_wait3A_459 = arith.constant 0 : i32
          %dma_wait3A_460 = tpu.memref_slice %arg16[%dma_wait3A_458, %dma_wait3A_459] : memref<10000x128xf32, #tpu.memory_space<vmem_shared>> -> memref<10000x128xf32, #tpu.memory_space<vmem_shared>>
          tpu.wait_indirect_dma semaphore(%arg21 : memref<!tpu.dma_semaphore, #tpu.memory_space<semaphore_mem>>) src(%arg8 : memref<125x128xf32, #tpu.memory_space<vmem>>) dst(%dma_wait3A_460 : memref<10000x128xf32, #tpu.memory_space<vmem_shared>>)
        } else {
        }
        %add3A_434 = arith.constant 2 : i32
        %add3A_435 = arith.addi %add3A_401, %add3A_434 : i32
        %dma_wait3A_436 = arith.constant 0 : i32
        %dma_wait3A_437 = arith.constant 0 : i32
        %dma_wait3A_438 = tpu.memref_slice %arg4[%add3A, %add3A_435, %dma_wait3A_436, %dma_wait3A_437] : memref<32x80x2x125xi32, #tpu.memory_space<hbm>> -> memref<1x1x2x125xi32, #tpu.memory_space<hbm>>
        %dma_wait3A_439 = tpu.memref_squeeze %dma_wait3A_438 : memref<1x1x2x125xi32, #tpu.memory_space<hbm>> -> memref<2x125xi32, #tpu.memory_space<hbm>>
        %dma_wait3A_440 = arith.constant 0 : i32
        %dma_wait3A_441 = arith.constant 0 : i32
        %dma_wait3A_442 = tpu.memref_slice %arg4[%add3A, %add3A_435, %dma_wait3A_440, %dma_wait3A_441] : memref<32x80x2x125xi32, #tpu.memory_space<hbm>> -> memref<1x1x2x125xi32, #tpu.memory_space<hbm>>
        %dma_wait3A_443 = tpu.memref_squeeze %dma_wait3A_442 : memref<1x1x2x125xi32, #tpu.memory_space<hbm>> -> memref<2x125xi32, #tpu.memory_space<hbm>>
        tpu.wait_dma2 semaphore(%arg24 : memref<!tpu.dma_semaphore, #tpu.memory_space<semaphore_mem>>) src(%dma_wait3A_443 : memref<2x125xi32, #tpu.memory_space<hbm>>) dst(%arg11 : memref<2x125xi32, #tpu.memory_space<vmem>>)
        %add3A_444 = arith.constant 2 : i32
        %add3A_445 = arith.addi %add3A_401, %add3A_444 : i32
        %dma_start3A_446 = arith.constant 0 : i32
        %dma_start3A_447 = arith.constant 0 : i32
        %dma_start3A_448 = tpu.memref_slice %arg11[%dma_start3A_446, %dma_start3A_447] : memref<2x125xi32, #tpu.memory_space<vmem>> -> memref<1x125xi32, #tpu.memory_space<vmem>>
        %dma_start3A_449 = tpu.memref_squeeze %dma_start3A_448 : memref<1x125xi32, #tpu.memory_space<vmem>> -> memref<125xi32, #tpu.memory_space<vmem>>
        %dma_start3A_450 = arith.constant 0 : i32
        %dma_start3A_451 = arith.constant 0 : i32
        %dma_start3A_452 = tpu.memref_slice %arg2[%dma_start3A_450, %dma_start3A_451] : memref<10000x128xf32, #tpu.memory_space<hbm>> -> memref<10000x128xf32, #tpu.memory_space<hbm>>
        tpu.enqueue_indirect_dma source(%dma_start3A_452 : memref<10000x128xf32, #tpu.memory_space<hbm>>) target(%arg8 : memref<125x128xf32, #tpu.memory_space<vmem>>) offsets(%dma_start3A_449 : memref<125xi32, #tpu.memory_space<vmem>>) semaphore(%arg18 : memref<!tpu.dma_semaphore, #tpu.memory_space<semaphore_mem>>)
      } else {
      }
      %add3A_423 = arith.constant 4 : i32
      %add3A_424 = arith.addi %add3A_401, %add3A_423 : i32
      %lt3A_425 = arith.constant 80 : i32
      %lt3A_426 = arith.cmpi slt, %add3A_424, %lt3A_425 : i32
      %convert_element_type3A_427 = arith.extui %lt3A_426 : i1 to i32
      %cond3A_428 = arith.constant 0 : i32
      %cond3A_429 = arith.cmpi ne, %convert_element_type3A_427, %cond3A_428 : i32
      scf.if %cond3A_429 {
        %add3A_430 = arith.constant 4 : i32
        %add3A_431 = arith.addi %add3A_401, %add3A_430 : i32
        %dma_start3A_432 = arith.constant 0 : i32
        %dma_start3A_433 = arith.constant 0 : i32
        %dma_start3A_434 = tpu.memref_slice %arg4[%add3A, %add3A_431, %dma_start3A_432, %dma_start3A_433] : memref<32x80x2x125xi32, #tpu.memory_space<hbm>> -> memref<1x1x2x125xi32, #tpu.memory_space<hbm>>
        %dma_start3A_435 = tpu.memref_squeeze %dma_start3A_434 : memref<1x1x2x125xi32, #tpu.memory_space<hbm>> -> memref<2x125xi32, #tpu.memory_space<hbm>>
        %dma_start3A_436 = arith.constant 0 : i32
        %dma_start3A_437 = arith.constant 0 : i32
        %dma_start3A_438 = tpu.memref_slice %arg4[%add3A, %add3A_431, %dma_start3A_436, %dma_start3A_437] : memref<32x80x2x125xi32, #tpu.memory_space<hbm>> -> memref<1x1x2x125xi32, #tpu.memory_space<hbm>>
        %dma_start3A_439 = tpu.memref_squeeze %dma_start3A_438 : memref<1x1x2x125xi32, #tpu.memory_space<hbm>> -> memref<2x125xi32, #tpu.memory_space<hbm>>
        tpu.enqueue_dma source(%dma_start3A_439 : memref<2x125xi32, #tpu.memory_space<hbm>>) target(%arg13 : memref<2x125xi32, #tpu.memory_space<vmem>>) target_semaphore(%arg26 : memref<!tpu.dma_semaphore, #tpu.memory_space<semaphore_mem>>)
      } else {
      }
    }
    %scan3A_73 = arith.constant 13 : i32
    %dma_wait3A_74 = arith.constant 0 : i32
    %dma_wait3A_75 = arith.constant 0 : i32
    %dma_wait3A_76 = tpu.memref_slice %arg10[%dma_wait3A_74, %dma_wait3A_75] : memref<2x125xi32, #tpu.memory_space<vmem>> -> memref<1x125xi32, #tpu.memory_space<vmem>>
    %dma_wait3A_77 = tpu.memref_squeeze %dma_wait3A_76 : memref<1x125xi32, #tpu.memory_space<vmem>> -> memref<125xi32, #tpu.memory_space<vmem>>
    %dma_wait3A_78 = arith.constant 0 : i32
    %dma_wait3A_79 = arith.constant 0 : i32
    %dma_wait3A_80 = tpu.memref_slice %arg2[%dma_wait3A_78, %dma_wait3A_79] : memref<10000x128xf32, #tpu.memory_space<hbm>> -> memref<10000x128xf32, #tpu.memory_space<hbm>>
    tpu.wait_indirect_dma semaphore(%arg17 : memref<!tpu.dma_semaphore, #tpu.memory_space<semaphore_mem>>) src(%dma_wait3A_80 : memref<10000x128xf32, #tpu.memory_space<hbm>>) dst(%arg7 : memref<125x128xf32, #tpu.memory_space<vmem>>)
    %dma_start3A_81 = arith.constant 1 : i32
    %dma_start3A_82 = arith.constant 0 : i32
    %dma_start3A_83 = tpu.memref_slice %arg10[%dma_start3A_81, %dma_start3A_82] : memref<2x125xi32, #tpu.memory_space<vmem>> -> memref<1x125xi32, #tpu.memory_space<vmem>>
    %dma_start3A_84 = tpu.memref_squeeze %dma_start3A_83 : memref<1x125xi32, #tpu.memory_space<vmem>> -> memref<125xi32, #tpu.memory_space<vmem>>
    %dma_start3A_85 = arith.constant 0 : i32
    %dma_start3A_86 = arith.constant 0 : i32
    %dma_start3A_87 = tpu.memref_slice %arg16[%dma_start3A_85, %dma_start3A_86] : memref<10000x128xf32, #tpu.memory_space<vmem_shared>> -> memref<10000x128xf32, #tpu.memory_space<vmem_shared>>
    tpu.enqueue_indirect_dma source(%arg7 : memref<125x128xf32, #tpu.memory_space<vmem>>) target(%dma_start3A_87 : memref<10000x128xf32, #tpu.memory_space<vmem_shared>>) offsets(%dma_start3A_84 : memref<125xi32, #tpu.memory_space<vmem>>) semaphore(%arg20 : memref<!tpu.dma_semaphore, #tpu.memory_space<semaphore_mem>>) {add = true}
    %dma_wait3A_88 = arith.constant 0 : i32
    %dma_wait3A_89 = arith.constant 0 : i32
    %dma_wait3A_90 = tpu.memref_slice %arg11[%dma_wait3A_88, %dma_wait3A_89] : memref<2x125xi32, #tpu.memory_space<vmem>> -> memref<1x125xi32, #tpu.memory_space<vmem>>
    %dma_wait3A_91 = tpu.memref_squeeze %dma_wait3A_90 : memref<1x125xi32, #tpu.memory_space<vmem>> -> memref<125xi32, #tpu.memory_space<vmem>>
    %dma_wait3A_92 = arith.constant 0 : i32
    %dma_wait3A_93 = arith.constant 0 : i32
    %dma_wait3A_94 = tpu.memref_slice %arg2[%dma_wait3A_92, %dma_wait3A_93] : memref<10000x128xf32, #tpu.memory_space<hbm>> -> memref<10000x128xf32, #tpu.memory_space<hbm>>
    tpu.wait_indirect_dma semaphore(%arg18 : memref<!tpu.dma_semaphore, #tpu.memory_space<semaphore_mem>>) src(%dma_wait3A_94 : memref<10000x128xf32, #tpu.memory_space<hbm>>) dst(%arg8 : memref<125x128xf32, #tpu.memory_space<vmem>>)
    %dma_start3A_95 = arith.constant 1 : i32
    %dma_start3A_96 = arith.constant 0 : i32
    %dma_start3A_97 = tpu.memref_slice %arg11[%dma_start3A_95, %dma_start3A_96] : memref<2x125xi32, #tpu.memory_space<vmem>> -> memref<1x125xi32, #tpu.memory_space<vmem>>
    %dma_start3A_98 = tpu.memref_squeeze %dma_start3A_97 : memref<1x125xi32, #tpu.memory_space<vmem>> -> memref<125xi32, #tpu.memory_space<vmem>>
    %dma_start3A_99 = arith.constant 0 : i32
    %dma_start3A_100 = arith.constant 0 : i32
    %dma_start3A_101 = tpu.memref_slice %arg16[%dma_start3A_99, %dma_start3A_100] : memref<10000x128xf32, #tpu.memory_space<vmem_shared>> -> memref<10000x128xf32, #tpu.memory_space<vmem_shared>>
    tpu.enqueue_indirect_dma source(%arg8 : memref<125x128xf32, #tpu.memory_space<vmem>>) target(%dma_start3A_101 : memref<10000x128xf32, #tpu.memory_space<vmem_shared>>) offsets(%dma_start3A_98 : memref<125xi32, #tpu.memory_space<vmem>>) semaphore(%arg21 : memref<!tpu.dma_semaphore, #tpu.memory_space<semaphore_mem>>) {add = true}
    %dma_wait3A_102 = arith.constant 1 : i32
    %dma_wait3A_103 = arith.constant 0 : i32
    %dma_wait3A_104 = tpu.memref_slice %arg15[%dma_wait3A_102, %dma_wait3A_103] : memref<2x125xi32, #tpu.memory_space<vmem>> -> memref<1x125xi32, #tpu.memory_space<vmem>>
    %dma_wait3A_105 = tpu.memref_squeeze %dma_wait3A_104 : memref<1x125xi32, #tpu.memory_space<vmem>> -> memref<125xi32, #tpu.memory_space<vmem>>
    %dma_wait3A_106 = arith.constant 0 : i32
    %dma_wait3A_107 = arith.constant 0 : i32
    %dma_wait3A_108 = tpu.memref_slice %arg16[%dma_wait3A_106, %dma_wait3A_107] : memref<10000x128xf32, #tpu.memory_space<vmem_shared>> -> memref<10000x128xf32, #tpu.memory_space<vmem_shared>>
    tpu.wait_indirect_dma semaphore(%arg22 : memref<!tpu.dma_semaphore, #tpu.memory_space<semaphore_mem>>) src(%arg9 : memref<125x128xf32, #tpu.memory_space<vmem>>) dst(%dma_wait3A_108 : memref<10000x128xf32, #tpu.memory_space<vmem_shared>>)
    %dma_wait3A_109 = arith.constant 1 : i32
    %dma_wait3A_110 = arith.constant 0 : i32
    %dma_wait3A_111 = tpu.memref_slice %arg10[%dma_wait3A_109, %dma_wait3A_110] : memref<2x125xi32, #tpu.memory_space<vmem>> -> memref<1x125xi32, #tpu.memory_space<vmem>>
    %dma_wait3A_112 = tpu.memref_squeeze %dma_wait3A_111 : memref<1x125xi32, #tpu.memory_space<vmem>> -> memref<125xi32, #tpu.memory_space<vmem>>
    %dma_wait3A_113 = arith.constant 0 : i32
    %dma_wait3A_114 = arith.constant 0 : i32
    %dma_wait3A_115 = tpu.memref_slice %arg16[%dma_wait3A_113, %dma_wait3A_114] : memref<10000x128xf32, #tpu.memory_space<vmem_shared>> -> memref<10000x128xf32, #tpu.memory_space<vmem_shared>>
    tpu.wait_indirect_dma semaphore(%arg20 : memref<!tpu.dma_semaphore, #tpu.memory_space<semaphore_mem>>) src(%arg7 : memref<125x128xf32, #tpu.memory_space<vmem>>) dst(%dma_wait3A_115 : memref<10000x128xf32, #tpu.memory_space<vmem_shared>>)
    %dma_wait3A_116 = arith.constant 1 : i32
    %dma_wait3A_117 = arith.constant 0 : i32
    %dma_wait3A_118 = tpu.memref_slice %arg11[%dma_wait3A_116, %dma_wait3A_117] : memref<2x125xi32, #tpu.memory_space<vmem>> -> memref<1x125xi32, #tpu.memory_space<vmem>>
    %dma_wait3A_119 = tpu.memref_squeeze %dma_wait3A_118 : memref<1x125xi32, #tpu.memory_space<vmem>> -> memref<125xi32, #tpu.memory_space<vmem>>
    %dma_wait3A_120 = arith.constant 0 : i32
    %dma_wait3A_121 = arith.constant 0 : i32
    %dma_wait3A_122 = tpu.memref_slice %arg16[%dma_wait3A_120, %dma_wait3A_121] : memref<10000x128xf32, #tpu.memory_space<vmem_shared>> -> memref<10000x128xf32, #tpu.memory_space<vmem_shared>>
    tpu.wait_indirect_dma semaphore(%arg21 : memref<!tpu.dma_semaphore, #tpu.memory_space<semaphore_mem>>) src(%arg8 : memref<125x128xf32, #tpu.memory_space<vmem>>) dst(%dma_wait3A_122 : memref<10000x128xf32, #tpu.memory_space<vmem_shared>>)
    %barrier3A_123 = arith.constant 0 : index
    tpu.barrier barrier_id(%barrier3A_123)
    %run_scoped3A = arith.constant 0 : i32
    "tpu.region"() ({
      %run_scoped3A_250 = tpu.sem_alloc : memref<!tpu.dma_semaphore, #tpu.memory_space<semaphore_mem>>
      %dma_start3A_251 = arith.constant 0 : i32
      %dma_start3A_252 = tpu.memref_slice %arg6[%run_scoped3A, %arg0, %mul3A_2, %dma_start3A_251] : memref<2x2x10000x128xf32, #tpu.memory_space<hbm>> -> memref<1x1x625x128xf32, #tpu.memory_space<hbm>>
      %dma_start3A_253 = tpu.memref_squeeze %dma_start3A_252 : memref<1x1x625x128xf32, #tpu.memory_space<hbm>> -> memref<625x128xf32, #tpu.memory_space<hbm>>
      %dma_start3A_254 = arith.constant 0 : i32
      %dma_start3A_255 = tpu.memref_slice %arg16[%mul3A_2, %dma_start3A_254] : memref<10000x128xf32, #tpu.memory_space<vmem_shared>> -> memref<625x128xf32, #tpu.memory_space<vmem_shared>>
      tpu.enqueue_dma source(%dma_start3A_255 : memref<625x128xf32, #tpu.memory_space<vmem_shared>>) target(%dma_start3A_253 : memref<625x128xf32, #tpu.memory_space<hbm>>) target_semaphore(%run_scoped3A_250 : memref<!tpu.dma_semaphore, #tpu.memory_space<semaphore_mem>>)
      %dma_wait3A_256 = arith.constant 0 : i32
      %dma_wait3A_257 = tpu.memref_slice %arg6[%run_scoped3A, %arg0, %mul3A_2, %dma_wait3A_256] : memref<2x2x10000x128xf32, #tpu.memory_space<hbm>> -> memref<1x1x625x128xf32, #tpu.memory_space<hbm>>
      %dma_wait3A_258 = tpu.memref_squeeze %dma_wait3A_257 : memref<1x1x625x128xf32, #tpu.memory_space<hbm>> -> memref<625x128xf32, #tpu.memory_space<hbm>>
      %dma_wait3A_259 = arith.constant 0 : i32
      %dma_wait3A_260 = tpu.memref_slice %arg16[%mul3A_2, %dma_wait3A_259] : memref<10000x128xf32, #tpu.memory_space<vmem_shared>> -> memref<625x128xf32, #tpu.memory_space<vmem_shared>>
      tpu.wait_dma2 semaphore(%run_scoped3A_250 : memref<!tpu.dma_semaphore, #tpu.memory_space<semaphore_mem>>) src(%dma_wait3A_260 : memref<625x128xf32, #tpu.memory_space<vmem_shared>>) dst(%dma_wait3A_258 : memref<625x128xf32, #tpu.memory_space<hbm>>)
      tpu.yield
    }) : () -> ()
    "tpu.region"() ({
      %run_scoped3A_250 = tpu.sem_alloc : memref<!tpu.dma_semaphore, #tpu.memory_space<semaphore_mem>>
      %dma_start3A_251 = arith.constant 0 : i32
      %dma_start3A_252 = tpu.memref_slice %arg16[%mul3A_2, %dma_start3A_251] : memref<10000x128xf32, #tpu.memory_space<vmem_shared>> -> memref<625x128xf32, #tpu.memory_space<vmem_shared>>
      %dma_start3A_253 = arith.constant 0 : i32
      %dma_start3A_254 = tpu.memref_slice %arg5[%mul3A_2, %dma_start3A_253] : memref<10000x128xf32, #tpu.memory_space<hbm>> -> memref<625x128xf32, #tpu.memory_space<hbm>>
      tpu.enqueue_dma source(%dma_start3A_254 : memref<625x128xf32, #tpu.memory_space<hbm>>) target(%dma_start3A_252 : memref<625x128xf32, #tpu.memory_space<vmem_shared>>) target_semaphore(%run_scoped3A_250 : memref<!tpu.dma_semaphore, #tpu.memory_space<semaphore_mem>>)
      %dma_wait3A_255 = arith.constant 0 : i32
      %dma_wait3A_256 = tpu.memref_slice %arg16[%mul3A_2, %dma_wait3A_255] : memref<10000x128xf32, #tpu.memory_space<vmem_shared>> -> memref<625x128xf32, #tpu.memory_space<vmem_shared>>
      %dma_wait3A_257 = arith.constant 0 : i32
      %dma_wait3A_258 = tpu.memref_slice %arg5[%mul3A_2, %dma_wait3A_257] : memref<10000x128xf32, #tpu.memory_space<hbm>> -> memref<625x128xf32, #tpu.memory_space<hbm>>
      tpu.wait_dma2 semaphore(%run_scoped3A_250 : memref<!tpu.dma_semaphore, #tpu.memory_space<semaphore_mem>>) src(%dma_wait3A_258 : memref<625x128xf32, #tpu.memory_space<hbm>>) dst(%dma_wait3A_256 : memref<625x128xf32, #tpu.memory_space<vmem_shared>>)
      tpu.yield
    }) : () -> ()
    %barrier3A_124 = arith.constant 0 : index
    tpu.barrier barrier_id(%barrier3A_124)
    %dma_start3A_125 = arith.constant 0 : i32
    %dma_start3A_126 = arith.constant 0 : i32
    %dma_start3A_127 = arith.constant 0 : i32
    %dma_start3A_128 = tpu.memref_slice %arg4[%add3A, %dma_start3A_125, %dma_start3A_126, %dma_start3A_127] : memref<32x80x2x125xi32, #tpu.memory_space<hbm>> -> memref<1x1x2x125xi32, #tpu.memory_space<hbm>>
    %dma_start3A_129 = tpu.memref_squeeze %dma_start3A_128 : memref<1x1x2x125xi32, #tpu.memory_space<hbm>> -> memref<2x125xi32, #tpu.memory_space<hbm>>
    %dma_start3A_130 = arith.constant 0 : i32
    %dma_start3A_131 = arith.constant 0 : i32
    %dma_start3A_132 = tpu.memref_slice %arg4[%add3A, %dma_start3A_125, %dma_start3A_130, %dma_start3A_131] : memref<32x80x2x125xi32, #tpu.memory_space<hbm>> -> memref<1x1x2x125xi32, #tpu.memory_space<hbm>>
    %dma_start3A_133 = tpu.memref_squeeze %dma_start3A_132 : memref<1x1x2x125xi32, #tpu.memory_space<hbm>> -> memref<2x125xi32, #tpu.memory_space<hbm>>
    tpu.enqueue_dma source(%dma_start3A_133 : memref<2x125xi32, #tpu.memory_space<hbm>>) target(%arg10 : memref<2x125xi32, #tpu.memory_space<vmem>>) target_semaphore(%arg23 : memref<!tpu.dma_semaphore, #tpu.memory_space<semaphore_mem>>)
    %dma_start3A_134 = arith.constant 1 : i32
    %dma_start3A_135 = arith.constant 0 : i32
    %dma_start3A_136 = arith.constant 0 : i32
    %dma_start3A_137 = tpu.memref_slice %arg4[%add3A, %dma_start3A_134, %dma_start3A_135, %dma_start3A_136] : memref<32x80x2x125xi32, #tpu.memory_space<hbm>> -> memref<1x1x2x125xi32, #tpu.memory_space<hbm>>
    %dma_start3A_138 = tpu.memref_squeeze %dma_start3A_137 : memref<1x1x2x125xi32, #tpu.memory_space<hbm>> -> memref<2x125xi32, #tpu.memory_space<hbm>>
    %dma_start3A_139 = arith.constant 0 : i32
    %dma_start3A_140 = arith.constant 0 : i32
    %dma_start3A_141 = tpu.memref_slice %arg4[%add3A, %dma_start3A_134, %dma_start3A_139, %dma_start3A_140] : memref<32x80x2x125xi32, #tpu.memory_space<hbm>> -> memref<1x1x2x125xi32, #tpu.memory_space<hbm>>
    %dma_start3A_142 = tpu.memref_squeeze %dma_start3A_141 : memref<1x1x2x125xi32, #tpu.memory_space<hbm>> -> memref<2x125xi32, #tpu.memory_space<hbm>>
    tpu.enqueue_dma source(%dma_start3A_142 : memref<2x125xi32, #tpu.memory_space<hbm>>) target(%arg11 : memref<2x125xi32, #tpu.memory_space<vmem>>) target_semaphore(%arg24 : memref<!tpu.dma_semaphore, #tpu.memory_space<semaphore_mem>>)
    %dma_start3A_143 = arith.constant 2 : i32
    %dma_start3A_144 = arith.constant 0 : i32
    %dma_start3A_145 = arith.constant 0 : i32
    %dma_start3A_146 = tpu.memref_slice %arg4[%add3A, %dma_start3A_143, %dma_start3A_144, %dma_start3A_145] : memref<32x80x2x125xi32, #tpu.memory_space<hbm>> -> memref<1x1x2x125xi32, #tpu.memory_space<hbm>>
    %dma_start3A_147 = tpu.memref_squeeze %dma_start3A_146 : memref<1x1x2x125xi32, #tpu.memory_space<hbm>> -> memref<2x125xi32, #tpu.memory_space<hbm>>
    %dma_start3A_148 = arith.constant 0 : i32
    %dma_start3A_149 = arith.constant 0 : i32
    %dma_start3A_150 = tpu.memref_slice %arg4[%add3A, %dma_start3A_143, %dma_start3A_148, %dma_start3A_149] : memref<32x80x2x125xi32, #tpu.memory_space<hbm>> -> memref<1x1x2x125xi32, #tpu.memory_space<hbm>>
    %dma_start3A_151 = tpu.memref_squeeze %dma_start3A_150 : memref<1x1x2x125xi32, #tpu.memory_space<hbm>> -> memref<2x125xi32, #tpu.memory_space<hbm>>
    tpu.enqueue_dma source(%dma_start3A_151 : memref<2x125xi32, #tpu.memory_space<hbm>>) target(%arg12 : memref<2x125xi32, #tpu.memory_space<vmem>>) target_semaphore(%arg25 : memref<!tpu.dma_semaphore, #tpu.memory_space<semaphore_mem>>)
    %dma_start3A_152 = arith.constant 3 : i32
    %dma_start3A_153 = arith.constant 0 : i32
    %dma_start3A_154 = arith.constant 0 : i32
    %dma_start3A_155 = tpu.memref_slice %arg4[%add3A, %dma_start3A_152, %dma_start3A_153, %dma_start3A_154] : memref<32x80x2x125xi32, #tpu.memory_space<hbm>> -> memref<1x1x2x125xi32, #tpu.memory_space<hbm>>
    %dma_start3A_156 = tpu.memref_squeeze %dma_start3A_155 : memref<1x1x2x125xi32, #tpu.memory_space<hbm>> -> memref<2x125xi32, #tpu.memory_space<hbm>>
    %dma_start3A_157 = arith.constant 0 : i32
    %dma_start3A_158 = arith.constant 0 : i32
    %dma_start3A_159 = tpu.memref_slice %arg4[%add3A, %dma_start3A_152, %dma_start3A_157, %dma_start3A_158] : memref<32x80x2x125xi32, #tpu.memory_space<hbm>> -> memref<1x1x2x125xi32, #tpu.memory_space<hbm>>
    %dma_start3A_160 = tpu.memref_squeeze %dma_start3A_159 : memref<1x1x2x125xi32, #tpu.memory_space<hbm>> -> memref<2x125xi32, #tpu.memory_space<hbm>>
    tpu.enqueue_dma source(%dma_start3A_160 : memref<2x125xi32, #tpu.memory_space<hbm>>) target(%arg13 : memref<2x125xi32, #tpu.memory_space<vmem>>) target_semaphore(%arg26 : memref<!tpu.dma_semaphore, #tpu.memory_space<semaphore_mem>>)
    %dma_wait3A_161 = arith.constant 0 : i32
    %dma_wait3A_162 = arith.constant 0 : i32
    %dma_wait3A_163 = arith.constant 0 : i32
    %dma_wait3A_164 = tpu.memref_slice %arg4[%add3A, %dma_wait3A_161, %dma_wait3A_162, %dma_wait3A_163] : memref<32x80x2x125xi32, #tpu.memory_space<hbm>> -> memref<1x1x2x125xi32, #tpu.memory_space<hbm>>
    %dma_wait3A_165 = tpu.memref_squeeze %dma_wait3A_164 : memref<1x1x2x125xi32, #tpu.memory_space<hbm>> -> memref<2x125xi32, #tpu.memory_space<hbm>>
    %dma_wait3A_166 = arith.constant 0 : i32
    %dma_wait3A_167 = arith.constant 0 : i32
    %dma_wait3A_168 = tpu.memref_slice %arg4[%add3A, %dma_wait3A_161, %dma_wait3A_166, %dma_wait3A_167] : memref<32x80x2x125xi32, #tpu.memory_space<hbm>> -> memref<1x1x2x125xi32, #tpu.memory_space<hbm>>
    %dma_wait3A_169 = tpu.memref_squeeze %dma_wait3A_168 : memref<1x1x2x125xi32, #tpu.memory_space<hbm>> -> memref<2x125xi32, #tpu.memory_space<hbm>>
    tpu.wait_dma2 semaphore(%arg23 : memref<!tpu.dma_semaphore, #tpu.memory_space<semaphore_mem>>) src(%dma_wait3A_169 : memref<2x125xi32, #tpu.memory_space<hbm>>) dst(%arg10 : memref<2x125xi32, #tpu.memory_space<vmem>>)
    %dma_start3A_170 = arith.constant 0 : i32
    %dma_start3A_171 = arith.constant 0 : i32
    %dma_start3A_172 = tpu.memref_slice %arg10[%dma_start3A_170, %dma_start3A_171] : memref<2x125xi32, #tpu.memory_space<vmem>> -> memref<1x125xi32, #tpu.memory_space<vmem>>
    %dma_start3A_173 = tpu.memref_squeeze %dma_start3A_172 : memref<1x125xi32, #tpu.memory_space<vmem>> -> memref<125xi32, #tpu.memory_space<vmem>>
    %dma_start3A_174 = arith.constant 0 : i32
    %dma_start3A_175 = arith.constant 0 : i32
    %dma_start3A_176 = tpu.memref_slice %arg3[%dma_start3A_174, %dma_start3A_175] : memref<10000x128xf32, #tpu.memory_space<hbm>> -> memref<10000x128xf32, #tpu.memory_space<hbm>>
    tpu.enqueue_indirect_dma source(%dma_start3A_176 : memref<10000x128xf32, #tpu.memory_space<hbm>>) target(%arg7 : memref<125x128xf32, #tpu.memory_space<vmem>>) offsets(%dma_start3A_173 : memref<125xi32, #tpu.memory_space<vmem>>) semaphore(%arg17 : memref<!tpu.dma_semaphore, #tpu.memory_space<semaphore_mem>>)
    %dma_wait3A_177 = arith.constant 1 : i32
    %dma_wait3A_178 = arith.constant 0 : i32
    %dma_wait3A_179 = arith.constant 0 : i32
    %dma_wait3A_180 = tpu.memref_slice %arg4[%add3A, %dma_wait3A_177, %dma_wait3A_178, %dma_wait3A_179] : memref<32x80x2x125xi32, #tpu.memory_space<hbm>> -> memref<1x1x2x125xi32, #tpu.memory_space<hbm>>
    %dma_wait3A_181 = tpu.memref_squeeze %dma_wait3A_180 : memref<1x1x2x125xi32, #tpu.memory_space<hbm>> -> memref<2x125xi32, #tpu.memory_space<hbm>>
    %dma_wait3A_182 = arith.constant 0 : i32
    %dma_wait3A_183 = arith.constant 0 : i32
    %dma_wait3A_184 = tpu.memref_slice %arg4[%add3A, %dma_wait3A_177, %dma_wait3A_182, %dma_wait3A_183] : memref<32x80x2x125xi32, #tpu.memory_space<hbm>> -> memref<1x1x2x125xi32, #tpu.memory_space<hbm>>
    %dma_wait3A_185 = tpu.memref_squeeze %dma_wait3A_184 : memref<1x1x2x125xi32, #tpu.memory_space<hbm>> -> memref<2x125xi32, #tpu.memory_space<hbm>>
    tpu.wait_dma2 semaphore(%arg24 : memref<!tpu.dma_semaphore, #tpu.memory_space<semaphore_mem>>) src(%dma_wait3A_185 : memref<2x125xi32, #tpu.memory_space<hbm>>) dst(%arg11 : memref<2x125xi32, #tpu.memory_space<vmem>>)
    %dma_start3A_186 = arith.constant 0 : i32
    %dma_start3A_187 = arith.constant 0 : i32
    %dma_start3A_188 = tpu.memref_slice %arg11[%dma_start3A_186, %dma_start3A_187] : memref<2x125xi32, #tpu.memory_space<vmem>> -> memref<1x125xi32, #tpu.memory_space<vmem>>
    %dma_start3A_189 = tpu.memref_squeeze %dma_start3A_188 : memref<1x125xi32, #tpu.memory_space<vmem>> -> memref<125xi32, #tpu.memory_space<vmem>>
    %dma_start3A_190 = arith.constant 0 : i32
    %dma_start3A_191 = arith.constant 0 : i32
    %dma_start3A_192 = tpu.memref_slice %arg3[%dma_start3A_190, %dma_start3A_191] : memref<10000x128xf32, #tpu.memory_space<hbm>> -> memref<10000x128xf32, #tpu.memory_space<hbm>>
    tpu.enqueue_indirect_dma source(%dma_start3A_192 : memref<10000x128xf32, #tpu.memory_space<hbm>>) target(%arg8 : memref<125x128xf32, #tpu.memory_space<vmem>>) offsets(%dma_start3A_189 : memref<125xi32, #tpu.memory_space<vmem>>) semaphore(%arg18 : memref<!tpu.dma_semaphore, #tpu.memory_space<semaphore_mem>>)
    %scan3A_193 = arith.constant 0 : i32
    %scan3A_194 = arith.constant 0 : i32
    %scan3A_195 = arith.constant 13 : i32
    %scan3A_196 = arith.addi %scan3A_194, %scan3A_195 : i32
    %scan3A_197 = arith.constant 1 : i32
    scf.for %scan3A_250 = %scan3A_194 to %scan3A_196 step %scan3A_197  : i32 {
      %mul3A_251 = arith.constant 6 : i32
      %mul3A_252 = arith.muli %scan3A_250, %mul3A_251 : i32
      %add3A_253 = arith.constant 0 : i32
      %add3A_254 = arith.addi %mul3A_252, %add3A_253 : i32
      %dma_wait3A_255 = arith.constant 0 : i32
      %dma_wait3A_256 = arith.constant 0 : i32
      %dma_wait3A_257 = tpu.memref_slice %arg10[%dma_wait3A_255, %dma_wait3A_256] : memref<2x125xi32, #tpu.memory_space<vmem>> -> memref<1x125xi32, #tpu.memory_space<vmem>>
      %dma_wait3A_258 = tpu.memref_squeeze %dma_wait3A_257 : memref<1x125xi32, #tpu.memory_space<vmem>> -> memref<125xi32, #tpu.memory_space<vmem>>
      %dma_wait3A_259 = arith.constant 0 : i32
      %dma_wait3A_260 = arith.constant 0 : i32
      %dma_wait3A_261 = tpu.memref_slice %arg3[%dma_wait3A_259, %dma_wait3A_260] : memref<10000x128xf32, #tpu.memory_space<hbm>> -> memref<10000x128xf32, #tpu.memory_space<hbm>>
      tpu.wait_indirect_dma semaphore(%arg17 : memref<!tpu.dma_semaphore, #tpu.memory_space<semaphore_mem>>) src(%dma_wait3A_261 : memref<10000x128xf32, #tpu.memory_space<hbm>>) dst(%arg7 : memref<125x128xf32, #tpu.memory_space<vmem>>)
      %dma_start3A_262 = arith.constant 1 : i32
      %dma_start3A_263 = arith.constant 0 : i32
      %dma_start3A_264 = tpu.memref_slice %arg10[%dma_start3A_262, %dma_start3A_263] : memref<2x125xi32, #tpu.memory_space<vmem>> -> memref<1x125xi32, #tpu.memory_space<vmem>>
      %dma_start3A_265 = tpu.memref_squeeze %dma_start3A_264 : memref<1x125xi32, #tpu.memory_space<vmem>> -> memref<125xi32, #tpu.memory_space<vmem>>
      %dma_start3A_266 = arith.constant 0 : i32
      %dma_start3A_267 = arith.constant 0 : i32
      %dma_start3A_268 = tpu.memref_slice %arg16[%dma_start3A_266, %dma_start3A_267] : memref<10000x128xf32, #tpu.memory_space<vmem_shared>> -> memref<10000x128xf32, #tpu.memory_space<vmem_shared>>
      tpu.enqueue_indirect_dma source(%arg7 : memref<125x128xf32, #tpu.memory_space<vmem>>) target(%dma_start3A_268 : memref<10000x128xf32, #tpu.memory_space<vmem_shared>>) offsets(%dma_start3A_265 : memref<125xi32, #tpu.memory_space<vmem>>) semaphore(%arg20 : memref<!tpu.dma_semaphore, #tpu.memory_space<semaphore_mem>>) {add = true}
      %add3A_269 = arith.constant 2 : i32
      %add3A_270 = arith.addi %add3A_254, %add3A_269 : i32
      %lt3A = arith.constant 80 : i32
      %lt3A_271 = arith.cmpi slt, %add3A_270, %lt3A : i32
      %convert_element_type3A = arith.extui %lt3A_271 : i1 to i32
      %cond3A = arith.constant 0 : i32
      %cond3A_272 = arith.cmpi ne, %convert_element_type3A, %cond3A : i32
      scf.if %cond3A_272 {
        %ge3A = arith.constant 1 : i32
        %ge3A_430 = arith.cmpi sge, %add3A_254, %ge3A : i32
        %convert_element_type3A_431 = arith.extui %ge3A_430 : i1 to i32
        %cond3A_432 = arith.constant 0 : i32
        %cond3A_433 = arith.cmpi ne, %convert_element_type3A_431, %cond3A_432 : i32
        scf.if %cond3A_433 {
          %sub3A = arith.constant 1 : i32
          %sub3A_453 = arith.subi %add3A_254, %sub3A : i32
          %dma_wait3A_454 = arith.constant 1 : i32
          %dma_wait3A_455 = arith.constant 0 : i32
          %dma_wait3A_456 = tpu.memref_slice %arg15[%dma_wait3A_454, %dma_wait3A_455] : memref<2x125xi32, #tpu.memory_space<vmem>> -> memref<1x125xi32, #tpu.memory_space<vmem>>
          %dma_wait3A_457 = tpu.memref_squeeze %dma_wait3A_456 : memref<1x125xi32, #tpu.memory_space<vmem>> -> memref<125xi32, #tpu.memory_space<vmem>>
          %dma_wait3A_458 = arith.constant 0 : i32
          %dma_wait3A_459 = arith.constant 0 : i32
          %dma_wait3A_460 = tpu.memref_slice %arg16[%dma_wait3A_458, %dma_wait3A_459] : memref<10000x128xf32, #tpu.memory_space<vmem_shared>> -> memref<10000x128xf32, #tpu.memory_space<vmem_shared>>
          tpu.wait_indirect_dma semaphore(%arg22 : memref<!tpu.dma_semaphore, #tpu.memory_space<semaphore_mem>>) src(%arg9 : memref<125x128xf32, #tpu.memory_space<vmem>>) dst(%dma_wait3A_460 : memref<10000x128xf32, #tpu.memory_space<vmem_shared>>)
        } else {
        }
        %add3A_434 = arith.constant 2 : i32
        %add3A_435 = arith.addi %add3A_254, %add3A_434 : i32
        %dma_wait3A_436 = arith.constant 0 : i32
        %dma_wait3A_437 = arith.constant 0 : i32
        %dma_wait3A_438 = tpu.memref_slice %arg4[%add3A, %add3A_435, %dma_wait3A_436, %dma_wait3A_437] : memref<32x80x2x125xi32, #tpu.memory_space<hbm>> -> memref<1x1x2x125xi32, #tpu.memory_space<hbm>>
        %dma_wait3A_439 = tpu.memref_squeeze %dma_wait3A_438 : memref<1x1x2x125xi32, #tpu.memory_space<hbm>> -> memref<2x125xi32, #tpu.memory_space<hbm>>
        %dma_wait3A_440 = arith.constant 0 : i32
        %dma_wait3A_441 = arith.constant 0 : i32
        %dma_wait3A_442 = tpu.memref_slice %arg4[%add3A, %add3A_435, %dma_wait3A_440, %dma_wait3A_441] : memref<32x80x2x125xi32, #tpu.memory_space<hbm>> -> memref<1x1x2x125xi32, #tpu.memory_space<hbm>>
        %dma_wait3A_443 = tpu.memref_squeeze %dma_wait3A_442 : memref<1x1x2x125xi32, #tpu.memory_space<hbm>> -> memref<2x125xi32, #tpu.memory_space<hbm>>
        tpu.wait_dma2 semaphore(%arg25 : memref<!tpu.dma_semaphore, #tpu.memory_space<semaphore_mem>>) src(%dma_wait3A_443 : memref<2x125xi32, #tpu.memory_space<hbm>>) dst(%arg12 : memref<2x125xi32, #tpu.memory_space<vmem>>)
        %add3A_444 = arith.constant 2 : i32
        %add3A_445 = arith.addi %add3A_254, %add3A_444 : i32
        %dma_start3A_446 = arith.constant 0 : i32
        %dma_start3A_447 = arith.constant 0 : i32
        %dma_start3A_448 = tpu.memref_slice %arg12[%dma_start3A_446, %dma_start3A_447] : memref<2x125xi32, #tpu.memory_space<vmem>> -> memref<1x125xi32, #tpu.memory_space<vmem>>
        %dma_start3A_449 = tpu.memref_squeeze %dma_start3A_448 : memref<1x125xi32, #tpu.memory_space<vmem>> -> memref<125xi32, #tpu.memory_space<vmem>>
        %dma_start3A_450 = arith.constant 0 : i32
        %dma_start3A_451 = arith.constant 0 : i32
        %dma_start3A_452 = tpu.memref_slice %arg3[%dma_start3A_450, %dma_start3A_451] : memref<10000x128xf32, #tpu.memory_space<hbm>> -> memref<10000x128xf32, #tpu.memory_space<hbm>>
        tpu.enqueue_indirect_dma source(%dma_start3A_452 : memref<10000x128xf32, #tpu.memory_space<hbm>>) target(%arg9 : memref<125x128xf32, #tpu.memory_space<vmem>>) offsets(%dma_start3A_449 : memref<125xi32, #tpu.memory_space<vmem>>) semaphore(%arg19 : memref<!tpu.dma_semaphore, #tpu.memory_space<semaphore_mem>>)
      } else {
      }
      %add3A_273 = arith.constant 4 : i32
      %add3A_274 = arith.addi %add3A_254, %add3A_273 : i32
      %lt3A_275 = arith.constant 80 : i32
      %lt3A_276 = arith.cmpi slt, %add3A_274, %lt3A_275 : i32
      %convert_element_type3A_277 = arith.extui %lt3A_276 : i1 to i32
      %cond3A_278 = arith.constant 0 : i32
      %cond3A_279 = arith.cmpi ne, %convert_element_type3A_277, %cond3A_278 : i32
      scf.if %cond3A_279 {
        %add3A_430 = arith.constant 4 : i32
        %add3A_431 = arith.addi %add3A_254, %add3A_430 : i32
        %dma_start3A_432 = arith.constant 0 : i32
        %dma_start3A_433 = arith.constant 0 : i32
        %dma_start3A_434 = tpu.memref_slice %arg4[%add3A, %add3A_431, %dma_start3A_432, %dma_start3A_433] : memref<32x80x2x125xi32, #tpu.memory_space<hbm>> -> memref<1x1x2x125xi32, #tpu.memory_space<hbm>>
        %dma_start3A_435 = tpu.memref_squeeze %dma_start3A_434 : memref<1x1x2x125xi32, #tpu.memory_space<hbm>> -> memref<2x125xi32, #tpu.memory_space<hbm>>
        %dma_start3A_436 = arith.constant 0 : i32
        %dma_start3A_437 = arith.constant 0 : i32
        %dma_start3A_438 = tpu.memref_slice %arg4[%add3A, %add3A_431, %dma_start3A_436, %dma_start3A_437] : memref<32x80x2x125xi32, #tpu.memory_space<hbm>> -> memref<1x1x2x125xi32, #tpu.memory_space<hbm>>
        %dma_start3A_439 = tpu.memref_squeeze %dma_start3A_438 : memref<1x1x2x125xi32, #tpu.memory_space<hbm>> -> memref<2x125xi32, #tpu.memory_space<hbm>>
        tpu.enqueue_dma source(%dma_start3A_439 : memref<2x125xi32, #tpu.memory_space<hbm>>) target(%arg14 : memref<2x125xi32, #tpu.memory_space<vmem>>) target_semaphore(%arg27 : memref<!tpu.dma_semaphore, #tpu.memory_space<semaphore_mem>>)
      } else {
      }
      %add3A_280 = arith.constant 1 : i32
      %add3A_281 = arith.addi %mul3A_252, %add3A_280 : i32
      %dma_wait3A_282 = arith.constant 0 : i32
      %dma_wait3A_283 = arith.constant 0 : i32
      %dma_wait3A_284 = tpu.memref_slice %arg11[%dma_wait3A_282, %dma_wait3A_283] : memref<2x125xi32, #tpu.memory_space<vmem>> -> memref<1x125xi32, #tpu.memory_space<vmem>>
      %dma_wait3A_285 = tpu.memref_squeeze %dma_wait3A_284 : memref<1x125xi32, #tpu.memory_space<vmem>> -> memref<125xi32, #tpu.memory_space<vmem>>
      %dma_wait3A_286 = arith.constant 0 : i32
      %dma_wait3A_287 = arith.constant 0 : i32
      %dma_wait3A_288 = tpu.memref_slice %arg3[%dma_wait3A_286, %dma_wait3A_287] : memref<10000x128xf32, #tpu.memory_space<hbm>> -> memref<10000x128xf32, #tpu.memory_space<hbm>>
      tpu.wait_indirect_dma semaphore(%arg18 : memref<!tpu.dma_semaphore, #tpu.memory_space<semaphore_mem>>) src(%dma_wait3A_288 : memref<10000x128xf32, #tpu.memory_space<hbm>>) dst(%arg8 : memref<125x128xf32, #tpu.memory_space<vmem>>)
      %dma_start3A_289 = arith.constant 1 : i32
      %dma_start3A_290 = arith.constant 0 : i32
      %dma_start3A_291 = tpu.memref_slice %arg11[%dma_start3A_289, %dma_start3A_290] : memref<2x125xi32, #tpu.memory_space<vmem>> -> memref<1x125xi32, #tpu.memory_space<vmem>>
      %dma_start3A_292 = tpu.memref_squeeze %dma_start3A_291 : memref<1x125xi32, #tpu.memory_space<vmem>> -> memref<125xi32, #tpu.memory_space<vmem>>
      %dma_start3A_293 = arith.constant 0 : i32
      %dma_start3A_294 = arith.constant 0 : i32
      %dma_start3A_295 = tpu.memref_slice %arg16[%dma_start3A_293, %dma_start3A_294] : memref<10000x128xf32, #tpu.memory_space<vmem_shared>> -> memref<10000x128xf32, #tpu.memory_space<vmem_shared>>
      tpu.enqueue_indirect_dma source(%arg8 : memref<125x128xf32, #tpu.memory_space<vmem>>) target(%dma_start3A_295 : memref<10000x128xf32, #tpu.memory_space<vmem_shared>>) offsets(%dma_start3A_292 : memref<125xi32, #tpu.memory_space<vmem>>) semaphore(%arg21 : memref<!tpu.dma_semaphore, #tpu.memory_space<semaphore_mem>>) {add = true}
      %add3A_296 = arith.constant 2 : i32
      %add3A_297 = arith.addi %add3A_281, %add3A_296 : i32
      %lt3A_298 = arith.constant 80 : i32
      %lt3A_299 = arith.cmpi slt, %add3A_297, %lt3A_298 : i32
      %convert_element_type3A_300 = arith.extui %lt3A_299 : i1 to i32
      %cond3A_301 = arith.constant 0 : i32
      %cond3A_302 = arith.cmpi ne, %convert_element_type3A_300, %cond3A_301 : i32
      scf.if %cond3A_302 {
        %ge3A = arith.constant 1 : i32
        %ge3A_430 = arith.cmpi sge, %add3A_281, %ge3A : i32
        %convert_element_type3A_431 = arith.extui %ge3A_430 : i1 to i32
        %cond3A_432 = arith.constant 0 : i32
        %cond3A_433 = arith.cmpi ne, %convert_element_type3A_431, %cond3A_432 : i32
        scf.if %cond3A_433 {
          %sub3A = arith.constant 1 : i32
          %sub3A_453 = arith.subi %add3A_281, %sub3A : i32
          %dma_wait3A_454 = arith.constant 1 : i32
          %dma_wait3A_455 = arith.constant 0 : i32
          %dma_wait3A_456 = tpu.memref_slice %arg10[%dma_wait3A_454, %dma_wait3A_455] : memref<2x125xi32, #tpu.memory_space<vmem>> -> memref<1x125xi32, #tpu.memory_space<vmem>>
          %dma_wait3A_457 = tpu.memref_squeeze %dma_wait3A_456 : memref<1x125xi32, #tpu.memory_space<vmem>> -> memref<125xi32, #tpu.memory_space<vmem>>
          %dma_wait3A_458 = arith.constant 0 : i32
          %dma_wait3A_459 = arith.constant 0 : i32
          %dma_wait3A_460 = tpu.memref_slice %arg16[%dma_wait3A_458, %dma_wait3A_459] : memref<10000x128xf32, #tpu.memory_space<vmem_shared>> -> memref<10000x128xf32, #tpu.memory_space<vmem_shared>>
          tpu.wait_indirect_dma semaphore(%arg20 : memref<!tpu.dma_semaphore, #tpu.memory_space<semaphore_mem>>) src(%arg7 : memref<125x128xf32, #tpu.memory_space<vmem>>) dst(%dma_wait3A_460 : memref<10000x128xf32, #tpu.memory_space<vmem_shared>>)
        } else {
        }
        %add3A_434 = arith.constant 2 : i32
        %add3A_435 = arith.addi %add3A_281, %add3A_434 : i32
        %dma_wait3A_436 = arith.constant 0 : i32
        %dma_wait3A_437 = arith.constant 0 : i32
        %dma_wait3A_438 = tpu.memref_slice %arg4[%add3A, %add3A_435, %dma_wait3A_436, %dma_wait3A_437] : memref<32x80x2x125xi32, #tpu.memory_space<hbm>> -> memref<1x1x2x125xi32, #tpu.memory_space<hbm>>
        %dma_wait3A_439 = tpu.memref_squeeze %dma_wait3A_438 : memref<1x1x2x125xi32, #tpu.memory_space<hbm>> -> memref<2x125xi32, #tpu.memory_space<hbm>>
        %dma_wait3A_440 = arith.constant 0 : i32
        %dma_wait3A_441 = arith.constant 0 : i32
        %dma_wait3A_442 = tpu.memref_slice %arg4[%add3A, %add3A_435, %dma_wait3A_440, %dma_wait3A_441] : memref<32x80x2x125xi32, #tpu.memory_space<hbm>> -> memref<1x1x2x125xi32, #tpu.memory_space<hbm>>
        %dma_wait3A_443 = tpu.memref_squeeze %dma_wait3A_442 : memref<1x1x2x125xi32, #tpu.memory_space<hbm>> -> memref<2x125xi32, #tpu.memory_space<hbm>>
        tpu.wait_dma2 semaphore(%arg26 : memref<!tpu.dma_semaphore, #tpu.memory_space<semaphore_mem>>) src(%dma_wait3A_443 : memref<2x125xi32, #tpu.memory_space<hbm>>) dst(%arg13 : memref<2x125xi32, #tpu.memory_space<vmem>>)
        %add3A_444 = arith.constant 2 : i32
        %add3A_445 = arith.addi %add3A_281, %add3A_444 : i32
        %dma_start3A_446 = arith.constant 0 : i32
        %dma_start3A_447 = arith.constant 0 : i32
        %dma_start3A_448 = tpu.memref_slice %arg13[%dma_start3A_446, %dma_start3A_447] : memref<2x125xi32, #tpu.memory_space<vmem>> -> memref<1x125xi32, #tpu.memory_space<vmem>>
        %dma_start3A_449 = tpu.memref_squeeze %dma_start3A_448 : memref<1x125xi32, #tpu.memory_space<vmem>> -> memref<125xi32, #tpu.memory_space<vmem>>
        %dma_start3A_450 = arith.constant 0 : i32
        %dma_start3A_451 = arith.constant 0 : i32
        %dma_start3A_452 = tpu.memref_slice %arg3[%dma_start3A_450, %dma_start3A_451] : memref<10000x128xf32, #tpu.memory_space<hbm>> -> memref<10000x128xf32, #tpu.memory_space<hbm>>
        tpu.enqueue_indirect_dma source(%dma_start3A_452 : memref<10000x128xf32, #tpu.memory_space<hbm>>) target(%arg7 : memref<125x128xf32, #tpu.memory_space<vmem>>) offsets(%dma_start3A_449 : memref<125xi32, #tpu.memory_space<vmem>>) semaphore(%arg17 : memref<!tpu.dma_semaphore, #tpu.memory_space<semaphore_mem>>)
      } else {
      }
      %add3A_303 = arith.constant 4 : i32
      %add3A_304 = arith.addi %add3A_281, %add3A_303 : i32
      %lt3A_305 = arith.constant 80 : i32
      %lt3A_306 = arith.cmpi slt, %add3A_304, %lt3A_305 : i32
      %convert_element_type3A_307 = arith.extui %lt3A_306 : i1 to i32
      %cond3A_308 = arith.constant 0 : i32
      %cond3A_309 = arith.cmpi ne, %convert_element_type3A_307, %cond3A_308 : i32
      scf.if %cond3A_309 {
        %add3A_430 = arith.constant 4 : i32
        %add3A_431 = arith.addi %add3A_281, %add3A_430 : i32
        %dma_start3A_432 = arith.constant 0 : i32
        %dma_start3A_433 = arith.constant 0 : i32
        %dma_start3A_434 = tpu.memref_slice %arg4[%add3A, %add3A_431, %dma_start3A_432, %dma_start3A_433] : memref<32x80x2x125xi32, #tpu.memory_space<hbm>> -> memref<1x1x2x125xi32, #tpu.memory_space<hbm>>
        %dma_start3A_435 = tpu.memref_squeeze %dma_start3A_434 : memref<1x1x2x125xi32, #tpu.memory_space<hbm>> -> memref<2x125xi32, #tpu.memory_space<hbm>>
        %dma_start3A_436 = arith.constant 0 : i32
        %dma_start3A_437 = arith.constant 0 : i32
        %dma_start3A_438 = tpu.memref_slice %arg4[%add3A, %add3A_431, %dma_start3A_436, %dma_start3A_437] : memref<32x80x2x125xi32, #tpu.memory_space<hbm>> -> memref<1x1x2x125xi32, #tpu.memory_space<hbm>>
        %dma_start3A_439 = tpu.memref_squeeze %dma_start3A_438 : memref<1x1x2x125xi32, #tpu.memory_space<hbm>> -> memref<2x125xi32, #tpu.memory_space<hbm>>
        tpu.enqueue_dma source(%dma_start3A_439 : memref<2x125xi32, #tpu.memory_space<hbm>>) target(%arg15 : memref<2x125xi32, #tpu.memory_space<vmem>>) target_semaphore(%arg28 : memref<!tpu.dma_semaphore, #tpu.memory_space<semaphore_mem>>)
      } else {
      }
      %add3A_310 = arith.constant 2 : i32
      %add3A_311 = arith.addi %mul3A_252, %add3A_310 : i32
      %dma_wait3A_312 = arith.constant 0 : i32
      %dma_wait3A_313 = arith.constant 0 : i32
      %dma_wait3A_314 = tpu.memref_slice %arg12[%dma_wait3A_312, %dma_wait3A_313] : memref<2x125xi32, #tpu.memory_space<vmem>> -> memref<1x125xi32, #tpu.memory_space<vmem>>
      %dma_wait3A_315 = tpu.memref_squeeze %dma_wait3A_314 : memref<1x125xi32, #tpu.memory_space<vmem>> -> memref<125xi32, #tpu.memory_space<vmem>>
      %dma_wait3A_316 = arith.constant 0 : i32
      %dma_wait3A_317 = arith.constant 0 : i32
      %dma_wait3A_318 = tpu.memref_slice %arg3[%dma_wait3A_316, %dma_wait3A_317] : memref<10000x128xf32, #tpu.memory_space<hbm>> -> memref<10000x128xf32, #tpu.memory_space<hbm>>
      tpu.wait_indirect_dma semaphore(%arg19 : memref<!tpu.dma_semaphore, #tpu.memory_space<semaphore_mem>>) src(%dma_wait3A_318 : memref<10000x128xf32, #tpu.memory_space<hbm>>) dst(%arg9 : memref<125x128xf32, #tpu.memory_space<vmem>>)
      %dma_start3A_319 = arith.constant 1 : i32
      %dma_start3A_320 = arith.constant 0 : i32
      %dma_start3A_321 = tpu.memref_slice %arg12[%dma_start3A_319, %dma_start3A_320] : memref<2x125xi32, #tpu.memory_space<vmem>> -> memref<1x125xi32, #tpu.memory_space<vmem>>
      %dma_start3A_322 = tpu.memref_squeeze %dma_start3A_321 : memref<1x125xi32, #tpu.memory_space<vmem>> -> memref<125xi32, #tpu.memory_space<vmem>>
      %dma_start3A_323 = arith.constant 0 : i32
      %dma_start3A_324 = arith.constant 0 : i32
      %dma_start3A_325 = tpu.memref_slice %arg16[%dma_start3A_323, %dma_start3A_324] : memref<10000x128xf32, #tpu.memory_space<vmem_shared>> -> memref<10000x128xf32, #tpu.memory_space<vmem_shared>>
      tpu.enqueue_indirect_dma source(%arg9 : memref<125x128xf32, #tpu.memory_space<vmem>>) target(%dma_start3A_325 : memref<10000x128xf32, #tpu.memory_space<vmem_shared>>) offsets(%dma_start3A_322 : memref<125xi32, #tpu.memory_space<vmem>>) semaphore(%arg22 : memref<!tpu.dma_semaphore, #tpu.memory_space<semaphore_mem>>) {add = true}
      %add3A_326 = arith.constant 2 : i32
      %add3A_327 = arith.addi %add3A_311, %add3A_326 : i32
      %lt3A_328 = arith.constant 80 : i32
      %lt3A_329 = arith.cmpi slt, %add3A_327, %lt3A_328 : i32
      %convert_element_type3A_330 = arith.extui %lt3A_329 : i1 to i32
      %cond3A_331 = arith.constant 0 : i32
      %cond3A_332 = arith.cmpi ne, %convert_element_type3A_330, %cond3A_331 : i32
      scf.if %cond3A_332 {
        %ge3A = arith.constant 1 : i32
        %ge3A_430 = arith.cmpi sge, %add3A_311, %ge3A : i32
        %convert_element_type3A_431 = arith.extui %ge3A_430 : i1 to i32
        %cond3A_432 = arith.constant 0 : i32
        %cond3A_433 = arith.cmpi ne, %convert_element_type3A_431, %cond3A_432 : i32
        scf.if %cond3A_433 {
          %sub3A = arith.constant 1 : i32
          %sub3A_453 = arith.subi %add3A_311, %sub3A : i32
          %dma_wait3A_454 = arith.constant 1 : i32
          %dma_wait3A_455 = arith.constant 0 : i32
          %dma_wait3A_456 = tpu.memref_slice %arg11[%dma_wait3A_454, %dma_wait3A_455] : memref<2x125xi32, #tpu.memory_space<vmem>> -> memref<1x125xi32, #tpu.memory_space<vmem>>
          %dma_wait3A_457 = tpu.memref_squeeze %dma_wait3A_456 : memref<1x125xi32, #tpu.memory_space<vmem>> -> memref<125xi32, #tpu.memory_space<vmem>>
          %dma_wait3A_458 = arith.constant 0 : i32
          %dma_wait3A_459 = arith.constant 0 : i32
          %dma_wait3A_460 = tpu.memref_slice %arg16[%dma_wait3A_458, %dma_wait3A_459] : memref<10000x128xf32, #tpu.memory_space<vmem_shared>> -> memref<10000x128xf32, #tpu.memory_space<vmem_shared>>
          tpu.wait_indirect_dma semaphore(%arg21 : memref<!tpu.dma_semaphore, #tpu.memory_space<semaphore_mem>>) src(%arg8 : memref<125x128xf32, #tpu.memory_space<vmem>>) dst(%dma_wait3A_460 : memref<10000x128xf32, #tpu.memory_space<vmem_shared>>)
        } else {
        }
        %add3A_434 = arith.constant 2 : i32
        %add3A_435 = arith.addi %add3A_311, %add3A_434 : i32
        %dma_wait3A_436 = arith.constant 0 : i32
        %dma_wait3A_437 = arith.constant 0 : i32
        %dma_wait3A_438 = tpu.memref_slice %arg4[%add3A, %add3A_435, %dma_wait3A_436, %dma_wait3A_437] : memref<32x80x2x125xi32, #tpu.memory_space<hbm>> -> memref<1x1x2x125xi32, #tpu.memory_space<hbm>>
        %dma_wait3A_439 = tpu.memref_squeeze %dma_wait3A_438 : memref<1x1x2x125xi32, #tpu.memory_space<hbm>> -> memref<2x125xi32, #tpu.memory_space<hbm>>
        %dma_wait3A_440 = arith.constant 0 : i32
        %dma_wait3A_441 = arith.constant 0 : i32
        %dma_wait3A_442 = tpu.memref_slice %arg4[%add3A, %add3A_435, %dma_wait3A_440, %dma_wait3A_441] : memref<32x80x2x125xi32, #tpu.memory_space<hbm>> -> memref<1x1x2x125xi32, #tpu.memory_space<hbm>>
        %dma_wait3A_443 = tpu.memref_squeeze %dma_wait3A_442 : memref<1x1x2x125xi32, #tpu.memory_space<hbm>> -> memref<2x125xi32, #tpu.memory_space<hbm>>
        tpu.wait_dma2 semaphore(%arg27 : memref<!tpu.dma_semaphore, #tpu.memory_space<semaphore_mem>>) src(%dma_wait3A_443 : memref<2x125xi32, #tpu.memory_space<hbm>>) dst(%arg14 : memref<2x125xi32, #tpu.memory_space<vmem>>)
        %add3A_444 = arith.constant 2 : i32
        %add3A_445 = arith.addi %add3A_311, %add3A_444 : i32
        %dma_start3A_446 = arith.constant 0 : i32
        %dma_start3A_447 = arith.constant 0 : i32
        %dma_start3A_448 = tpu.memref_slice %arg14[%dma_start3A_446, %dma_start3A_447] : memref<2x125xi32, #tpu.memory_space<vmem>> -> memref<1x125xi32, #tpu.memory_space<vmem>>
        %dma_start3A_449 = tpu.memref_squeeze %dma_start3A_448 : memref<1x125xi32, #tpu.memory_space<vmem>> -> memref<125xi32, #tpu.memory_space<vmem>>
        %dma_start3A_450 = arith.constant 0 : i32
        %dma_start3A_451 = arith.constant 0 : i32
        %dma_start3A_452 = tpu.memref_slice %arg3[%dma_start3A_450, %dma_start3A_451] : memref<10000x128xf32, #tpu.memory_space<hbm>> -> memref<10000x128xf32, #tpu.memory_space<hbm>>
        tpu.enqueue_indirect_dma source(%dma_start3A_452 : memref<10000x128xf32, #tpu.memory_space<hbm>>) target(%arg8 : memref<125x128xf32, #tpu.memory_space<vmem>>) offsets(%dma_start3A_449 : memref<125xi32, #tpu.memory_space<vmem>>) semaphore(%arg18 : memref<!tpu.dma_semaphore, #tpu.memory_space<semaphore_mem>>)
      } else {
      }
      %add3A_333 = arith.constant 4 : i32
      %add3A_334 = arith.addi %add3A_311, %add3A_333 : i32
      %lt3A_335 = arith.constant 80 : i32
      %lt3A_336 = arith.cmpi slt, %add3A_334, %lt3A_335 : i32
      %convert_element_type3A_337 = arith.extui %lt3A_336 : i1 to i32
      %cond3A_338 = arith.constant 0 : i32
      %cond3A_339 = arith.cmpi ne, %convert_element_type3A_337, %cond3A_338 : i32
      scf.if %cond3A_339 {
        %add3A_430 = arith.constant 4 : i32
        %add3A_431 = arith.addi %add3A_311, %add3A_430 : i32
        %dma_start3A_432 = arith.constant 0 : i32
        %dma_start3A_433 = arith.constant 0 : i32
        %dma_start3A_434 = tpu.memref_slice %arg4[%add3A, %add3A_431, %dma_start3A_432, %dma_start3A_433] : memref<32x80x2x125xi32, #tpu.memory_space<hbm>> -> memref<1x1x2x125xi32, #tpu.memory_space<hbm>>
        %dma_start3A_435 = tpu.memref_squeeze %dma_start3A_434 : memref<1x1x2x125xi32, #tpu.memory_space<hbm>> -> memref<2x125xi32, #tpu.memory_space<hbm>>
        %dma_start3A_436 = arith.constant 0 : i32
        %dma_start3A_437 = arith.constant 0 : i32
        %dma_start3A_438 = tpu.memref_slice %arg4[%add3A, %add3A_431, %dma_start3A_436, %dma_start3A_437] : memref<32x80x2x125xi32, #tpu.memory_space<hbm>> -> memref<1x1x2x125xi32, #tpu.memory_space<hbm>>
        %dma_start3A_439 = tpu.memref_squeeze %dma_start3A_438 : memref<1x1x2x125xi32, #tpu.memory_space<hbm>> -> memref<2x125xi32, #tpu.memory_space<hbm>>
        tpu.enqueue_dma source(%dma_start3A_439 : memref<2x125xi32, #tpu.memory_space<hbm>>) target(%arg10 : memref<2x125xi32, #tpu.memory_space<vmem>>) target_semaphore(%arg23 : memref<!tpu.dma_semaphore, #tpu.memory_space<semaphore_mem>>)
      } else {
      }
      %add3A_340 = arith.constant 3 : i32
      %add3A_341 = arith.addi %mul3A_252, %add3A_340 : i32
      %dma_wait3A_342 = arith.constant 0 : i32
      %dma_wait3A_343 = arith.constant 0 : i32
      %dma_wait3A_344 = tpu.memref_slice %arg13[%dma_wait3A_342, %dma_wait3A_343] : memref<2x125xi32, #tpu.memory_space<vmem>> -> memref<1x125xi32, #tpu.memory_space<vmem>>
      %dma_wait3A_345 = tpu.memref_squeeze %dma_wait3A_344 : memref<1x125xi32, #tpu.memory_space<vmem>> -> memref<125xi32, #tpu.memory_space<vmem>>
      %dma_wait3A_346 = arith.constant 0 : i32
      %dma_wait3A_347 = arith.constant 0 : i32
      %dma_wait3A_348 = tpu.memref_slice %arg3[%dma_wait3A_346, %dma_wait3A_347] : memref<10000x128xf32, #tpu.memory_space<hbm>> -> memref<10000x128xf32, #tpu.memory_space<hbm>>
      tpu.wait_indirect_dma semaphore(%arg17 : memref<!tpu.dma_semaphore, #tpu.memory_space<semaphore_mem>>) src(%dma_wait3A_348 : memref<10000x128xf32, #tpu.memory_space<hbm>>) dst(%arg7 : memref<125x128xf32, #tpu.memory_space<vmem>>)
      %dma_start3A_349 = arith.constant 1 : i32
      %dma_start3A_350 = arith.constant 0 : i32
      %dma_start3A_351 = tpu.memref_slice %arg13[%dma_start3A_349, %dma_start3A_350] : memref<2x125xi32, #tpu.memory_space<vmem>> -> memref<1x125xi32, #tpu.memory_space<vmem>>
      %dma_start3A_352 = tpu.memref_squeeze %dma_start3A_351 : memref<1x125xi32, #tpu.memory_space<vmem>> -> memref<125xi32, #tpu.memory_space<vmem>>
      %dma_start3A_353 = arith.constant 0 : i32
      %dma_start3A_354 = arith.constant 0 : i32
      %dma_start3A_355 = tpu.memref_slice %arg16[%dma_start3A_353, %dma_start3A_354] : memref<10000x128xf32, #tpu.memory_space<vmem_shared>> -> memref<10000x128xf32, #tpu.memory_space<vmem_shared>>
      tpu.enqueue_indirect_dma source(%arg7 : memref<125x128xf32, #tpu.memory_space<vmem>>) target(%dma_start3A_355 : memref<10000x128xf32, #tpu.memory_space<vmem_shared>>) offsets(%dma_start3A_352 : memref<125xi32, #tpu.memory_space<vmem>>) semaphore(%arg20 : memref<!tpu.dma_semaphore, #tpu.memory_space<semaphore_mem>>) {add = true}
      %add3A_356 = arith.constant 2 : i32
      %add3A_357 = arith.addi %add3A_341, %add3A_356 : i32
      %lt3A_358 = arith.constant 80 : i32
      %lt3A_359 = arith.cmpi slt, %add3A_357, %lt3A_358 : i32
      %convert_element_type3A_360 = arith.extui %lt3A_359 : i1 to i32
      %cond3A_361 = arith.constant 0 : i32
      %cond3A_362 = arith.cmpi ne, %convert_element_type3A_360, %cond3A_361 : i32
      scf.if %cond3A_362 {
        %ge3A = arith.constant 1 : i32
        %ge3A_430 = arith.cmpi sge, %add3A_341, %ge3A : i32
        %convert_element_type3A_431 = arith.extui %ge3A_430 : i1 to i32
        %cond3A_432 = arith.constant 0 : i32
        %cond3A_433 = arith.cmpi ne, %convert_element_type3A_431, %cond3A_432 : i32
        scf.if %cond3A_433 {
          %sub3A = arith.constant 1 : i32
          %sub3A_453 = arith.subi %add3A_341, %sub3A : i32
          %dma_wait3A_454 = arith.constant 1 : i32
          %dma_wait3A_455 = arith.constant 0 : i32
          %dma_wait3A_456 = tpu.memref_slice %arg12[%dma_wait3A_454, %dma_wait3A_455] : memref<2x125xi32, #tpu.memory_space<vmem>> -> memref<1x125xi32, #tpu.memory_space<vmem>>
          %dma_wait3A_457 = tpu.memref_squeeze %dma_wait3A_456 : memref<1x125xi32, #tpu.memory_space<vmem>> -> memref<125xi32, #tpu.memory_space<vmem>>
          %dma_wait3A_458 = arith.constant 0 : i32
          %dma_wait3A_459 = arith.constant 0 : i32
          %dma_wait3A_460 = tpu.memref_slice %arg16[%dma_wait3A_458, %dma_wait3A_459] : memref<10000x128xf32, #tpu.memory_space<vmem_shared>> -> memref<10000x128xf32, #tpu.memory_space<vmem_shared>>
          tpu.wait_indirect_dma semaphore(%arg22 : memref<!tpu.dma_semaphore, #tpu.memory_space<semaphore_mem>>) src(%arg9 : memref<125x128xf32, #tpu.memory_space<vmem>>) dst(%dma_wait3A_460 : memref<10000x128xf32, #tpu.memory_space<vmem_shared>>)
        } else {
        }
        %add3A_434 = arith.constant 2 : i32
        %add3A_435 = arith.addi %add3A_341, %add3A_434 : i32
        %dma_wait3A_436 = arith.constant 0 : i32
        %dma_wait3A_437 = arith.constant 0 : i32
        %dma_wait3A_438 = tpu.memref_slice %arg4[%add3A, %add3A_435, %dma_wait3A_436, %dma_wait3A_437] : memref<32x80x2x125xi32, #tpu.memory_space<hbm>> -> memref<1x1x2x125xi32, #tpu.memory_space<hbm>>
        %dma_wait3A_439 = tpu.memref_squeeze %dma_wait3A_438 : memref<1x1x2x125xi32, #tpu.memory_space<hbm>> -> memref<2x125xi32, #tpu.memory_space<hbm>>
        %dma_wait3A_440 = arith.constant 0 : i32
        %dma_wait3A_441 = arith.constant 0 : i32
        %dma_wait3A_442 = tpu.memref_slice %arg4[%add3A, %add3A_435, %dma_wait3A_440, %dma_wait3A_441] : memref<32x80x2x125xi32, #tpu.memory_space<hbm>> -> memref<1x1x2x125xi32, #tpu.memory_space<hbm>>
        %dma_wait3A_443 = tpu.memref_squeeze %dma_wait3A_442 : memref<1x1x2x125xi32, #tpu.memory_space<hbm>> -> memref<2x125xi32, #tpu.memory_space<hbm>>
        tpu.wait_dma2 semaphore(%arg28 : memref<!tpu.dma_semaphore, #tpu.memory_space<semaphore_mem>>) src(%dma_wait3A_443 : memref<2x125xi32, #tpu.memory_space<hbm>>) dst(%arg15 : memref<2x125xi32, #tpu.memory_space<vmem>>)
        %add3A_444 = arith.constant 2 : i32
        %add3A_445 = arith.addi %add3A_341, %add3A_444 : i32
        %dma_start3A_446 = arith.constant 0 : i32
        %dma_start3A_447 = arith.constant 0 : i32
        %dma_start3A_448 = tpu.memref_slice %arg15[%dma_start3A_446, %dma_start3A_447] : memref<2x125xi32, #tpu.memory_space<vmem>> -> memref<1x125xi32, #tpu.memory_space<vmem>>
        %dma_start3A_449 = tpu.memref_squeeze %dma_start3A_448 : memref<1x125xi32, #tpu.memory_space<vmem>> -> memref<125xi32, #tpu.memory_space<vmem>>
        %dma_start3A_450 = arith.constant 0 : i32
        %dma_start3A_451 = arith.constant 0 : i32
        %dma_start3A_452 = tpu.memref_slice %arg3[%dma_start3A_450, %dma_start3A_451] : memref<10000x128xf32, #tpu.memory_space<hbm>> -> memref<10000x128xf32, #tpu.memory_space<hbm>>
        tpu.enqueue_indirect_dma source(%dma_start3A_452 : memref<10000x128xf32, #tpu.memory_space<hbm>>) target(%arg9 : memref<125x128xf32, #tpu.memory_space<vmem>>) offsets(%dma_start3A_449 : memref<125xi32, #tpu.memory_space<vmem>>) semaphore(%arg19 : memref<!tpu.dma_semaphore, #tpu.memory_space<semaphore_mem>>)
      } else {
      }
      %add3A_363 = arith.constant 4 : i32
      %add3A_364 = arith.addi %add3A_341, %add3A_363 : i32
      %lt3A_365 = arith.constant 80 : i32
      %lt3A_366 = arith.cmpi slt, %add3A_364, %lt3A_365 : i32
      %convert_element_type3A_367 = arith.extui %lt3A_366 : i1 to i32
      %cond3A_368 = arith.constant 0 : i32
      %cond3A_369 = arith.cmpi ne, %convert_element_type3A_367, %cond3A_368 : i32
      scf.if %cond3A_369 {
        %add3A_430 = arith.constant 4 : i32
        %add3A_431 = arith.addi %add3A_341, %add3A_430 : i32
        %dma_start3A_432 = arith.constant 0 : i32
        %dma_start3A_433 = arith.constant 0 : i32
        %dma_start3A_434 = tpu.memref_slice %arg4[%add3A, %add3A_431, %dma_start3A_432, %dma_start3A_433] : memref<32x80x2x125xi32, #tpu.memory_space<hbm>> -> memref<1x1x2x125xi32, #tpu.memory_space<hbm>>
        %dma_start3A_435 = tpu.memref_squeeze %dma_start3A_434 : memref<1x1x2x125xi32, #tpu.memory_space<hbm>> -> memref<2x125xi32, #tpu.memory_space<hbm>>
        %dma_start3A_436 = arith.constant 0 : i32
        %dma_start3A_437 = arith.constant 0 : i32
        %dma_start3A_438 = tpu.memref_slice %arg4[%add3A, %add3A_431, %dma_start3A_436, %dma_start3A_437] : memref<32x80x2x125xi32, #tpu.memory_space<hbm>> -> memref<1x1x2x125xi32, #tpu.memory_space<hbm>>
        %dma_start3A_439 = tpu.memref_squeeze %dma_start3A_438 : memref<1x1x2x125xi32, #tpu.memory_space<hbm>> -> memref<2x125xi32, #tpu.memory_space<hbm>>
        tpu.enqueue_dma source(%dma_start3A_439 : memref<2x125xi32, #tpu.memory_space<hbm>>) target(%arg11 : memref<2x125xi32, #tpu.memory_space<vmem>>) target_semaphore(%arg24 : memref<!tpu.dma_semaphore, #tpu.memory_space<semaphore_mem>>)
      } else {
      }
      %add3A_370 = arith.constant 4 : i32
      %add3A_371 = arith.addi %mul3A_252, %add3A_370 : i32
      %dma_wait3A_372 = arith.constant 0 : i32
      %dma_wait3A_373 = arith.constant 0 : i32
      %dma_wait3A_374 = tpu.memref_slice %arg14[%dma_wait3A_372, %dma_wait3A_373] : memref<2x125xi32, #tpu.memory_space<vmem>> -> memref<1x125xi32, #tpu.memory_space<vmem>>
      %dma_wait3A_375 = tpu.memref_squeeze %dma_wait3A_374 : memref<1x125xi32, #tpu.memory_space<vmem>> -> memref<125xi32, #tpu.memory_space<vmem>>
      %dma_wait3A_376 = arith.constant 0 : i32
      %dma_wait3A_377 = arith.constant 0 : i32
      %dma_wait3A_378 = tpu.memref_slice %arg3[%dma_wait3A_376, %dma_wait3A_377] : memref<10000x128xf32, #tpu.memory_space<hbm>> -> memref<10000x128xf32, #tpu.memory_space<hbm>>
      tpu.wait_indirect_dma semaphore(%arg18 : memref<!tpu.dma_semaphore, #tpu.memory_space<semaphore_mem>>) src(%dma_wait3A_378 : memref<10000x128xf32, #tpu.memory_space<hbm>>) dst(%arg8 : memref<125x128xf32, #tpu.memory_space<vmem>>)
      %dma_start3A_379 = arith.constant 1 : i32
      %dma_start3A_380 = arith.constant 0 : i32
      %dma_start3A_381 = tpu.memref_slice %arg14[%dma_start3A_379, %dma_start3A_380] : memref<2x125xi32, #tpu.memory_space<vmem>> -> memref<1x125xi32, #tpu.memory_space<vmem>>
      %dma_start3A_382 = tpu.memref_squeeze %dma_start3A_381 : memref<1x125xi32, #tpu.memory_space<vmem>> -> memref<125xi32, #tpu.memory_space<vmem>>
      %dma_start3A_383 = arith.constant 0 : i32
      %dma_start3A_384 = arith.constant 0 : i32
      %dma_start3A_385 = tpu.memref_slice %arg16[%dma_start3A_383, %dma_start3A_384] : memref<10000x128xf32, #tpu.memory_space<vmem_shared>> -> memref<10000x128xf32, #tpu.memory_space<vmem_shared>>
      tpu.enqueue_indirect_dma source(%arg8 : memref<125x128xf32, #tpu.memory_space<vmem>>) target(%dma_start3A_385 : memref<10000x128xf32, #tpu.memory_space<vmem_shared>>) offsets(%dma_start3A_382 : memref<125xi32, #tpu.memory_space<vmem>>) semaphore(%arg21 : memref<!tpu.dma_semaphore, #tpu.memory_space<semaphore_mem>>) {add = true}
      %add3A_386 = arith.constant 2 : i32
      %add3A_387 = arith.addi %add3A_371, %add3A_386 : i32
      %lt3A_388 = arith.constant 80 : i32
      %lt3A_389 = arith.cmpi slt, %add3A_387, %lt3A_388 : i32
      %convert_element_type3A_390 = arith.extui %lt3A_389 : i1 to i32
      %cond3A_391 = arith.constant 0 : i32
      %cond3A_392 = arith.cmpi ne, %convert_element_type3A_390, %cond3A_391 : i32
      scf.if %cond3A_392 {
        %ge3A = arith.constant 1 : i32
        %ge3A_430 = arith.cmpi sge, %add3A_371, %ge3A : i32
        %convert_element_type3A_431 = arith.extui %ge3A_430 : i1 to i32
        %cond3A_432 = arith.constant 0 : i32
        %cond3A_433 = arith.cmpi ne, %convert_element_type3A_431, %cond3A_432 : i32
        scf.if %cond3A_433 {
          %sub3A = arith.constant 1 : i32
          %sub3A_453 = arith.subi %add3A_371, %sub3A : i32
          %dma_wait3A_454 = arith.constant 1 : i32
          %dma_wait3A_455 = arith.constant 0 : i32
          %dma_wait3A_456 = tpu.memref_slice %arg13[%dma_wait3A_454, %dma_wait3A_455] : memref<2x125xi32, #tpu.memory_space<vmem>> -> memref<1x125xi32, #tpu.memory_space<vmem>>
          %dma_wait3A_457 = tpu.memref_squeeze %dma_wait3A_456 : memref<1x125xi32, #tpu.memory_space<vmem>> -> memref<125xi32, #tpu.memory_space<vmem>>
          %dma_wait3A_458 = arith.constant 0 : i32
          %dma_wait3A_459 = arith.constant 0 : i32
          %dma_wait3A_460 = tpu.memref_slice %arg16[%dma_wait3A_458, %dma_wait3A_459] : memref<10000x128xf32, #tpu.memory_space<vmem_shared>> -> memref<10000x128xf32, #tpu.memory_space<vmem_shared>>
          tpu.wait_indirect_dma semaphore(%arg20 : memref<!tpu.dma_semaphore, #tpu.memory_space<semaphore_mem>>) src(%arg7 : memref<125x128xf32, #tpu.memory_space<vmem>>) dst(%dma_wait3A_460 : memref<10000x128xf32, #tpu.memory_space<vmem_shared>>)
        } else {
        }
        %add3A_434 = arith.constant 2 : i32
        %add3A_435 = arith.addi %add3A_371, %add3A_434 : i32
        %dma_wait3A_436 = arith.constant 0 : i32
        %dma_wait3A_437 = arith.constant 0 : i32
        %dma_wait3A_438 = tpu.memref_slice %arg4[%add3A, %add3A_435, %dma_wait3A_436, %dma_wait3A_437] : memref<32x80x2x125xi32, #tpu.memory_space<hbm>> -> memref<1x1x2x125xi32, #tpu.memory_space<hbm>>
        %dma_wait3A_439 = tpu.memref_squeeze %dma_wait3A_438 : memref<1x1x2x125xi32, #tpu.memory_space<hbm>> -> memref<2x125xi32, #tpu.memory_space<hbm>>
        %dma_wait3A_440 = arith.constant 0 : i32
        %dma_wait3A_441 = arith.constant 0 : i32
        %dma_wait3A_442 = tpu.memref_slice %arg4[%add3A, %add3A_435, %dma_wait3A_440, %dma_wait3A_441] : memref<32x80x2x125xi32, #tpu.memory_space<hbm>> -> memref<1x1x2x125xi32, #tpu.memory_space<hbm>>
        %dma_wait3A_443 = tpu.memref_squeeze %dma_wait3A_442 : memref<1x1x2x125xi32, #tpu.memory_space<hbm>> -> memref<2x125xi32, #tpu.memory_space<hbm>>
        tpu.wait_dma2 semaphore(%arg23 : memref<!tpu.dma_semaphore, #tpu.memory_space<semaphore_mem>>) src(%dma_wait3A_443 : memref<2x125xi32, #tpu.memory_space<hbm>>) dst(%arg10 : memref<2x125xi32, #tpu.memory_space<vmem>>)
        %add3A_444 = arith.constant 2 : i32
        %add3A_445 = arith.addi %add3A_371, %add3A_444 : i32
        %dma_start3A_446 = arith.constant 0 : i32
        %dma_start3A_447 = arith.constant 0 : i32
        %dma_start3A_448 = tpu.memref_slice %arg10[%dma_start3A_446, %dma_start3A_447] : memref<2x125xi32, #tpu.memory_space<vmem>> -> memref<1x125xi32, #tpu.memory_space<vmem>>
        %dma_start3A_449 = tpu.memref_squeeze %dma_start3A_448 : memref<1x125xi32, #tpu.memory_space<vmem>> -> memref<125xi32, #tpu.memory_space<vmem>>
        %dma_start3A_450 = arith.constant 0 : i32
        %dma_start3A_451 = arith.constant 0 : i32
        %dma_start3A_452 = tpu.memref_slice %arg3[%dma_start3A_450, %dma_start3A_451] : memref<10000x128xf32, #tpu.memory_space<hbm>> -> memref<10000x128xf32, #tpu.memory_space<hbm>>
        tpu.enqueue_indirect_dma source(%dma_start3A_452 : memref<10000x128xf32, #tpu.memory_space<hbm>>) target(%arg7 : memref<125x128xf32, #tpu.memory_space<vmem>>) offsets(%dma_start3A_449 : memref<125xi32, #tpu.memory_space<vmem>>) semaphore(%arg17 : memref<!tpu.dma_semaphore, #tpu.memory_space<semaphore_mem>>)
      } else {
      }
      %add3A_393 = arith.constant 4 : i32
      %add3A_394 = arith.addi %add3A_371, %add3A_393 : i32
      %lt3A_395 = arith.constant 80 : i32
      %lt3A_396 = arith.cmpi slt, %add3A_394, %lt3A_395 : i32
      %convert_element_type3A_397 = arith.extui %lt3A_396 : i1 to i32
      %cond3A_398 = arith.constant 0 : i32
      %cond3A_399 = arith.cmpi ne, %convert_element_type3A_397, %cond3A_398 : i32
      scf.if %cond3A_399 {
        %add3A_430 = arith.constant 4 : i32
        %add3A_431 = arith.addi %add3A_371, %add3A_430 : i32
        %dma_start3A_432 = arith.constant 0 : i32
        %dma_start3A_433 = arith.constant 0 : i32
        %dma_start3A_434 = tpu.memref_slice %arg4[%add3A, %add3A_431, %dma_start3A_432, %dma_start3A_433] : memref<32x80x2x125xi32, #tpu.memory_space<hbm>> -> memref<1x1x2x125xi32, #tpu.memory_space<hbm>>
        %dma_start3A_435 = tpu.memref_squeeze %dma_start3A_434 : memref<1x1x2x125xi32, #tpu.memory_space<hbm>> -> memref<2x125xi32, #tpu.memory_space<hbm>>
        %dma_start3A_436 = arith.constant 0 : i32
        %dma_start3A_437 = arith.constant 0 : i32
        %dma_start3A_438 = tpu.memref_slice %arg4[%add3A, %add3A_431, %dma_start3A_436, %dma_start3A_437] : memref<32x80x2x125xi32, #tpu.memory_space<hbm>> -> memref<1x1x2x125xi32, #tpu.memory_space<hbm>>
        %dma_start3A_439 = tpu.memref_squeeze %dma_start3A_438 : memref<1x1x2x125xi32, #tpu.memory_space<hbm>> -> memref<2x125xi32, #tpu.memory_space<hbm>>
        tpu.enqueue_dma source(%dma_start3A_439 : memref<2x125xi32, #tpu.memory_space<hbm>>) target(%arg12 : memref<2x125xi32, #tpu.memory_space<vmem>>) target_semaphore(%arg25 : memref<!tpu.dma_semaphore, #tpu.memory_space<semaphore_mem>>)
      } else {
      }
      %add3A_400 = arith.constant 5 : i32
      %add3A_401 = arith.addi %mul3A_252, %add3A_400 : i32
      %dma_wait3A_402 = arith.constant 0 : i32
      %dma_wait3A_403 = arith.constant 0 : i32
      %dma_wait3A_404 = tpu.memref_slice %arg15[%dma_wait3A_402, %dma_wait3A_403] : memref<2x125xi32, #tpu.memory_space<vmem>> -> memref<1x125xi32, #tpu.memory_space<vmem>>
      %dma_wait3A_405 = tpu.memref_squeeze %dma_wait3A_404 : memref<1x125xi32, #tpu.memory_space<vmem>> -> memref<125xi32, #tpu.memory_space<vmem>>
      %dma_wait3A_406 = arith.constant 0 : i32
      %dma_wait3A_407 = arith.constant 0 : i32
      %dma_wait3A_408 = tpu.memref_slice %arg3[%dma_wait3A_406, %dma_wait3A_407] : memref<10000x128xf32, #tpu.memory_space<hbm>> -> memref<10000x128xf32, #tpu.memory_space<hbm>>
      tpu.wait_indirect_dma semaphore(%arg19 : memref<!tpu.dma_semaphore, #tpu.memory_space<semaphore_mem>>) src(%dma_wait3A_408 : memref<10000x128xf32, #tpu.memory_space<hbm>>) dst(%arg9 : memref<125x128xf32, #tpu.memory_space<vmem>>)
      %dma_start3A_409 = arith.constant 1 : i32
      %dma_start3A_410 = arith.constant 0 : i32
      %dma_start3A_411 = tpu.memref_slice %arg15[%dma_start3A_409, %dma_start3A_410] : memref<2x125xi32, #tpu.memory_space<vmem>> -> memref<1x125xi32, #tpu.memory_space<vmem>>
      %dma_start3A_412 = tpu.memref_squeeze %dma_start3A_411 : memref<1x125xi32, #tpu.memory_space<vmem>> -> memref<125xi32, #tpu.memory_space<vmem>>
      %dma_start3A_413 = arith.constant 0 : i32
      %dma_start3A_414 = arith.constant 0 : i32
      %dma_start3A_415 = tpu.memref_slice %arg16[%dma_start3A_413, %dma_start3A_414] : memref<10000x128xf32, #tpu.memory_space<vmem_shared>> -> memref<10000x128xf32, #tpu.memory_space<vmem_shared>>
      tpu.enqueue_indirect_dma source(%arg9 : memref<125x128xf32, #tpu.memory_space<vmem>>) target(%dma_start3A_415 : memref<10000x128xf32, #tpu.memory_space<vmem_shared>>) offsets(%dma_start3A_412 : memref<125xi32, #tpu.memory_space<vmem>>) semaphore(%arg22 : memref<!tpu.dma_semaphore, #tpu.memory_space<semaphore_mem>>) {add = true}
      %add3A_416 = arith.constant 2 : i32
      %add3A_417 = arith.addi %add3A_401, %add3A_416 : i32
      %lt3A_418 = arith.constant 80 : i32
      %lt3A_419 = arith.cmpi slt, %add3A_417, %lt3A_418 : i32
      %convert_element_type3A_420 = arith.extui %lt3A_419 : i1 to i32
      %cond3A_421 = arith.constant 0 : i32
      %cond3A_422 = arith.cmpi ne, %convert_element_type3A_420, %cond3A_421 : i32
      scf.if %cond3A_422 {
        %ge3A = arith.constant 1 : i32
        %ge3A_430 = arith.cmpi sge, %add3A_401, %ge3A : i32
        %convert_element_type3A_431 = arith.extui %ge3A_430 : i1 to i32
        %cond3A_432 = arith.constant 0 : i32
        %cond3A_433 = arith.cmpi ne, %convert_element_type3A_431, %cond3A_432 : i32
        scf.if %cond3A_433 {
          %sub3A = arith.constant 1 : i32
          %sub3A_453 = arith.subi %add3A_401, %sub3A : i32
          %dma_wait3A_454 = arith.constant 1 : i32
          %dma_wait3A_455 = arith.constant 0 : i32
          %dma_wait3A_456 = tpu.memref_slice %arg14[%dma_wait3A_454, %dma_wait3A_455] : memref<2x125xi32, #tpu.memory_space<vmem>> -> memref<1x125xi32, #tpu.memory_space<vmem>>
          %dma_wait3A_457 = tpu.memref_squeeze %dma_wait3A_456 : memref<1x125xi32, #tpu.memory_space<vmem>> -> memref<125xi32, #tpu.memory_space<vmem>>
          %dma_wait3A_458 = arith.constant 0 : i32
          %dma_wait3A_459 = arith.constant 0 : i32
          %dma_wait3A_460 = tpu.memref_slice %arg16[%dma_wait3A_458, %dma_wait3A_459] : memref<10000x128xf32, #tpu.memory_space<vmem_shared>> -> memref<10000x128xf32, #tpu.memory_space<vmem_shared>>
          tpu.wait_indirect_dma semaphore(%arg21 : memref<!tpu.dma_semaphore, #tpu.memory_space<semaphore_mem>>) src(%arg8 : memref<125x128xf32, #tpu.memory_space<vmem>>) dst(%dma_wait3A_460 : memref<10000x128xf32, #tpu.memory_space<vmem_shared>>)
        } else {
        }
        %add3A_434 = arith.constant 2 : i32
        %add3A_435 = arith.addi %add3A_401, %add3A_434 : i32
        %dma_wait3A_436 = arith.constant 0 : i32
        %dma_wait3A_437 = arith.constant 0 : i32
        %dma_wait3A_438 = tpu.memref_slice %arg4[%add3A, %add3A_435, %dma_wait3A_436, %dma_wait3A_437] : memref<32x80x2x125xi32, #tpu.memory_space<hbm>> -> memref<1x1x2x125xi32, #tpu.memory_space<hbm>>
        %dma_wait3A_439 = tpu.memref_squeeze %dma_wait3A_438 : memref<1x1x2x125xi32, #tpu.memory_space<hbm>> -> memref<2x125xi32, #tpu.memory_space<hbm>>
        %dma_wait3A_440 = arith.constant 0 : i32
        %dma_wait3A_441 = arith.constant 0 : i32
        %dma_wait3A_442 = tpu.memref_slice %arg4[%add3A, %add3A_435, %dma_wait3A_440, %dma_wait3A_441] : memref<32x80x2x125xi32, #tpu.memory_space<hbm>> -> memref<1x1x2x125xi32, #tpu.memory_space<hbm>>
        %dma_wait3A_443 = tpu.memref_squeeze %dma_wait3A_442 : memref<1x1x2x125xi32, #tpu.memory_space<hbm>> -> memref<2x125xi32, #tpu.memory_space<hbm>>
        tpu.wait_dma2 semaphore(%arg24 : memref<!tpu.dma_semaphore, #tpu.memory_space<semaphore_mem>>) src(%dma_wait3A_443 : memref<2x125xi32, #tpu.memory_space<hbm>>) dst(%arg11 : memref<2x125xi32, #tpu.memory_space<vmem>>)
        %add3A_444 = arith.constant 2 : i32
        %add3A_445 = arith.addi %add3A_401, %add3A_444 : i32
        %dma_start3A_446 = arith.constant 0 : i32
        %dma_start3A_447 = arith.constant 0 : i32
        %dma_start3A_448 = tpu.memref_slice %arg11[%dma_start3A_446, %dma_start3A_447] : memref<2x125xi32, #tpu.memory_space<vmem>> -> memref<1x125xi32, #tpu.memory_space<vmem>>
        %dma_start3A_449 = tpu.memref_squeeze %dma_start3A_448 : memref<1x125xi32, #tpu.memory_space<vmem>> -> memref<125xi32, #tpu.memory_space<vmem>>
        %dma_start3A_450 = arith.constant 0 : i32
        %dma_start3A_451 = arith.constant 0 : i32
        %dma_start3A_452 = tpu.memref_slice %arg3[%dma_start3A_450, %dma_start3A_451] : memref<10000x128xf32, #tpu.memory_space<hbm>> -> memref<10000x128xf32, #tpu.memory_space<hbm>>
        tpu.enqueue_indirect_dma source(%dma_start3A_452 : memref<10000x128xf32, #tpu.memory_space<hbm>>) target(%arg8 : memref<125x128xf32, #tpu.memory_space<vmem>>) offsets(%dma_start3A_449 : memref<125xi32, #tpu.memory_space<vmem>>) semaphore(%arg18 : memref<!tpu.dma_semaphore, #tpu.memory_space<semaphore_mem>>)
      } else {
      }
      %add3A_423 = arith.constant 4 : i32
      %add3A_424 = arith.addi %add3A_401, %add3A_423 : i32
      %lt3A_425 = arith.constant 80 : i32
      %lt3A_426 = arith.cmpi slt, %add3A_424, %lt3A_425 : i32
      %convert_element_type3A_427 = arith.extui %lt3A_426 : i1 to i32
      %cond3A_428 = arith.constant 0 : i32
      %cond3A_429 = arith.cmpi ne, %convert_element_type3A_427, %cond3A_428 : i32
      scf.if %cond3A_429 {
        %add3A_430 = arith.constant 4 : i32
        %add3A_431 = arith.addi %add3A_401, %add3A_430 : i32
        %dma_start3A_432 = arith.constant 0 : i32
        %dma_start3A_433 = arith.constant 0 : i32
        %dma_start3A_434 = tpu.memref_slice %arg4[%add3A, %add3A_431, %dma_start3A_432, %dma_start3A_433] : memref<32x80x2x125xi32, #tpu.memory_space<hbm>> -> memref<1x1x2x125xi32, #tpu.memory_space<hbm>>
        %dma_start3A_435 = tpu.memref_squeeze %dma_start3A_434 : memref<1x1x2x125xi32, #tpu.memory_space<hbm>> -> memref<2x125xi32, #tpu.memory_space<hbm>>
        %dma_start3A_436 = arith.constant 0 : i32
        %dma_start3A_437 = arith.constant 0 : i32
        %dma_start3A_438 = tpu.memref_slice %arg4[%add3A, %add3A_431, %dma_start3A_436, %dma_start3A_437] : memref<32x80x2x125xi32, #tpu.memory_space<hbm>> -> memref<1x1x2x125xi32, #tpu.memory_space<hbm>>
        %dma_start3A_439 = tpu.memref_squeeze %dma_start3A_438 : memref<1x1x2x125xi32, #tpu.memory_space<hbm>> -> memref<2x125xi32, #tpu.memory_space<hbm>>
        tpu.enqueue_dma source(%dma_start3A_439 : memref<2x125xi32, #tpu.memory_space<hbm>>) target(%arg13 : memref<2x125xi32, #tpu.memory_space<vmem>>) target_semaphore(%arg26 : memref<!tpu.dma_semaphore, #tpu.memory_space<semaphore_mem>>)
      } else {
      }
    }
    %scan3A_198 = arith.constant 13 : i32
    %dma_wait3A_199 = arith.constant 0 : i32
    %dma_wait3A_200 = arith.constant 0 : i32
    %dma_wait3A_201 = tpu.memref_slice %arg10[%dma_wait3A_199, %dma_wait3A_200] : memref<2x125xi32, #tpu.memory_space<vmem>> -> memref<1x125xi32, #tpu.memory_space<vmem>>
    %dma_wait3A_202 = tpu.memref_squeeze %dma_wait3A_201 : memref<1x125xi32, #tpu.memory_space<vmem>> -> memref<125xi32, #tpu.memory_space<vmem>>
    %dma_wait3A_203 = arith.constant 0 : i32
    %dma_wait3A_204 = arith.constant 0 : i32
    %dma_wait3A_205 = tpu.memref_slice %arg3[%dma_wait3A_203, %dma_wait3A_204] : memref<10000x128xf32, #tpu.memory_space<hbm>> -> memref<10000x128xf32, #tpu.memory_space<hbm>>
    tpu.wait_indirect_dma semaphore(%arg17 : memref<!tpu.dma_semaphore, #tpu.memory_space<semaphore_mem>>) src(%dma_wait3A_205 : memref<10000x128xf32, #tpu.memory_space<hbm>>) dst(%arg7 : memref<125x128xf32, #tpu.memory_space<vmem>>)
    %dma_start3A_206 = arith.constant 1 : i32
    %dma_start3A_207 = arith.constant 0 : i32
    %dma_start3A_208 = tpu.memref_slice %arg10[%dma_start3A_206, %dma_start3A_207] : memref<2x125xi32, #tpu.memory_space<vmem>> -> memref<1x125xi32, #tpu.memory_space<vmem>>
    %dma_start3A_209 = tpu.memref_squeeze %dma_start3A_208 : memref<1x125xi32, #tpu.memory_space<vmem>> -> memref<125xi32, #tpu.memory_space<vmem>>
    %dma_start3A_210 = arith.constant 0 : i32
    %dma_start3A_211 = arith.constant 0 : i32
    %dma_start3A_212 = tpu.memref_slice %arg16[%dma_start3A_210, %dma_start3A_211] : memref<10000x128xf32, #tpu.memory_space<vmem_shared>> -> memref<10000x128xf32, #tpu.memory_space<vmem_shared>>
    tpu.enqueue_indirect_dma source(%arg7 : memref<125x128xf32, #tpu.memory_space<vmem>>) target(%dma_start3A_212 : memref<10000x128xf32, #tpu.memory_space<vmem_shared>>) offsets(%dma_start3A_209 : memref<125xi32, #tpu.memory_space<vmem>>) semaphore(%arg20 : memref<!tpu.dma_semaphore, #tpu.memory_space<semaphore_mem>>) {add = true}
    %dma_wait3A_213 = arith.constant 0 : i32
    %dma_wait3A_214 = arith.constant 0 : i32
    %dma_wait3A_215 = tpu.memref_slice %arg11[%dma_wait3A_213, %dma_wait3A_214] : memref<2x125xi32, #tpu.memory_space<vmem>> -> memref<1x125xi32, #tpu.memory_space<vmem>>
    %dma_wait3A_216 = tpu.memref_squeeze %dma_wait3A_215 : memref<1x125xi32, #tpu.memory_space<vmem>> -> memref<125xi32, #tpu.memory_space<vmem>>
    %dma_wait3A_217 = arith.constant 0 : i32
    %dma_wait3A_218 = arith.constant 0 : i32
    %dma_wait3A_219 = tpu.memref_slice %arg3[%dma_wait3A_217, %dma_wait3A_218] : memref<10000x128xf32, #tpu.memory_space<hbm>> -> memref<10000x128xf32, #tpu.memory_space<hbm>>
    tpu.wait_indirect_dma semaphore(%arg18 : memref<!tpu.dma_semaphore, #tpu.memory_space<semaphore_mem>>) src(%dma_wait3A_219 : memref<10000x128xf32, #tpu.memory_space<hbm>>) dst(%arg8 : memref<125x128xf32, #tpu.memory_space<vmem>>)
    %dma_start3A_220 = arith.constant 1 : i32
    %dma_start3A_221 = arith.constant 0 : i32
    %dma_start3A_222 = tpu.memref_slice %arg11[%dma_start3A_220, %dma_start3A_221] : memref<2x125xi32, #tpu.memory_space<vmem>> -> memref<1x125xi32, #tpu.memory_space<vmem>>
    %dma_start3A_223 = tpu.memref_squeeze %dma_start3A_222 : memref<1x125xi32, #tpu.memory_space<vmem>> -> memref<125xi32, #tpu.memory_space<vmem>>
    %dma_start3A_224 = arith.constant 0 : i32
    %dma_start3A_225 = arith.constant 0 : i32
    %dma_start3A_226 = tpu.memref_slice %arg16[%dma_start3A_224, %dma_start3A_225] : memref<10000x128xf32, #tpu.memory_space<vmem_shared>> -> memref<10000x128xf32, #tpu.memory_space<vmem_shared>>
    tpu.enqueue_indirect_dma source(%arg8 : memref<125x128xf32, #tpu.memory_space<vmem>>) target(%dma_start3A_226 : memref<10000x128xf32, #tpu.memory_space<vmem_shared>>) offsets(%dma_start3A_223 : memref<125xi32, #tpu.memory_space<vmem>>) semaphore(%arg21 : memref<!tpu.dma_semaphore, #tpu.memory_space<semaphore_mem>>) {add = true}
    %dma_wait3A_227 = arith.constant 1 : i32
    %dma_wait3A_228 = arith.constant 0 : i32
    %dma_wait3A_229 = tpu.memref_slice %arg15[%dma_wait3A_227, %dma_wait3A_228] : memref<2x125xi32, #tpu.memory_space<vmem>> -> memref<1x125xi32, #tpu.memory_space<vmem>>
    %dma_wait3A_230 = tpu.memref_squeeze %dma_wait3A_229 : memref<1x125xi32, #tpu.memory_space<vmem>> -> memref<125xi32, #tpu.memory_space<vmem>>
    %dma_wait3A_231 = arith.constant 0 : i32
    %dma_wait3A_232 = arith.constant 0 : i32
    %dma_wait3A_233 = tpu.memref_slice %arg16[%dma_wait3A_231, %dma_wait3A_232] : memref<10000x128xf32, #tpu.memory_space<vmem_shared>> -> memref<10000x128xf32, #tpu.memory_space<vmem_shared>>
    tpu.wait_indirect_dma semaphore(%arg22 : memref<!tpu.dma_semaphore, #tpu.memory_space<semaphore_mem>>) src(%arg9 : memref<125x128xf32, #tpu.memory_space<vmem>>) dst(%dma_wait3A_233 : memref<10000x128xf32, #tpu.memory_space<vmem_shared>>)
    %dma_wait3A_234 = arith.constant 1 : i32
    %dma_wait3A_235 = arith.constant 0 : i32
    %dma_wait3A_236 = tpu.memref_slice %arg10[%dma_wait3A_234, %dma_wait3A_235] : memref<2x125xi32, #tpu.memory_space<vmem>> -> memref<1x125xi32, #tpu.memory_space<vmem>>
    %dma_wait3A_237 = tpu.memref_squeeze %dma_wait3A_236 : memref<1x125xi32, #tpu.memory_space<vmem>> -> memref<125xi32, #tpu.memory_space<vmem>>
    %dma_wait3A_238 = arith.constant 0 : i32
    %dma_wait3A_239 = arith.constant 0 : i32
    %dma_wait3A_240 = tpu.memref_slice %arg16[%dma_wait3A_238, %dma_wait3A_239] : memref<10000x128xf32, #tpu.memory_space<vmem_shared>> -> memref<10000x128xf32, #tpu.memory_space<vmem_shared>>
    tpu.wait_indirect_dma semaphore(%arg20 : memref<!tpu.dma_semaphore, #tpu.memory_space<semaphore_mem>>) src(%arg7 : memref<125x128xf32, #tpu.memory_space<vmem>>) dst(%dma_wait3A_240 : memref<10000x128xf32, #tpu.memory_space<vmem_shared>>)
    %dma_wait3A_241 = arith.constant 1 : i32
    %dma_wait3A_242 = arith.constant 0 : i32
    %dma_wait3A_243 = tpu.memref_slice %arg11[%dma_wait3A_241, %dma_wait3A_242] : memref<2x125xi32, #tpu.memory_space<vmem>> -> memref<1x125xi32, #tpu.memory_space<vmem>>
    %dma_wait3A_244 = tpu.memref_squeeze %dma_wait3A_243 : memref<1x125xi32, #tpu.memory_space<vmem>> -> memref<125xi32, #tpu.memory_space<vmem>>
    %dma_wait3A_245 = arith.constant 0 : i32
    %dma_wait3A_246 = arith.constant 0 : i32
    %dma_wait3A_247 = tpu.memref_slice %arg16[%dma_wait3A_245, %dma_wait3A_246] : memref<10000x128xf32, #tpu.memory_space<vmem_shared>> -> memref<10000x128xf32, #tpu.memory_space<vmem_shared>>
    tpu.wait_indirect_dma semaphore(%arg21 : memref<!tpu.dma_semaphore, #tpu.memory_space<semaphore_mem>>) src(%arg8 : memref<125x128xf32, #tpu.memory_space<vmem>>) dst(%dma_wait3A_247 : memref<10000x128xf32, #tpu.memory_space<vmem_shared>>)
    %barrier3A_248 = arith.constant 0 : index
    tpu.barrier barrier_id(%barrier3A_248)
    %run_scoped3A_249 = arith.constant 1 : i32
    "tpu.region"() ({
      %run_scoped3A_250 = tpu.sem_alloc : memref<!tpu.dma_semaphore, #tpu.memory_space<semaphore_mem>>
      %dma_start3A_251 = arith.constant 0 : i32
      %dma_start3A_252 = tpu.memref_slice %arg6[%run_scoped3A_249, %arg0, %mul3A_2, %dma_start3A_251] : memref<2x2x10000x128xf32, #tpu.memory_space<hbm>> -> memref<1x1x625x128xf32, #tpu.memory_space<hbm>>
      %dma_start3A_253 = tpu.memref_squeeze %dma_start3A_252 : memref<1x1x625x128xf32, #tpu.memory_space<hbm>> -> memref<625x128xf32, #tpu.memory_space<hbm>>
      %dma_start3A_254 = arith.constant 0 : i32
      %dma_start3A_255 = tpu.memref_slice %arg16[%mul3A_2, %dma_start3A_254] : memref<10000x128xf32, #tpu.memory_space<vmem_shared>> -> memref<625x128xf32, #tpu.memory_space<vmem_shared>>
      tpu.enqueue_dma source(%dma_start3A_255 : memref<625x128xf32, #tpu.memory_space<vmem_shared>>) target(%dma_start3A_253 : memref<625x128xf32, #tpu.memory_space<hbm>>) target_semaphore(%run_scoped3A_250 : memref<!tpu.dma_semaphore, #tpu.memory_space<semaphore_mem>>)
      %dma_wait3A_256 = arith.constant 0 : i32
      %dma_wait3A_257 = tpu.memref_slice %arg6[%run_scoped3A_249, %arg0, %mul3A_2, %dma_wait3A_256] : memref<2x2x10000x128xf32, #tpu.memory_space<hbm>> -> memref<1x1x625x128xf32, #tpu.memory_space<hbm>>
      %dma_wait3A_258 = tpu.memref_squeeze %dma_wait3A_257 : memref<1x1x625x128xf32, #tpu.memory_space<hbm>> -> memref<625x128xf32, #tpu.memory_space<hbm>>
      %dma_wait3A_259 = arith.constant 0 : i32
      %dma_wait3A_260 = tpu.memref_slice %arg16[%mul3A_2, %dma_wait3A_259] : memref<10000x128xf32, #tpu.memory_space<vmem_shared>> -> memref<625x128xf32, #tpu.memory_space<vmem_shared>>
      tpu.wait_dma2 semaphore(%run_scoped3A_250 : memref<!tpu.dma_semaphore, #tpu.memory_space<semaphore_mem>>) src(%dma_wait3A_260 : memref<625x128xf32, #tpu.memory_space<vmem_shared>>) dst(%dma_wait3A_258 : memref<625x128xf32, #tpu.memory_space<hbm>>)
      tpu.yield
    }) : () -> ()
    return
  }
}

#map = affine_map<(d0, d1) -> (0)>
#map1 = affine_map<(d0, d1) -> (0, 0)>
module attributes {stable_mosaic.version = 14 : i64} {
  func.func @deg_kernel(%arg0: i32, %arg1: i32, %arg2: memref<320000xi32, #tpu.memory_space<hbm>>, %arg3: memref<10000xf32, #tpu.memory_space<hbm>>, %arg4: memref<32x10000xf32, #tpu.memory_space<hbm>>, %arg5: memref<10000xf32, #tpu.memory_space<vmem>>, %arg6: memref<10000xi32, #tpu.memory_space<vmem>>) attributes {dimension_semantics = [#tpu.dimension_semantics<core_parallel>, #tpu.dimension_semantics<subcore_parallel>], iteration_bounds = array<i64: 2, 16>, scalar_prefetch = 0 : i64, scratch_operands = 2 : i64, tpu.core_type = #tpu.core_type<sc_vector_subcore>, window_params = [{transform_indices = #map}, {transform_indices = #map}, {transform_indices = #map1}]} {
    %mul3A = arith.constant 2 : i32
    %mul3A_0 = arith.muli %arg1, %mul3A : i32
    %add3A = arith.addi %mul3A_0, %arg0 : i32
    "tpu.region"() ({
      %run_scoped3A = tpu.sem_alloc : memref<!tpu.dma_semaphore, #tpu.memory_space<semaphore_mem>>
      tpu.enqueue_dma source(%arg3 : memref<10000xf32, #tpu.memory_space<hbm>>) target(%arg5 : memref<10000xf32, #tpu.memory_space<vmem>>) target_semaphore(%run_scoped3A : memref<!tpu.dma_semaphore, #tpu.memory_space<semaphore_mem>>)
      tpu.wait_dma2 semaphore(%run_scoped3A : memref<!tpu.dma_semaphore, #tpu.memory_space<semaphore_mem>>) src(%arg3 : memref<10000xf32, #tpu.memory_space<hbm>>) dst(%arg5 : memref<10000xf32, #tpu.memory_space<vmem>>)
      tpu.yield
    }) : () -> ()
    %mul3A_1 = arith.constant 10000 : i32
    %mul3A_2 = arith.muli %add3A, %mul3A_1 : i32
    "tpu.region"() ({
      %run_scoped3A = tpu.sem_alloc : memref<!tpu.dma_semaphore, #tpu.memory_space<semaphore_mem>>
      %dma_start3A = tpu.memref_slice %arg2[%mul3A_2] : memref<320000xi32, #tpu.memory_space<hbm>> -> memref<10000xi32, #tpu.memory_space<hbm>>
      %dma_start3A_9 = tpu.memref_slice %arg2[%mul3A_2] : memref<320000xi32, #tpu.memory_space<hbm>> -> memref<10000xi32, #tpu.memory_space<hbm>>
      tpu.enqueue_dma source(%dma_start3A_9 : memref<10000xi32, #tpu.memory_space<hbm>>) target(%arg6 : memref<10000xi32, #tpu.memory_space<vmem>>) target_semaphore(%run_scoped3A : memref<!tpu.dma_semaphore, #tpu.memory_space<semaphore_mem>>)
      %dma_wait3A = tpu.memref_slice %arg2[%mul3A_2] : memref<320000xi32, #tpu.memory_space<hbm>> -> memref<10000xi32, #tpu.memory_space<hbm>>
      %dma_wait3A_10 = tpu.memref_slice %arg2[%mul3A_2] : memref<320000xi32, #tpu.memory_space<hbm>> -> memref<10000xi32, #tpu.memory_space<hbm>>
      tpu.wait_dma2 semaphore(%run_scoped3A : memref<!tpu.dma_semaphore, #tpu.memory_space<semaphore_mem>>) src(%dma_wait3A_10 : memref<10000xi32, #tpu.memory_space<hbm>>) dst(%arg6 : memref<10000xi32, #tpu.memory_space<vmem>>)
      tpu.yield
    }) : () -> ()
    %broadcast_in_dim3A = arith.constant 1.000000e+00 : f32
    %broadcast_in_dim3A_3 = vector.broadcast %broadcast_in_dim3A : f32 to vector<16xf32>
    %scan3A = arith.constant 0 : i32
    %scan3A_4 = arith.constant 0 : i32
    %scan3A_5 = arith.constant 625 : i32
    %scan3A_6 = arith.addi %scan3A_4, %scan3A_5 : i32
    %scan3A_7 = arith.constant 1 : i32
    scf.for %scan3A_9 = %scan3A_4 to %scan3A_6 step %scan3A_7  : i32 {
      %mul3A_10 = arith.constant 16 : i32
      %mul3A_11 = arith.muli %scan3A_9, %mul3A_10 : i32
      %get3A = arith.index_cast %mul3A_11 : i32 to index
      %get3A_12 = tpu.vector_load %arg6[%get3A] {strides = array<i32>} : memref<10000xi32, #tpu.memory_space<vmem>>, vector<16xi32>,
      tpu.vector_store_idx %arg5[%get3A_12], %broadcast_in_dim3A_3 {add = true} : memref<10000xf32, #tpu.memory_space<vmem>>[vector<16xi32>], vector<16xf32>,
    }
    %scan3A_8 = arith.constant 625 : i32
    "tpu.region"() ({
      %run_scoped3A = tpu.sem_alloc : memref<!tpu.dma_semaphore, #tpu.memory_space<semaphore_mem>>
      %dma_start3A = arith.constant 0 : i32
      %dma_start3A_9 = tpu.memref_slice %arg4[%add3A, %dma_start3A] : memref<32x10000xf32, #tpu.memory_space<hbm>> -> memref<1x10000xf32, #tpu.memory_space<hbm>>
      %dma_start3A_10 = tpu.memref_squeeze %dma_start3A_9 : memref<1x10000xf32, #tpu.memory_space<hbm>> -> memref<10000xf32, #tpu.memory_space<hbm>>
      %dma_start3A_11 = arith.constant 0 : i32
      %dma_start3A_12 = tpu.memref_slice %arg4[%add3A, %dma_start3A_11] : memref<32x10000xf32, #tpu.memory_space<hbm>> -> memref<1x10000xf32, #tpu.memory_space<hbm>>
      %dma_start3A_13 = tpu.memref_squeeze %dma_start3A_12 : memref<1x10000xf32, #tpu.memory_space<hbm>> -> memref<10000xf32, #tpu.memory_space<hbm>>
      tpu.enqueue_dma source(%arg5 : memref<10000xf32, #tpu.memory_space<vmem>>) target(%dma_start3A_13 : memref<10000xf32, #tpu.memory_space<hbm>>) target_semaphore(%run_scoped3A : memref<!tpu.dma_semaphore, #tpu.memory_space<semaphore_mem>>)
      %dma_wait3A = arith.constant 0 : i32
      %dma_wait3A_14 = tpu.memref_slice %arg4[%add3A, %dma_wait3A] : memref<32x10000xf32, #tpu.memory_space<hbm>> -> memref<1x10000xf32, #tpu.memory_space<hbm>>
      %dma_wait3A_15 = tpu.memref_squeeze %dma_wait3A_14 : memref<1x10000xf32, #tpu.memory_space<hbm>> -> memref<10000xf32, #tpu.memory_space<hbm>>
      %dma_wait3A_16 = arith.constant 0 : i32
      %dma_wait3A_17 = tpu.memref_slice %arg4[%add3A, %dma_wait3A_16] : memref<32x10000xf32, #tpu.memory_space<hbm>> -> memref<1x10000xf32, #tpu.memory_space<hbm>>
      %dma_wait3A_18 = tpu.memref_squeeze %dma_wait3A_17 : memref<1x10000xf32, #tpu.memory_space<hbm>> -> memref<10000xf32, #tpu.memory_space<hbm>>
      tpu.wait_dma2 semaphore(%run_scoped3A : memref<!tpu.dma_semaphore, #tpu.memory_space<semaphore_mem>>) src(%arg5 : memref<10000xf32, #tpu.memory_space<vmem>>) dst(%dma_wait3A_18 : memref<10000xf32, #tpu.memory_space<hbm>>)
      tpu.yield
    }) : () -> ()
    return
  }
}

#map = affine_map<(d0, d1) -> (0, 0)>
#map1 = affine_map<(d0, d1) -> (0, 0, 0, 0)>
module attributes {stable_mosaic.version = 14 : i64} {
  func.func @raw(%arg0: i32, %arg1: i32, %arg2: memref<10000x64xf32, #tpu.memory_space<hbm>>, %arg3: memref<32x80x2x125xi32, #tpu.memory_space<hbm>>, %arg4: memref<10000x64xf32, #tpu.memory_space<hbm>>, %arg5: memref<1x2x10000x64xf32, #tpu.memory_space<hbm>>, %arg6: memref<125x64xf32, #tpu.memory_space<vmem>>, %arg7: memref<125x64xf32, #tpu.memory_space<vmem>>, %arg8: memref<125x64xf32, #tpu.memory_space<vmem>>, %arg9: memref<2x125xi32, #tpu.memory_space<vmem>>, %arg10: memref<2x125xi32, #tpu.memory_space<vmem>>, %arg11: memref<2x125xi32, #tpu.memory_space<vmem>>, %arg12: memref<2x125xi32, #tpu.memory_space<vmem>>, %arg13: memref<2x125xi32, #tpu.memory_space<vmem>>, %arg14: memref<2x125xi32, #tpu.memory_space<vmem>>, %arg15: memref<10000x64xf32, #tpu.memory_space<vmem_shared>>, %arg16: memref<!tpu.dma_semaphore, #tpu.memory_space<semaphore_mem>>, %arg17: memref<!tpu.dma_semaphore, #tpu.memory_space<semaphore_mem>>, %arg18: memref<!tpu.dma_semaphore, #tpu.memory_space<semaphore_mem>>, %arg19: memref<!tpu.dma_semaphore, #tpu.memory_space<semaphore_mem>>, %arg20: memref<!tpu.dma_semaphore, #tpu.memory_space<semaphore_mem>>, %arg21: memref<!tpu.dma_semaphore, #tpu.memory_space<semaphore_mem>>, %arg22: memref<!tpu.dma_semaphore, #tpu.memory_space<semaphore_mem>>, %arg23: memref<!tpu.dma_semaphore, #tpu.memory_space<semaphore_mem>>, %arg24: memref<!tpu.dma_semaphore, #tpu.memory_space<semaphore_mem>>, %arg25: memref<!tpu.dma_semaphore, #tpu.memory_space<semaphore_mem>>, %arg26: memref<!tpu.dma_semaphore, #tpu.memory_space<semaphore_mem>>, %arg27: memref<!tpu.dma_semaphore, #tpu.memory_space<semaphore_mem>>) attributes {dimension_semantics = [#tpu.dimension_semantics<core_parallel>, #tpu.dimension_semantics<subcore_parallel>], iteration_bounds = array<i64: 2, 16>, scalar_prefetch = 0 : i64, scratch_operands = 22 : i64, tpu.core_type = #tpu.core_type<sc_vector_subcore>, window_params = [{transform_indices = #map}, {transform_indices = #map1}, {transform_indices = #map}, {transform_indices = #map1}]} {
    %mul3A = arith.constant 2 : i32
    %mul3A_0 = arith.muli %arg1, %mul3A : i32
    %add3A = arith.addi %mul3A_0, %arg0 : i32
    %mul3A_1 = arith.constant 625 : i32
    %mul3A_2 = arith.muli %arg1, %mul3A_1 : i32
    "tpu.region"() ({
      %run_scoped3A_124 = tpu.sem_alloc : memref<!tpu.dma_semaphore, #tpu.memory_space<semaphore_mem>>
      %dma_start3A_125 = arith.constant 0 : i32
      %dma_start3A_126 = tpu.memref_slice %arg15[%mul3A_2, %dma_start3A_125] : memref<10000x64xf32, #tpu.memory_space<vmem_shared>> -> memref<625x64xf32, #tpu.memory_space<vmem_shared>>
      %dma_start3A_127 = arith.constant 0 : i32
      %dma_start3A_128 = tpu.memref_slice %arg4[%mul3A_2, %dma_start3A_127] : memref<10000x64xf32, #tpu.memory_space<hbm>> -> memref<625x64xf32, #tpu.memory_space<hbm>>
      tpu.enqueue_dma source(%dma_start3A_128 : memref<625x64xf32, #tpu.memory_space<hbm>>) target(%dma_start3A_126 : memref<625x64xf32, #tpu.memory_space<vmem_shared>>) target_semaphore(%run_scoped3A_124 : memref<!tpu.dma_semaphore, #tpu.memory_space<semaphore_mem>>)
      %dma_wait3A_129 = arith.constant 0 : i32
      %dma_wait3A_130 = tpu.memref_slice %arg15[%mul3A_2, %dma_wait3A_129] : memref<10000x64xf32, #tpu.memory_space<vmem_shared>> -> memref<625x64xf32, #tpu.memory_space<vmem_shared>>
      %dma_wait3A_131 = arith.constant 0 : i32
      %dma_wait3A_132 = tpu.memref_slice %arg4[%mul3A_2, %dma_wait3A_131] : memref<10000x64xf32, #tpu.memory_space<hbm>> -> memref<625x64xf32, #tpu.memory_space<hbm>>
      tpu.wait_dma2 semaphore(%run_scoped3A_124 : memref<!tpu.dma_semaphore, #tpu.memory_space<semaphore_mem>>) src(%dma_wait3A_132 : memref<625x64xf32, #tpu.memory_space<hbm>>) dst(%dma_wait3A_130 : memref<625x64xf32, #tpu.memory_space<vmem_shared>>)
      tpu.yield
    }) : () -> ()
    %barrier3A = arith.constant 0 : index
    tpu.barrier barrier_id(%barrier3A)
    %dma_start3A = arith.constant 0 : i32
    %dma_start3A_3 = arith.constant 0 : i32
    %dma_start3A_4 = arith.constant 0 : i32
    %dma_start3A_5 = tpu.memref_slice %arg3[%add3A, %dma_start3A, %dma_start3A_3, %dma_start3A_4] : memref<32x80x2x125xi32, #tpu.memory_space<hbm>> -> memref<1x1x2x125xi32, #tpu.memory_space<hbm>>
    %dma_start3A_6 = tpu.memref_squeeze %dma_start3A_5 : memref<1x1x2x125xi32, #tpu.memory_space<hbm>> -> memref<2x125xi32, #tpu.memory_space<hbm>>
    %dma_start3A_7 = arith.constant 0 : i32
    %dma_start3A_8 = arith.constant 0 : i32
    %dma_start3A_9 = tpu.memref_slice %arg3[%add3A, %dma_start3A, %dma_start3A_7, %dma_start3A_8] : memref<32x80x2x125xi32, #tpu.memory_space<hbm>> -> memref<1x1x2x125xi32, #tpu.memory_space<hbm>>
    %dma_start3A_10 = tpu.memref_squeeze %dma_start3A_9 : memref<1x1x2x125xi32, #tpu.memory_space<hbm>> -> memref<2x125xi32, #tpu.memory_space<hbm>>
    tpu.enqueue_dma source(%dma_start3A_10 : memref<2x125xi32, #tpu.memory_space<hbm>>) target(%arg9 : memref<2x125xi32, #tpu.memory_space<vmem>>) target_semaphore(%arg22 : memref<!tpu.dma_semaphore, #tpu.memory_space<semaphore_mem>>)
    %dma_start3A_11 = arith.constant 1 : i32
    %dma_start3A_12 = arith.constant 0 : i32
    %dma_start3A_13 = arith.constant 0 : i32
    %dma_start3A_14 = tpu.memref_slice %arg3[%add3A, %dma_start3A_11, %dma_start3A_12, %dma_start3A_13] : memref<32x80x2x125xi32, #tpu.memory_space<hbm>> -> memref<1x1x2x125xi32, #tpu.memory_space<hbm>>
    %dma_start3A_15 = tpu.memref_squeeze %dma_start3A_14 : memref<1x1x2x125xi32, #tpu.memory_space<hbm>> -> memref<2x125xi32, #tpu.memory_space<hbm>>
    %dma_start3A_16 = arith.constant 0 : i32
    %dma_start3A_17 = arith.constant 0 : i32
    %dma_start3A_18 = tpu.memref_slice %arg3[%add3A, %dma_start3A_11, %dma_start3A_16, %dma_start3A_17] : memref<32x80x2x125xi32, #tpu.memory_space<hbm>> -> memref<1x1x2x125xi32, #tpu.memory_space<hbm>>
    %dma_start3A_19 = tpu.memref_squeeze %dma_start3A_18 : memref<1x1x2x125xi32, #tpu.memory_space<hbm>> -> memref<2x125xi32, #tpu.memory_space<hbm>>
    tpu.enqueue_dma source(%dma_start3A_19 : memref<2x125xi32, #tpu.memory_space<hbm>>) target(%arg10 : memref<2x125xi32, #tpu.memory_space<vmem>>) target_semaphore(%arg23 : memref<!tpu.dma_semaphore, #tpu.memory_space<semaphore_mem>>)
    %dma_start3A_20 = arith.constant 2 : i32
    %dma_start3A_21 = arith.constant 0 : i32
    %dma_start3A_22 = arith.constant 0 : i32
    %dma_start3A_23 = tpu.memref_slice %arg3[%add3A, %dma_start3A_20, %dma_start3A_21, %dma_start3A_22] : memref<32x80x2x125xi32, #tpu.memory_space<hbm>> -> memref<1x1x2x125xi32, #tpu.memory_space<hbm>>
    %dma_start3A_24 = tpu.memref_squeeze %dma_start3A_23 : memref<1x1x2x125xi32, #tpu.memory_space<hbm>> -> memref<2x125xi32, #tpu.memory_space<hbm>>
    %dma_start3A_25 = arith.constant 0 : i32
    %dma_start3A_26 = arith.constant 0 : i32
    %dma_start3A_27 = tpu.memref_slice %arg3[%add3A, %dma_start3A_20, %dma_start3A_25, %dma_start3A_26] : memref<32x80x2x125xi32, #tpu.memory_space<hbm>> -> memref<1x1x2x125xi32, #tpu.memory_space<hbm>>
    %dma_start3A_28 = tpu.memref_squeeze %dma_start3A_27 : memref<1x1x2x125xi32, #tpu.memory_space<hbm>> -> memref<2x125xi32, #tpu.memory_space<hbm>>
    tpu.enqueue_dma source(%dma_start3A_28 : memref<2x125xi32, #tpu.memory_space<hbm>>) target(%arg11 : memref<2x125xi32, #tpu.memory_space<vmem>>) target_semaphore(%arg24 : memref<!tpu.dma_semaphore, #tpu.memory_space<semaphore_mem>>)
    %dma_start3A_29 = arith.constant 3 : i32
    %dma_start3A_30 = arith.constant 0 : i32
    %dma_start3A_31 = arith.constant 0 : i32
    %dma_start3A_32 = tpu.memref_slice %arg3[%add3A, %dma_start3A_29, %dma_start3A_30, %dma_start3A_31] : memref<32x80x2x125xi32, #tpu.memory_space<hbm>> -> memref<1x1x2x125xi32, #tpu.memory_space<hbm>>
    %dma_start3A_33 = tpu.memref_squeeze %dma_start3A_32 : memref<1x1x2x125xi32, #tpu.memory_space<hbm>> -> memref<2x125xi32, #tpu.memory_space<hbm>>
    %dma_start3A_34 = arith.constant 0 : i32
    %dma_start3A_35 = arith.constant 0 : i32
    %dma_start3A_36 = tpu.memref_slice %arg3[%add3A, %dma_start3A_29, %dma_start3A_34, %dma_start3A_35] : memref<32x80x2x125xi32, #tpu.memory_space<hbm>> -> memref<1x1x2x125xi32, #tpu.memory_space<hbm>>
    %dma_start3A_37 = tpu.memref_squeeze %dma_start3A_36 : memref<1x1x2x125xi32, #tpu.memory_space<hbm>> -> memref<2x125xi32, #tpu.memory_space<hbm>>
    tpu.enqueue_dma source(%dma_start3A_37 : memref<2x125xi32, #tpu.memory_space<hbm>>) target(%arg12 : memref<2x125xi32, #tpu.memory_space<vmem>>) target_semaphore(%arg25 : memref<!tpu.dma_semaphore, #tpu.memory_space<semaphore_mem>>)
    %dma_wait3A = arith.constant 0 : i32
    %dma_wait3A_38 = arith.constant 0 : i32
    %dma_wait3A_39 = arith.constant 0 : i32
    %dma_wait3A_40 = tpu.memref_slice %arg3[%add3A, %dma_wait3A, %dma_wait3A_38, %dma_wait3A_39] : memref<32x80x2x125xi32, #tpu.memory_space<hbm>> -> memref<1x1x2x125xi32, #tpu.memory_space<hbm>>
    %dma_wait3A_41 = tpu.memref_squeeze %dma_wait3A_40 : memref<1x1x2x125xi32, #tpu.memory_space<hbm>> -> memref<2x125xi32, #tpu.memory_space<hbm>>
    %dma_wait3A_42 = arith.constant 0 : i32
    %dma_wait3A_43 = arith.constant 0 : i32
    %dma_wait3A_44 = tpu.memref_slice %arg3[%add3A, %dma_wait3A, %dma_wait3A_42, %dma_wait3A_43] : memref<32x80x2x125xi32, #tpu.memory_space<hbm>> -> memref<1x1x2x125xi32, #tpu.memory_space<hbm>>
    %dma_wait3A_45 = tpu.memref_squeeze %dma_wait3A_44 : memref<1x1x2x125xi32, #tpu.memory_space<hbm>> -> memref<2x125xi32, #tpu.memory_space<hbm>>
    tpu.wait_dma2 semaphore(%arg22 : memref<!tpu.dma_semaphore, #tpu.memory_space<semaphore_mem>>) src(%dma_wait3A_45 : memref<2x125xi32, #tpu.memory_space<hbm>>) dst(%arg9 : memref<2x125xi32, #tpu.memory_space<vmem>>)
    %dma_start3A_46 = arith.constant 0 : i32
    %dma_start3A_47 = arith.constant 0 : i32
    %dma_start3A_48 = tpu.memref_slice %arg9[%dma_start3A_46, %dma_start3A_47] : memref<2x125xi32, #tpu.memory_space<vmem>> -> memref<1x125xi32, #tpu.memory_space<vmem>>
    %dma_start3A_49 = tpu.memref_squeeze %dma_start3A_48 : memref<1x125xi32, #tpu.memory_space<vmem>> -> memref<125xi32, #tpu.memory_space<vmem>>
    %dma_start3A_50 = arith.constant 0 : i32
    %dma_start3A_51 = arith.constant 0 : i32
    %dma_start3A_52 = tpu.memref_slice %arg2[%dma_start3A_50, %dma_start3A_51] : memref<10000x64xf32, #tpu.memory_space<hbm>> -> memref<10000x64xf32, #tpu.memory_space<hbm>>
    tpu.enqueue_indirect_dma source(%dma_start3A_52 : memref<10000x64xf32, #tpu.memory_space<hbm>>) target(%arg6 : memref<125x64xf32, #tpu.memory_space<vmem>>) offsets(%dma_start3A_49 : memref<125xi32, #tpu.memory_space<vmem>>) semaphore(%arg16 : memref<!tpu.dma_semaphore, #tpu.memory_space<semaphore_mem>>)
    %dma_wait3A_53 = arith.constant 1 : i32
    %dma_wait3A_54 = arith.constant 0 : i32
    %dma_wait3A_55 = arith.constant 0 : i32
    %dma_wait3A_56 = tpu.memref_slice %arg3[%add3A, %dma_wait3A_53, %dma_wait3A_54, %dma_wait3A_55] : memref<32x80x2x125xi32, #tpu.memory_space<hbm>> -> memref<1x1x2x125xi32, #tpu.memory_space<hbm>>
    %dma_wait3A_57 = tpu.memref_squeeze %dma_wait3A_56 : memref<1x1x2x125xi32, #tpu.memory_space<hbm>> -> memref<2x125xi32, #tpu.memory_space<hbm>>
    %dma_wait3A_58 = arith.constant 0 : i32
    %dma_wait3A_59 = arith.constant 0 : i32
    %dma_wait3A_60 = tpu.memref_slice %arg3[%add3A, %dma_wait3A_53, %dma_wait3A_58, %dma_wait3A_59] : memref<32x80x2x125xi32, #tpu.memory_space<hbm>> -> memref<1x1x2x125xi32, #tpu.memory_space<hbm>>
    %dma_wait3A_61 = tpu.memref_squeeze %dma_wait3A_60 : memref<1x1x2x125xi32, #tpu.memory_space<hbm>> -> memref<2x125xi32, #tpu.memory_space<hbm>>
    tpu.wait_dma2 semaphore(%arg23 : memref<!tpu.dma_semaphore, #tpu.memory_space<semaphore_mem>>) src(%dma_wait3A_61 : memref<2x125xi32, #tpu.memory_space<hbm>>) dst(%arg10 : memref<2x125xi32, #tpu.memory_space<vmem>>)
    %dma_start3A_62 = arith.constant 0 : i32
    %dma_start3A_63 = arith.constant 0 : i32
    %dma_start3A_64 = tpu.memref_slice %arg10[%dma_start3A_62, %dma_start3A_63] : memref<2x125xi32, #tpu.memory_space<vmem>> -> memref<1x125xi32, #tpu.memory_space<vmem>>
    %dma_start3A_65 = tpu.memref_squeeze %dma_start3A_64 : memref<1x125xi32, #tpu.memory_space<vmem>> -> memref<125xi32, #tpu.memory_space<vmem>>
    %dma_start3A_66 = arith.constant 0 : i32
    %dma_start3A_67 = arith.constant 0 : i32
    %dma_start3A_68 = tpu.memref_slice %arg2[%dma_start3A_66, %dma_start3A_67] : memref<10000x64xf32, #tpu.memory_space<hbm>> -> memref<10000x64xf32, #tpu.memory_space<hbm>>
    tpu.enqueue_indirect_dma source(%dma_start3A_68 : memref<10000x64xf32, #tpu.memory_space<hbm>>) target(%arg7 : memref<125x64xf32, #tpu.memory_space<vmem>>) offsets(%dma_start3A_65 : memref<125xi32, #tpu.memory_space<vmem>>) semaphore(%arg17 : memref<!tpu.dma_semaphore, #tpu.memory_space<semaphore_mem>>)
    %scan3A = arith.constant 0 : i32
    %scan3A_69 = arith.constant 0 : i32
    %scan3A_70 = arith.constant 13 : i32
    %scan3A_71 = arith.addi %scan3A_69, %scan3A_70 : i32
    %scan3A_72 = arith.constant 1 : i32
    scf.for %scan3A_124 = %scan3A_69 to %scan3A_71 step %scan3A_72  : i32 {
      %mul3A_125 = arith.constant 6 : i32
      %mul3A_126 = arith.muli %scan3A_124, %mul3A_125 : i32
      %add3A_127 = arith.constant 0 : i32
      %add3A_128 = arith.addi %mul3A_126, %add3A_127 : i32
      %dma_wait3A_129 = arith.constant 0 : i32
      %dma_wait3A_130 = arith.constant 0 : i32
      %dma_wait3A_131 = tpu.memref_slice %arg9[%dma_wait3A_129, %dma_wait3A_130] : memref<2x125xi32, #tpu.memory_space<vmem>> -> memref<1x125xi32, #tpu.memory_space<vmem>>
      %dma_wait3A_132 = tpu.memref_squeeze %dma_wait3A_131 : memref<1x125xi32, #tpu.memory_space<vmem>> -> memref<125xi32, #tpu.memory_space<vmem>>
      %dma_wait3A_133 = arith.constant 0 : i32
      %dma_wait3A_134 = arith.constant 0 : i32
      %dma_wait3A_135 = tpu.memref_slice %arg2[%dma_wait3A_133, %dma_wait3A_134] : memref<10000x64xf32, #tpu.memory_space<hbm>> -> memref<10000x64xf32, #tpu.memory_space<hbm>>
      tpu.wait_indirect_dma semaphore(%arg16 : memref<!tpu.dma_semaphore, #tpu.memory_space<semaphore_mem>>) src(%dma_wait3A_135 : memref<10000x64xf32, #tpu.memory_space<hbm>>) dst(%arg6 : memref<125x64xf32, #tpu.memory_space<vmem>>)
      %dma_start3A_136 = arith.constant 1 : i32
      %dma_start3A_137 = arith.constant 0 : i32
      %dma_start3A_138 = tpu.memref_slice %arg9[%dma_start3A_136, %dma_start3A_137] : memref<2x125xi32, #tpu.memory_space<vmem>> -> memref<1x125xi32, #tpu.memory_space<vmem>>
      %dma_start3A_139 = tpu.memref_squeeze %dma_start3A_138 : memref<1x125xi32, #tpu.memory_space<vmem>> -> memref<125xi32, #tpu.memory_space<vmem>>
      %dma_start3A_140 = arith.constant 0 : i32
      %dma_start3A_141 = arith.constant 0 : i32
      %dma_start3A_142 = tpu.memref_slice %arg15[%dma_start3A_140, %dma_start3A_141] : memref<10000x64xf32, #tpu.memory_space<vmem_shared>> -> memref<10000x64xf32, #tpu.memory_space<vmem_shared>>
      tpu.enqueue_indirect_dma source(%arg6 : memref<125x64xf32, #tpu.memory_space<vmem>>) target(%dma_start3A_142 : memref<10000x64xf32, #tpu.memory_space<vmem_shared>>) offsets(%dma_start3A_139 : memref<125xi32, #tpu.memory_space<vmem>>) semaphore(%arg19 : memref<!tpu.dma_semaphore, #tpu.memory_space<semaphore_mem>>) {add = true}
      %add3A_143 = arith.constant 2 : i32
      %add3A_144 = arith.addi %add3A_128, %add3A_143 : i32
      %lt3A = arith.constant 80 : i32
      %lt3A_145 = arith.cmpi slt, %add3A_144, %lt3A : i32
      %convert_element_type3A = arith.extui %lt3A_145 : i1 to i32
      %cond3A = arith.constant 0 : i32
      %cond3A_146 = arith.cmpi ne, %convert_element_type3A, %cond3A : i32
      scf.if %cond3A_146 {
        %ge3A = arith.constant 1 : i32
        %ge3A_304 = arith.cmpi sge, %add3A_128, %ge3A : i32
        %convert_element_type3A_305 = arith.extui %ge3A_304 : i1 to i32
        %cond3A_306 = arith.constant 0 : i32
        %cond3A_307 = arith.cmpi ne, %convert_element_type3A_305, %cond3A_306 : i32
        scf.if %cond3A_307 {
          %sub3A = arith.constant 1 : i32
          %sub3A_327 = arith.subi %add3A_128, %sub3A : i32
          %dma_wait3A_328 = arith.constant 1 : i32
          %dma_wait3A_329 = arith.constant 0 : i32
          %dma_wait3A_330 = tpu.memref_slice %arg14[%dma_wait3A_328, %dma_wait3A_329] : memref<2x125xi32, #tpu.memory_space<vmem>> -> memref<1x125xi32, #tpu.memory_space<vmem>>
          %dma_wait3A_331 = tpu.memref_squeeze %dma_wait3A_330 : memref<1x125xi32, #tpu.memory_space<vmem>> -> memref<125xi32, #tpu.memory_space<vmem>>
          %dma_wait3A_332 = arith.constant 0 : i32
          %dma_wait3A_333 = arith.constant 0 : i32
          %dma_wait3A_334 = tpu.memref_slice %arg15[%dma_wait3A_332, %dma_wait3A_333] : memref<10000x64xf32, #tpu.memory_space<vmem_shared>> -> memref<10000x64xf32, #tpu.memory_space<vmem_shared>>
          tpu.wait_indirect_dma semaphore(%arg21 : memref<!tpu.dma_semaphore, #tpu.memory_space<semaphore_mem>>) src(%arg8 : memref<125x64xf32, #tpu.memory_space<vmem>>) dst(%dma_wait3A_334 : memref<10000x64xf32, #tpu.memory_space<vmem_shared>>)
        } else {
        }
        %add3A_308 = arith.constant 2 : i32
        %add3A_309 = arith.addi %add3A_128, %add3A_308 : i32
        %dma_wait3A_310 = arith.constant 0 : i32
        %dma_wait3A_311 = arith.constant 0 : i32
        %dma_wait3A_312 = tpu.memref_slice %arg3[%add3A, %add3A_309, %dma_wait3A_310, %dma_wait3A_311] : memref<32x80x2x125xi32, #tpu.memory_space<hbm>> -> memref<1x1x2x125xi32, #tpu.memory_space<hbm>>
        %dma_wait3A_313 = tpu.memref_squeeze %dma_wait3A_312 : memref<1x1x2x125xi32, #tpu.memory_space<hbm>> -> memref<2x125xi32, #tpu.memory_space<hbm>>
        %dma_wait3A_314 = arith.constant 0 : i32
        %dma_wait3A_315 = arith.constant 0 : i32
        %dma_wait3A_316 = tpu.memref_slice %arg3[%add3A, %add3A_309, %dma_wait3A_314, %dma_wait3A_315] : memref<32x80x2x125xi32, #tpu.memory_space<hbm>> -> memref<1x1x2x125xi32, #tpu.memory_space<hbm>>
        %dma_wait3A_317 = tpu.memref_squeeze %dma_wait3A_316 : memref<1x1x2x125xi32, #tpu.memory_space<hbm>> -> memref<2x125xi32, #tpu.memory_space<hbm>>
        tpu.wait_dma2 semaphore(%arg24 : memref<!tpu.dma_semaphore, #tpu.memory_space<semaphore_mem>>) src(%dma_wait3A_317 : memref<2x125xi32, #tpu.memory_space<hbm>>) dst(%arg11 : memref<2x125xi32, #tpu.memory_space<vmem>>)
        %add3A_318 = arith.constant 2 : i32
        %add3A_319 = arith.addi %add3A_128, %add3A_318 : i32
        %dma_start3A_320 = arith.constant 0 : i32
        %dma_start3A_321 = arith.constant 0 : i32
        %dma_start3A_322 = tpu.memref_slice %arg11[%dma_start3A_320, %dma_start3A_321] : memref<2x125xi32, #tpu.memory_space<vmem>> -> memref<1x125xi32, #tpu.memory_space<vmem>>
        %dma_start3A_323 = tpu.memref_squeeze %dma_start3A_322 : memref<1x125xi32, #tpu.memory_space<vmem>> -> memref<125xi32, #tpu.memory_space<vmem>>
        %dma_start3A_324 = arith.constant 0 : i32
        %dma_start3A_325 = arith.constant 0 : i32
        %dma_start3A_326 = tpu.memref_slice %arg2[%dma_start3A_324, %dma_start3A_325] : memref<10000x64xf32, #tpu.memory_space<hbm>> -> memref<10000x64xf32, #tpu.memory_space<hbm>>
        tpu.enqueue_indirect_dma source(%dma_start3A_326 : memref<10000x64xf32, #tpu.memory_space<hbm>>) target(%arg8 : memref<125x64xf32, #tpu.memory_space<vmem>>) offsets(%dma_start3A_323 : memref<125xi32, #tpu.memory_space<vmem>>) semaphore(%arg18 : memref<!tpu.dma_semaphore, #tpu.memory_space<semaphore_mem>>)
      } else {
      }
      %add3A_147 = arith.constant 4 : i32
      %add3A_148 = arith.addi %add3A_128, %add3A_147 : i32
      %lt3A_149 = arith.constant 80 : i32
      %lt3A_150 = arith.cmpi slt, %add3A_148, %lt3A_149 : i32
      %convert_element_type3A_151 = arith.extui %lt3A_150 : i1 to i32
      %cond3A_152 = arith.constant 0 : i32
      %cond3A_153 = arith.cmpi ne, %convert_element_type3A_151, %cond3A_152 : i32
      scf.if %cond3A_153 {
        %add3A_304 = arith.constant 4 : i32
        %add3A_305 = arith.addi %add3A_128, %add3A_304 : i32
        %dma_start3A_306 = arith.constant 0 : i32
        %dma_start3A_307 = arith.constant 0 : i32
        %dma_start3A_308 = tpu.memref_slice %arg3[%add3A, %add3A_305, %dma_start3A_306, %dma_start3A_307] : memref<32x80x2x125xi32, #tpu.memory_space<hbm>> -> memref<1x1x2x125xi32, #tpu.memory_space<hbm>>
        %dma_start3A_309 = tpu.memref_squeeze %dma_start3A_308 : memref<1x1x2x125xi32, #tpu.memory_space<hbm>> -> memref<2x125xi32, #tpu.memory_space<hbm>>
        %dma_start3A_310 = arith.constant 0 : i32
        %dma_start3A_311 = arith.constant 0 : i32
        %dma_start3A_312 = tpu.memref_slice %arg3[%add3A, %add3A_305, %dma_start3A_310, %dma_start3A_311] : memref<32x80x2x125xi32, #tpu.memory_space<hbm>> -> memref<1x1x2x125xi32, #tpu.memory_space<hbm>>
        %dma_start3A_313 = tpu.memref_squeeze %dma_start3A_312 : memref<1x1x2x125xi32, #tpu.memory_space<hbm>> -> memref<2x125xi32, #tpu.memory_space<hbm>>
        tpu.enqueue_dma source(%dma_start3A_313 : memref<2x125xi32, #tpu.memory_space<hbm>>) target(%arg13 : memref<2x125xi32, #tpu.memory_space<vmem>>) target_semaphore(%arg26 : memref<!tpu.dma_semaphore, #tpu.memory_space<semaphore_mem>>)
      } else {
      }
      %add3A_154 = arith.constant 1 : i32
      %add3A_155 = arith.addi %mul3A_126, %add3A_154 : i32
      %dma_wait3A_156 = arith.constant 0 : i32
      %dma_wait3A_157 = arith.constant 0 : i32
      %dma_wait3A_158 = tpu.memref_slice %arg10[%dma_wait3A_156, %dma_wait3A_157] : memref<2x125xi32, #tpu.memory_space<vmem>> -> memref<1x125xi32, #tpu.memory_space<vmem>>
      %dma_wait3A_159 = tpu.memref_squeeze %dma_wait3A_158 : memref<1x125xi32, #tpu.memory_space<vmem>> -> memref<125xi32, #tpu.memory_space<vmem>>
      %dma_wait3A_160 = arith.constant 0 : i32
      %dma_wait3A_161 = arith.constant 0 : i32
      %dma_wait3A_162 = tpu.memref_slice %arg2[%dma_wait3A_160, %dma_wait3A_161] : memref<10000x64xf32, #tpu.memory_space<hbm>> -> memref<10000x64xf32, #tpu.memory_space<hbm>>
      tpu.wait_indirect_dma semaphore(%arg17 : memref<!tpu.dma_semaphore, #tpu.memory_space<semaphore_mem>>) src(%dma_wait3A_162 : memref<10000x64xf32, #tpu.memory_space<hbm>>) dst(%arg7 : memref<125x64xf32, #tpu.memory_space<vmem>>)
      %dma_start3A_163 = arith.constant 1 : i32
      %dma_start3A_164 = arith.constant 0 : i32
      %dma_start3A_165 = tpu.memref_slice %arg10[%dma_start3A_163, %dma_start3A_164] : memref<2x125xi32, #tpu.memory_space<vmem>> -> memref<1x125xi32, #tpu.memory_space<vmem>>
      %dma_start3A_166 = tpu.memref_squeeze %dma_start3A_165 : memref<1x125xi32, #tpu.memory_space<vmem>> -> memref<125xi32, #tpu.memory_space<vmem>>
      %dma_start3A_167 = arith.constant 0 : i32
      %dma_start3A_168 = arith.constant 0 : i32
      %dma_start3A_169 = tpu.memref_slice %arg15[%dma_start3A_167, %dma_start3A_168] : memref<10000x64xf32, #tpu.memory_space<vmem_shared>> -> memref<10000x64xf32, #tpu.memory_space<vmem_shared>>
      tpu.enqueue_indirect_dma source(%arg7 : memref<125x64xf32, #tpu.memory_space<vmem>>) target(%dma_start3A_169 : memref<10000x64xf32, #tpu.memory_space<vmem_shared>>) offsets(%dma_start3A_166 : memref<125xi32, #tpu.memory_space<vmem>>) semaphore(%arg20 : memref<!tpu.dma_semaphore, #tpu.memory_space<semaphore_mem>>) {add = true}
      %add3A_170 = arith.constant 2 : i32
      %add3A_171 = arith.addi %add3A_155, %add3A_170 : i32
      %lt3A_172 = arith.constant 80 : i32
      %lt3A_173 = arith.cmpi slt, %add3A_171, %lt3A_172 : i32
      %convert_element_type3A_174 = arith.extui %lt3A_173 : i1 to i32
      %cond3A_175 = arith.constant 0 : i32
      %cond3A_176 = arith.cmpi ne, %convert_element_type3A_174, %cond3A_175 : i32
      scf.if %cond3A_176 {
        %ge3A = arith.constant 1 : i32
        %ge3A_304 = arith.cmpi sge, %add3A_155, %ge3A : i32
        %convert_element_type3A_305 = arith.extui %ge3A_304 : i1 to i32
        %cond3A_306 = arith.constant 0 : i32
        %cond3A_307 = arith.cmpi ne, %convert_element_type3A_305, %cond3A_306 : i32
        scf.if %cond3A_307 {
          %sub3A = arith.constant 1 : i32
          %sub3A_327 = arith.subi %add3A_155, %sub3A : i32
          %dma_wait3A_328 = arith.constant 1 : i32
          %dma_wait3A_329 = arith.constant 0 : i32
          %dma_wait3A_330 = tpu.memref_slice %arg9[%dma_wait3A_328, %dma_wait3A_329] : memref<2x125xi32, #tpu.memory_space<vmem>> -> memref<1x125xi32, #tpu.memory_space<vmem>>
          %dma_wait3A_331 = tpu.memref_squeeze %dma_wait3A_330 : memref<1x125xi32, #tpu.memory_space<vmem>> -> memref<125xi32, #tpu.memory_space<vmem>>
          %dma_wait3A_332 = arith.constant 0 : i32
          %dma_wait3A_333 = arith.constant 0 : i32
          %dma_wait3A_334 = tpu.memref_slice %arg15[%dma_wait3A_332, %dma_wait3A_333] : memref<10000x64xf32, #tpu.memory_space<vmem_shared>> -> memref<10000x64xf32, #tpu.memory_space<vmem_shared>>
          tpu.wait_indirect_dma semaphore(%arg19 : memref<!tpu.dma_semaphore, #tpu.memory_space<semaphore_mem>>) src(%arg6 : memref<125x64xf32, #tpu.memory_space<vmem>>) dst(%dma_wait3A_334 : memref<10000x64xf32, #tpu.memory_space<vmem_shared>>)
        } else {
        }
        %add3A_308 = arith.constant 2 : i32
        %add3A_309 = arith.addi %add3A_155, %add3A_308 : i32
        %dma_wait3A_310 = arith.constant 0 : i32
        %dma_wait3A_311 = arith.constant 0 : i32
        %dma_wait3A_312 = tpu.memref_slice %arg3[%add3A, %add3A_309, %dma_wait3A_310, %dma_wait3A_311] : memref<32x80x2x125xi32, #tpu.memory_space<hbm>> -> memref<1x1x2x125xi32, #tpu.memory_space<hbm>>
        %dma_wait3A_313 = tpu.memref_squeeze %dma_wait3A_312 : memref<1x1x2x125xi32, #tpu.memory_space<hbm>> -> memref<2x125xi32, #tpu.memory_space<hbm>>
        %dma_wait3A_314 = arith.constant 0 : i32
        %dma_wait3A_315 = arith.constant 0 : i32
        %dma_wait3A_316 = tpu.memref_slice %arg3[%add3A, %add3A_309, %dma_wait3A_314, %dma_wait3A_315] : memref<32x80x2x125xi32, #tpu.memory_space<hbm>> -> memref<1x1x2x125xi32, #tpu.memory_space<hbm>>
        %dma_wait3A_317 = tpu.memref_squeeze %dma_wait3A_316 : memref<1x1x2x125xi32, #tpu.memory_space<hbm>> -> memref<2x125xi32, #tpu.memory_space<hbm>>
        tpu.wait_dma2 semaphore(%arg25 : memref<!tpu.dma_semaphore, #tpu.memory_space<semaphore_mem>>) src(%dma_wait3A_317 : memref<2x125xi32, #tpu.memory_space<hbm>>) dst(%arg12 : memref<2x125xi32, #tpu.memory_space<vmem>>)
        %add3A_318 = arith.constant 2 : i32
        %add3A_319 = arith.addi %add3A_155, %add3A_318 : i32
        %dma_start3A_320 = arith.constant 0 : i32
        %dma_start3A_321 = arith.constant 0 : i32
        %dma_start3A_322 = tpu.memref_slice %arg12[%dma_start3A_320, %dma_start3A_321] : memref<2x125xi32, #tpu.memory_space<vmem>> -> memref<1x125xi32, #tpu.memory_space<vmem>>
        %dma_start3A_323 = tpu.memref_squeeze %dma_start3A_322 : memref<1x125xi32, #tpu.memory_space<vmem>> -> memref<125xi32, #tpu.memory_space<vmem>>
        %dma_start3A_324 = arith.constant 0 : i32
        %dma_start3A_325 = arith.constant 0 : i32
        %dma_start3A_326 = tpu.memref_slice %arg2[%dma_start3A_324, %dma_start3A_325] : memref<10000x64xf32, #tpu.memory_space<hbm>> -> memref<10000x64xf32, #tpu.memory_space<hbm>>
        tpu.enqueue_indirect_dma source(%dma_start3A_326 : memref<10000x64xf32, #tpu.memory_space<hbm>>) target(%arg6 : memref<125x64xf32, #tpu.memory_space<vmem>>) offsets(%dma_start3A_323 : memref<125xi32, #tpu.memory_space<vmem>>) semaphore(%arg16 : memref<!tpu.dma_semaphore, #tpu.memory_space<semaphore_mem>>)
      } else {
      }
      %add3A_177 = arith.constant 4 : i32
      %add3A_178 = arith.addi %add3A_155, %add3A_177 : i32
      %lt3A_179 = arith.constant 80 : i32
      %lt3A_180 = arith.cmpi slt, %add3A_178, %lt3A_179 : i32
      %convert_element_type3A_181 = arith.extui %lt3A_180 : i1 to i32
      %cond3A_182 = arith.constant 0 : i32
      %cond3A_183 = arith.cmpi ne, %convert_element_type3A_181, %cond3A_182 : i32
      scf.if %cond3A_183 {
        %add3A_304 = arith.constant 4 : i32
        %add3A_305 = arith.addi %add3A_155, %add3A_304 : i32
        %dma_start3A_306 = arith.constant 0 : i32
        %dma_start3A_307 = arith.constant 0 : i32
        %dma_start3A_308 = tpu.memref_slice %arg3[%add3A, %add3A_305, %dma_start3A_306, %dma_start3A_307] : memref<32x80x2x125xi32, #tpu.memory_space<hbm>> -> memref<1x1x2x125xi32, #tpu.memory_space<hbm>>
        %dma_start3A_309 = tpu.memref_squeeze %dma_start3A_308 : memref<1x1x2x125xi32, #tpu.memory_space<hbm>> -> memref<2x125xi32, #tpu.memory_space<hbm>>
        %dma_start3A_310 = arith.constant 0 : i32
        %dma_start3A_311 = arith.constant 0 : i32
        %dma_start3A_312 = tpu.memref_slice %arg3[%add3A, %add3A_305, %dma_start3A_310, %dma_start3A_311] : memref<32x80x2x125xi32, #tpu.memory_space<hbm>> -> memref<1x1x2x125xi32, #tpu.memory_space<hbm>>
        %dma_start3A_313 = tpu.memref_squeeze %dma_start3A_312 : memref<1x1x2x125xi32, #tpu.memory_space<hbm>> -> memref<2x125xi32, #tpu.memory_space<hbm>>
        tpu.enqueue_dma source(%dma_start3A_313 : memref<2x125xi32, #tpu.memory_space<hbm>>) target(%arg14 : memref<2x125xi32, #tpu.memory_space<vmem>>) target_semaphore(%arg27 : memref<!tpu.dma_semaphore, #tpu.memory_space<semaphore_mem>>)
      } else {
      }
      %add3A_184 = arith.constant 2 : i32
      %add3A_185 = arith.addi %mul3A_126, %add3A_184 : i32
      %dma_wait3A_186 = arith.constant 0 : i32
      %dma_wait3A_187 = arith.constant 0 : i32
      %dma_wait3A_188 = tpu.memref_slice %arg11[%dma_wait3A_186, %dma_wait3A_187] : memref<2x125xi32, #tpu.memory_space<vmem>> -> memref<1x125xi32, #tpu.memory_space<vmem>>
      %dma_wait3A_189 = tpu.memref_squeeze %dma_wait3A_188 : memref<1x125xi32, #tpu.memory_space<vmem>> -> memref<125xi32, #tpu.memory_space<vmem>>
      %dma_wait3A_190 = arith.constant 0 : i32
      %dma_wait3A_191 = arith.constant 0 : i32
      %dma_wait3A_192 = tpu.memref_slice %arg2[%dma_wait3A_190, %dma_wait3A_191] : memref<10000x64xf32, #tpu.memory_space<hbm>> -> memref<10000x64xf32, #tpu.memory_space<hbm>>
      tpu.wait_indirect_dma semaphore(%arg18 : memref<!tpu.dma_semaphore, #tpu.memory_space<semaphore_mem>>) src(%dma_wait3A_192 : memref<10000x64xf32, #tpu.memory_space<hbm>>) dst(%arg8 : memref<125x64xf32, #tpu.memory_space<vmem>>)
      %dma_start3A_193 = arith.constant 1 : i32
      %dma_start3A_194 = arith.constant 0 : i32
      %dma_start3A_195 = tpu.memref_slice %arg11[%dma_start3A_193, %dma_start3A_194] : memref<2x125xi32, #tpu.memory_space<vmem>> -> memref<1x125xi32, #tpu.memory_space<vmem>>
      %dma_start3A_196 = tpu.memref_squeeze %dma_start3A_195 : memref<1x125xi32, #tpu.memory_space<vmem>> -> memref<125xi32, #tpu.memory_space<vmem>>
      %dma_start3A_197 = arith.constant 0 : i32
      %dma_start3A_198 = arith.constant 0 : i32
      %dma_start3A_199 = tpu.memref_slice %arg15[%dma_start3A_197, %dma_start3A_198] : memref<10000x64xf32, #tpu.memory_space<vmem_shared>> -> memref<10000x64xf32, #tpu.memory_space<vmem_shared>>
      tpu.enqueue_indirect_dma source(%arg8 : memref<125x64xf32, #tpu.memory_space<vmem>>) target(%dma_start3A_199 : memref<10000x64xf32, #tpu.memory_space<vmem_shared>>) offsets(%dma_start3A_196 : memref<125xi32, #tpu.memory_space<vmem>>) semaphore(%arg21 : memref<!tpu.dma_semaphore, #tpu.memory_space<semaphore_mem>>) {add = true}
      %add3A_200 = arith.constant 2 : i32
      %add3A_201 = arith.addi %add3A_185, %add3A_200 : i32
      %lt3A_202 = arith.constant 80 : i32
      %lt3A_203 = arith.cmpi slt, %add3A_201, %lt3A_202 : i32
      %convert_element_type3A_204 = arith.extui %lt3A_203 : i1 to i32
      %cond3A_205 = arith.constant 0 : i32
      %cond3A_206 = arith.cmpi ne, %convert_element_type3A_204, %cond3A_205 : i32
      scf.if %cond3A_206 {
        %ge3A = arith.constant 1 : i32
        %ge3A_304 = arith.cmpi sge, %add3A_185, %ge3A : i32
        %convert_element_type3A_305 = arith.extui %ge3A_304 : i1 to i32
        %cond3A_306 = arith.constant 0 : i32
        %cond3A_307 = arith.cmpi ne, %convert_element_type3A_305, %cond3A_306 : i32
        scf.if %cond3A_307 {
          %sub3A = arith.constant 1 : i32
          %sub3A_327 = arith.subi %add3A_185, %sub3A : i32
          %dma_wait3A_328 = arith.constant 1 : i32
          %dma_wait3A_329 = arith.constant 0 : i32
          %dma_wait3A_330 = tpu.memref_slice %arg10[%dma_wait3A_328, %dma_wait3A_329] : memref<2x125xi32, #tpu.memory_space<vmem>> -> memref<1x125xi32, #tpu.memory_space<vmem>>
          %dma_wait3A_331 = tpu.memref_squeeze %dma_wait3A_330 : memref<1x125xi32, #tpu.memory_space<vmem>> -> memref<125xi32, #tpu.memory_space<vmem>>
          %dma_wait3A_332 = arith.constant 0 : i32
          %dma_wait3A_333 = arith.constant 0 : i32
          %dma_wait3A_334 = tpu.memref_slice %arg15[%dma_wait3A_332, %dma_wait3A_333] : memref<10000x64xf32, #tpu.memory_space<vmem_shared>> -> memref<10000x64xf32, #tpu.memory_space<vmem_shared>>
          tpu.wait_indirect_dma semaphore(%arg20 : memref<!tpu.dma_semaphore, #tpu.memory_space<semaphore_mem>>) src(%arg7 : memref<125x64xf32, #tpu.memory_space<vmem>>) dst(%dma_wait3A_334 : memref<10000x64xf32, #tpu.memory_space<vmem_shared>>)
        } else {
        }
        %add3A_308 = arith.constant 2 : i32
        %add3A_309 = arith.addi %add3A_185, %add3A_308 : i32
        %dma_wait3A_310 = arith.constant 0 : i32
        %dma_wait3A_311 = arith.constant 0 : i32
        %dma_wait3A_312 = tpu.memref_slice %arg3[%add3A, %add3A_309, %dma_wait3A_310, %dma_wait3A_311] : memref<32x80x2x125xi32, #tpu.memory_space<hbm>> -> memref<1x1x2x125xi32, #tpu.memory_space<hbm>>
        %dma_wait3A_313 = tpu.memref_squeeze %dma_wait3A_312 : memref<1x1x2x125xi32, #tpu.memory_space<hbm>> -> memref<2x125xi32, #tpu.memory_space<hbm>>
        %dma_wait3A_314 = arith.constant 0 : i32
        %dma_wait3A_315 = arith.constant 0 : i32
        %dma_wait3A_316 = tpu.memref_slice %arg3[%add3A, %add3A_309, %dma_wait3A_314, %dma_wait3A_315] : memref<32x80x2x125xi32, #tpu.memory_space<hbm>> -> memref<1x1x2x125xi32, #tpu.memory_space<hbm>>
        %dma_wait3A_317 = tpu.memref_squeeze %dma_wait3A_316 : memref<1x1x2x125xi32, #tpu.memory_space<hbm>> -> memref<2x125xi32, #tpu.memory_space<hbm>>
        tpu.wait_dma2 semaphore(%arg26 : memref<!tpu.dma_semaphore, #tpu.memory_space<semaphore_mem>>) src(%dma_wait3A_317 : memref<2x125xi32, #tpu.memory_space<hbm>>) dst(%arg13 : memref<2x125xi32, #tpu.memory_space<vmem>>)
        %add3A_318 = arith.constant 2 : i32
        %add3A_319 = arith.addi %add3A_185, %add3A_318 : i32
        %dma_start3A_320 = arith.constant 0 : i32
        %dma_start3A_321 = arith.constant 0 : i32
        %dma_start3A_322 = tpu.memref_slice %arg13[%dma_start3A_320, %dma_start3A_321] : memref<2x125xi32, #tpu.memory_space<vmem>> -> memref<1x125xi32, #tpu.memory_space<vmem>>
        %dma_start3A_323 = tpu.memref_squeeze %dma_start3A_322 : memref<1x125xi32, #tpu.memory_space<vmem>> -> memref<125xi32, #tpu.memory_space<vmem>>
        %dma_start3A_324 = arith.constant 0 : i32
        %dma_start3A_325 = arith.constant 0 : i32
        %dma_start3A_326 = tpu.memref_slice %arg2[%dma_start3A_324, %dma_start3A_325] : memref<10000x64xf32, #tpu.memory_space<hbm>> -> memref<10000x64xf32, #tpu.memory_space<hbm>>
        tpu.enqueue_indirect_dma source(%dma_start3A_326 : memref<10000x64xf32, #tpu.memory_space<hbm>>) target(%arg7 : memref<125x64xf32, #tpu.memory_space<vmem>>) offsets(%dma_start3A_323 : memref<125xi32, #tpu.memory_space<vmem>>) semaphore(%arg17 : memref<!tpu.dma_semaphore, #tpu.memory_space<semaphore_mem>>)
      } else {
      }
      %add3A_207 = arith.constant 4 : i32
      %add3A_208 = arith.addi %add3A_185, %add3A_207 : i32
      %lt3A_209 = arith.constant 80 : i32
      %lt3A_210 = arith.cmpi slt, %add3A_208, %lt3A_209 : i32
      %convert_element_type3A_211 = arith.extui %lt3A_210 : i1 to i32
      %cond3A_212 = arith.constant 0 : i32
      %cond3A_213 = arith.cmpi ne, %convert_element_type3A_211, %cond3A_212 : i32
      scf.if %cond3A_213 {
        %add3A_304 = arith.constant 4 : i32
        %add3A_305 = arith.addi %add3A_185, %add3A_304 : i32
        %dma_start3A_306 = arith.constant 0 : i32
        %dma_start3A_307 = arith.constant 0 : i32
        %dma_start3A_308 = tpu.memref_slice %arg3[%add3A, %add3A_305, %dma_start3A_306, %dma_start3A_307] : memref<32x80x2x125xi32, #tpu.memory_space<hbm>> -> memref<1x1x2x125xi32, #tpu.memory_space<hbm>>
        %dma_start3A_309 = tpu.memref_squeeze %dma_start3A_308 : memref<1x1x2x125xi32, #tpu.memory_space<hbm>> -> memref<2x125xi32, #tpu.memory_space<hbm>>
        %dma_start3A_310 = arith.constant 0 : i32
        %dma_start3A_311 = arith.constant 0 : i32
        %dma_start3A_312 = tpu.memref_slice %arg3[%add3A, %add3A_305, %dma_start3A_310, %dma_start3A_311] : memref<32x80x2x125xi32, #tpu.memory_space<hbm>> -> memref<1x1x2x125xi32, #tpu.memory_space<hbm>>
        %dma_start3A_313 = tpu.memref_squeeze %dma_start3A_312 : memref<1x1x2x125xi32, #tpu.memory_space<hbm>> -> memref<2x125xi32, #tpu.memory_space<hbm>>
        tpu.enqueue_dma source(%dma_start3A_313 : memref<2x125xi32, #tpu.memory_space<hbm>>) target(%arg9 : memref<2x125xi32, #tpu.memory_space<vmem>>) target_semaphore(%arg22 : memref<!tpu.dma_semaphore, #tpu.memory_space<semaphore_mem>>)
      } else {
      }
      %add3A_214 = arith.constant 3 : i32
      %add3A_215 = arith.addi %mul3A_126, %add3A_214 : i32
      %dma_wait3A_216 = arith.constant 0 : i32
      %dma_wait3A_217 = arith.constant 0 : i32
      %dma_wait3A_218 = tpu.memref_slice %arg12[%dma_wait3A_216, %dma_wait3A_217] : memref<2x125xi32, #tpu.memory_space<vmem>> -> memref<1x125xi32, #tpu.memory_space<vmem>>
      %dma_wait3A_219 = tpu.memref_squeeze %dma_wait3A_218 : memref<1x125xi32, #tpu.memory_space<vmem>> -> memref<125xi32, #tpu.memory_space<vmem>>
      %dma_wait3A_220 = arith.constant 0 : i32
      %dma_wait3A_221 = arith.constant 0 : i32
      %dma_wait3A_222 = tpu.memref_slice %arg2[%dma_wait3A_220, %dma_wait3A_221] : memref<10000x64xf32, #tpu.memory_space<hbm>> -> memref<10000x64xf32, #tpu.memory_space<hbm>>
      tpu.wait_indirect_dma semaphore(%arg16 : memref<!tpu.dma_semaphore, #tpu.memory_space<semaphore_mem>>) src(%dma_wait3A_222 : memref<10000x64xf32, #tpu.memory_space<hbm>>) dst(%arg6 : memref<125x64xf32, #tpu.memory_space<vmem>>)
      %dma_start3A_223 = arith.constant 1 : i32
      %dma_start3A_224 = arith.constant 0 : i32
      %dma_start3A_225 = tpu.memref_slice %arg12[%dma_start3A_223, %dma_start3A_224] : memref<2x125xi32, #tpu.memory_space<vmem>> -> memref<1x125xi32, #tpu.memory_space<vmem>>
      %dma_start3A_226 = tpu.memref_squeeze %dma_start3A_225 : memref<1x125xi32, #tpu.memory_space<vmem>> -> memref<125xi32, #tpu.memory_space<vmem>>
      %dma_start3A_227 = arith.constant 0 : i32
      %dma_start3A_228 = arith.constant 0 : i32
      %dma_start3A_229 = tpu.memref_slice %arg15[%dma_start3A_227, %dma_start3A_228] : memref<10000x64xf32, #tpu.memory_space<vmem_shared>> -> memref<10000x64xf32, #tpu.memory_space<vmem_shared>>
      tpu.enqueue_indirect_dma source(%arg6 : memref<125x64xf32, #tpu.memory_space<vmem>>) target(%dma_start3A_229 : memref<10000x64xf32, #tpu.memory_space<vmem_shared>>) offsets(%dma_start3A_226 : memref<125xi32, #tpu.memory_space<vmem>>) semaphore(%arg19 : memref<!tpu.dma_semaphore, #tpu.memory_space<semaphore_mem>>) {add = true}
      %add3A_230 = arith.constant 2 : i32
      %add3A_231 = arith.addi %add3A_215, %add3A_230 : i32
      %lt3A_232 = arith.constant 80 : i32
      %lt3A_233 = arith.cmpi slt, %add3A_231, %lt3A_232 : i32
      %convert_element_type3A_234 = arith.extui %lt3A_233 : i1 to i32
      %cond3A_235 = arith.constant 0 : i32
      %cond3A_236 = arith.cmpi ne, %convert_element_type3A_234, %cond3A_235 : i32
      scf.if %cond3A_236 {
        %ge3A = arith.constant 1 : i32
        %ge3A_304 = arith.cmpi sge, %add3A_215, %ge3A : i32
        %convert_element_type3A_305 = arith.extui %ge3A_304 : i1 to i32
        %cond3A_306 = arith.constant 0 : i32
        %cond3A_307 = arith.cmpi ne, %convert_element_type3A_305, %cond3A_306 : i32
        scf.if %cond3A_307 {
          %sub3A = arith.constant 1 : i32
          %sub3A_327 = arith.subi %add3A_215, %sub3A : i32
          %dma_wait3A_328 = arith.constant 1 : i32
          %dma_wait3A_329 = arith.constant 0 : i32
          %dma_wait3A_330 = tpu.memref_slice %arg11[%dma_wait3A_328, %dma_wait3A_329] : memref<2x125xi32, #tpu.memory_space<vmem>> -> memref<1x125xi32, #tpu.memory_space<vmem>>
          %dma_wait3A_331 = tpu.memref_squeeze %dma_wait3A_330 : memref<1x125xi32, #tpu.memory_space<vmem>> -> memref<125xi32, #tpu.memory_space<vmem>>
          %dma_wait3A_332 = arith.constant 0 : i32
          %dma_wait3A_333 = arith.constant 0 : i32
          %dma_wait3A_334 = tpu.memref_slice %arg15[%dma_wait3A_332, %dma_wait3A_333] : memref<10000x64xf32, #tpu.memory_space<vmem_shared>> -> memref<10000x64xf32, #tpu.memory_space<vmem_shared>>
          tpu.wait_indirect_dma semaphore(%arg21 : memref<!tpu.dma_semaphore, #tpu.memory_space<semaphore_mem>>) src(%arg8 : memref<125x64xf32, #tpu.memory_space<vmem>>) dst(%dma_wait3A_334 : memref<10000x64xf32, #tpu.memory_space<vmem_shared>>)
        } else {
        }
        %add3A_308 = arith.constant 2 : i32
        %add3A_309 = arith.addi %add3A_215, %add3A_308 : i32
        %dma_wait3A_310 = arith.constant 0 : i32
        %dma_wait3A_311 = arith.constant 0 : i32
        %dma_wait3A_312 = tpu.memref_slice %arg3[%add3A, %add3A_309, %dma_wait3A_310, %dma_wait3A_311] : memref<32x80x2x125xi32, #tpu.memory_space<hbm>> -> memref<1x1x2x125xi32, #tpu.memory_space<hbm>>
        %dma_wait3A_313 = tpu.memref_squeeze %dma_wait3A_312 : memref<1x1x2x125xi32, #tpu.memory_space<hbm>> -> memref<2x125xi32, #tpu.memory_space<hbm>>
        %dma_wait3A_314 = arith.constant 0 : i32
        %dma_wait3A_315 = arith.constant 0 : i32
        %dma_wait3A_316 = tpu.memref_slice %arg3[%add3A, %add3A_309, %dma_wait3A_314, %dma_wait3A_315] : memref<32x80x2x125xi32, #tpu.memory_space<hbm>> -> memref<1x1x2x125xi32, #tpu.memory_space<hbm>>
        %dma_wait3A_317 = tpu.memref_squeeze %dma_wait3A_316 : memref<1x1x2x125xi32, #tpu.memory_space<hbm>> -> memref<2x125xi32, #tpu.memory_space<hbm>>
        tpu.wait_dma2 semaphore(%arg27 : memref<!tpu.dma_semaphore, #tpu.memory_space<semaphore_mem>>) src(%dma_wait3A_317 : memref<2x125xi32, #tpu.memory_space<hbm>>) dst(%arg14 : memref<2x125xi32, #tpu.memory_space<vmem>>)
        %add3A_318 = arith.constant 2 : i32
        %add3A_319 = arith.addi %add3A_215, %add3A_318 : i32
        %dma_start3A_320 = arith.constant 0 : i32
        %dma_start3A_321 = arith.constant 0 : i32
        %dma_start3A_322 = tpu.memref_slice %arg14[%dma_start3A_320, %dma_start3A_321] : memref<2x125xi32, #tpu.memory_space<vmem>> -> memref<1x125xi32, #tpu.memory_space<vmem>>
        %dma_start3A_323 = tpu.memref_squeeze %dma_start3A_322 : memref<1x125xi32, #tpu.memory_space<vmem>> -> memref<125xi32, #tpu.memory_space<vmem>>
        %dma_start3A_324 = arith.constant 0 : i32
        %dma_start3A_325 = arith.constant 0 : i32
        %dma_start3A_326 = tpu.memref_slice %arg2[%dma_start3A_324, %dma_start3A_325] : memref<10000x64xf32, #tpu.memory_space<hbm>> -> memref<10000x64xf32, #tpu.memory_space<hbm>>
        tpu.enqueue_indirect_dma source(%dma_start3A_326 : memref<10000x64xf32, #tpu.memory_space<hbm>>) target(%arg8 : memref<125x64xf32, #tpu.memory_space<vmem>>) offsets(%dma_start3A_323 : memref<125xi32, #tpu.memory_space<vmem>>) semaphore(%arg18 : memref<!tpu.dma_semaphore, #tpu.memory_space<semaphore_mem>>)
      } else {
      }
      %add3A_237 = arith.constant 4 : i32
      %add3A_238 = arith.addi %add3A_215, %add3A_237 : i32
      %lt3A_239 = arith.constant 80 : i32
      %lt3A_240 = arith.cmpi slt, %add3A_238, %lt3A_239 : i32
      %convert_element_type3A_241 = arith.extui %lt3A_240 : i1 to i32
      %cond3A_242 = arith.constant 0 : i32
      %cond3A_243 = arith.cmpi ne, %convert_element_type3A_241, %cond3A_242 : i32
      scf.if %cond3A_243 {
        %add3A_304 = arith.constant 4 : i32
        %add3A_305 = arith.addi %add3A_215, %add3A_304 : i32
        %dma_start3A_306 = arith.constant 0 : i32
        %dma_start3A_307 = arith.constant 0 : i32
        %dma_start3A_308 = tpu.memref_slice %arg3[%add3A, %add3A_305, %dma_start3A_306, %dma_start3A_307] : memref<32x80x2x125xi32, #tpu.memory_space<hbm>> -> memref<1x1x2x125xi32, #tpu.memory_space<hbm>>
        %dma_start3A_309 = tpu.memref_squeeze %dma_start3A_308 : memref<1x1x2x125xi32, #tpu.memory_space<hbm>> -> memref<2x125xi32, #tpu.memory_space<hbm>>
        %dma_start3A_310 = arith.constant 0 : i32
        %dma_start3A_311 = arith.constant 0 : i32
        %dma_start3A_312 = tpu.memref_slice %arg3[%add3A, %add3A_305, %dma_start3A_310, %dma_start3A_311] : memref<32x80x2x125xi32, #tpu.memory_space<hbm>> -> memref<1x1x2x125xi32, #tpu.memory_space<hbm>>
        %dma_start3A_313 = tpu.memref_squeeze %dma_start3A_312 : memref<1x1x2x125xi32, #tpu.memory_space<hbm>> -> memref<2x125xi32, #tpu.memory_space<hbm>>
        tpu.enqueue_dma source(%dma_start3A_313 : memref<2x125xi32, #tpu.memory_space<hbm>>) target(%arg10 : memref<2x125xi32, #tpu.memory_space<vmem>>) target_semaphore(%arg23 : memref<!tpu.dma_semaphore, #tpu.memory_space<semaphore_mem>>)
      } else {
      }
      %add3A_244 = arith.constant 4 : i32
      %add3A_245 = arith.addi %mul3A_126, %add3A_244 : i32
      %dma_wait3A_246 = arith.constant 0 : i32
      %dma_wait3A_247 = arith.constant 0 : i32
      %dma_wait3A_248 = tpu.memref_slice %arg13[%dma_wait3A_246, %dma_wait3A_247] : memref<2x125xi32, #tpu.memory_space<vmem>> -> memref<1x125xi32, #tpu.memory_space<vmem>>
      %dma_wait3A_249 = tpu.memref_squeeze %dma_wait3A_248 : memref<1x125xi32, #tpu.memory_space<vmem>> -> memref<125xi32, #tpu.memory_space<vmem>>
      %dma_wait3A_250 = arith.constant 0 : i32
      %dma_wait3A_251 = arith.constant 0 : i32
      %dma_wait3A_252 = tpu.memref_slice %arg2[%dma_wait3A_250, %dma_wait3A_251] : memref<10000x64xf32, #tpu.memory_space<hbm>> -> memref<10000x64xf32, #tpu.memory_space<hbm>>
      tpu.wait_indirect_dma semaphore(%arg17 : memref<!tpu.dma_semaphore, #tpu.memory_space<semaphore_mem>>) src(%dma_wait3A_252 : memref<10000x64xf32, #tpu.memory_space<hbm>>) dst(%arg7 : memref<125x64xf32, #tpu.memory_space<vmem>>)
      %dma_start3A_253 = arith.constant 1 : i32
      %dma_start3A_254 = arith.constant 0 : i32
      %dma_start3A_255 = tpu.memref_slice %arg13[%dma_start3A_253, %dma_start3A_254] : memref<2x125xi32, #tpu.memory_space<vmem>> -> memref<1x125xi32, #tpu.memory_space<vmem>>
      %dma_start3A_256 = tpu.memref_squeeze %dma_start3A_255 : memref<1x125xi32, #tpu.memory_space<vmem>> -> memref<125xi32, #tpu.memory_space<vmem>>
      %dma_start3A_257 = arith.constant 0 : i32
      %dma_start3A_258 = arith.constant 0 : i32
      %dma_start3A_259 = tpu.memref_slice %arg15[%dma_start3A_257, %dma_start3A_258] : memref<10000x64xf32, #tpu.memory_space<vmem_shared>> -> memref<10000x64xf32, #tpu.memory_space<vmem_shared>>
      tpu.enqueue_indirect_dma source(%arg7 : memref<125x64xf32, #tpu.memory_space<vmem>>) target(%dma_start3A_259 : memref<10000x64xf32, #tpu.memory_space<vmem_shared>>) offsets(%dma_start3A_256 : memref<125xi32, #tpu.memory_space<vmem>>) semaphore(%arg20 : memref<!tpu.dma_semaphore, #tpu.memory_space<semaphore_mem>>) {add = true}
      %add3A_260 = arith.constant 2 : i32
      %add3A_261 = arith.addi %add3A_245, %add3A_260 : i32
      %lt3A_262 = arith.constant 80 : i32
      %lt3A_263 = arith.cmpi slt, %add3A_261, %lt3A_262 : i32
      %convert_element_type3A_264 = arith.extui %lt3A_263 : i1 to i32
      %cond3A_265 = arith.constant 0 : i32
      %cond3A_266 = arith.cmpi ne, %convert_element_type3A_264, %cond3A_265 : i32
      scf.if %cond3A_266 {
        %ge3A = arith.constant 1 : i32
        %ge3A_304 = arith.cmpi sge, %add3A_245, %ge3A : i32
        %convert_element_type3A_305 = arith.extui %ge3A_304 : i1 to i32
        %cond3A_306 = arith.constant 0 : i32
        %cond3A_307 = arith.cmpi ne, %convert_element_type3A_305, %cond3A_306 : i32
        scf.if %cond3A_307 {
          %sub3A = arith.constant 1 : i32
          %sub3A_327 = arith.subi %add3A_245, %sub3A : i32
          %dma_wait3A_328 = arith.constant 1 : i32
          %dma_wait3A_329 = arith.constant 0 : i32
          %dma_wait3A_330 = tpu.memref_slice %arg12[%dma_wait3A_328, %dma_wait3A_329] : memref<2x125xi32, #tpu.memory_space<vmem>> -> memref<1x125xi32, #tpu.memory_space<vmem>>
          %dma_wait3A_331 = tpu.memref_squeeze %dma_wait3A_330 : memref<1x125xi32, #tpu.memory_space<vmem>> -> memref<125xi32, #tpu.memory_space<vmem>>
          %dma_wait3A_332 = arith.constant 0 : i32
          %dma_wait3A_333 = arith.constant 0 : i32
          %dma_wait3A_334 = tpu.memref_slice %arg15[%dma_wait3A_332, %dma_wait3A_333] : memref<10000x64xf32, #tpu.memory_space<vmem_shared>> -> memref<10000x64xf32, #tpu.memory_space<vmem_shared>>
          tpu.wait_indirect_dma semaphore(%arg19 : memref<!tpu.dma_semaphore, #tpu.memory_space<semaphore_mem>>) src(%arg6 : memref<125x64xf32, #tpu.memory_space<vmem>>) dst(%dma_wait3A_334 : memref<10000x64xf32, #tpu.memory_space<vmem_shared>>)
        } else {
        }
        %add3A_308 = arith.constant 2 : i32
        %add3A_309 = arith.addi %add3A_245, %add3A_308 : i32
        %dma_wait3A_310 = arith.constant 0 : i32
        %dma_wait3A_311 = arith.constant 0 : i32
        %dma_wait3A_312 = tpu.memref_slice %arg3[%add3A, %add3A_309, %dma_wait3A_310, %dma_wait3A_311] : memref<32x80x2x125xi32, #tpu.memory_space<hbm>> -> memref<1x1x2x125xi32, #tpu.memory_space<hbm>>
        %dma_wait3A_313 = tpu.memref_squeeze %dma_wait3A_312 : memref<1x1x2x125xi32, #tpu.memory_space<hbm>> -> memref<2x125xi32, #tpu.memory_space<hbm>>
        %dma_wait3A_314 = arith.constant 0 : i32
        %dma_wait3A_315 = arith.constant 0 : i32
        %dma_wait3A_316 = tpu.memref_slice %arg3[%add3A, %add3A_309, %dma_wait3A_314, %dma_wait3A_315] : memref<32x80x2x125xi32, #tpu.memory_space<hbm>> -> memref<1x1x2x125xi32, #tpu.memory_space<hbm>>
        %dma_wait3A_317 = tpu.memref_squeeze %dma_wait3A_316 : memref<1x1x2x125xi32, #tpu.memory_space<hbm>> -> memref<2x125xi32, #tpu.memory_space<hbm>>
        tpu.wait_dma2 semaphore(%arg22 : memref<!tpu.dma_semaphore, #tpu.memory_space<semaphore_mem>>) src(%dma_wait3A_317 : memref<2x125xi32, #tpu.memory_space<hbm>>) dst(%arg9 : memref<2x125xi32, #tpu.memory_space<vmem>>)
        %add3A_318 = arith.constant 2 : i32
        %add3A_319 = arith.addi %add3A_245, %add3A_318 : i32
        %dma_start3A_320 = arith.constant 0 : i32
        %dma_start3A_321 = arith.constant 0 : i32
        %dma_start3A_322 = tpu.memref_slice %arg9[%dma_start3A_320, %dma_start3A_321] : memref<2x125xi32, #tpu.memory_space<vmem>> -> memref<1x125xi32, #tpu.memory_space<vmem>>
        %dma_start3A_323 = tpu.memref_squeeze %dma_start3A_322 : memref<1x125xi32, #tpu.memory_space<vmem>> -> memref<125xi32, #tpu.memory_space<vmem>>
        %dma_start3A_324 = arith.constant 0 : i32
        %dma_start3A_325 = arith.constant 0 : i32
        %dma_start3A_326 = tpu.memref_slice %arg2[%dma_start3A_324, %dma_start3A_325] : memref<10000x64xf32, #tpu.memory_space<hbm>> -> memref<10000x64xf32, #tpu.memory_space<hbm>>
        tpu.enqueue_indirect_dma source(%dma_start3A_326 : memref<10000x64xf32, #tpu.memory_space<hbm>>) target(%arg6 : memref<125x64xf32, #tpu.memory_space<vmem>>) offsets(%dma_start3A_323 : memref<125xi32, #tpu.memory_space<vmem>>) semaphore(%arg16 : memref<!tpu.dma_semaphore, #tpu.memory_space<semaphore_mem>>)
      } else {
      }
      %add3A_267 = arith.constant 4 : i32
      %add3A_268 = arith.addi %add3A_245, %add3A_267 : i32
      %lt3A_269 = arith.constant 80 : i32
      %lt3A_270 = arith.cmpi slt, %add3A_268, %lt3A_269 : i32
      %convert_element_type3A_271 = arith.extui %lt3A_270 : i1 to i32
      %cond3A_272 = arith.constant 0 : i32
      %cond3A_273 = arith.cmpi ne, %convert_element_type3A_271, %cond3A_272 : i32
      scf.if %cond3A_273 {
        %add3A_304 = arith.constant 4 : i32
        %add3A_305 = arith.addi %add3A_245, %add3A_304 : i32
        %dma_start3A_306 = arith.constant 0 : i32
        %dma_start3A_307 = arith.constant 0 : i32
        %dma_start3A_308 = tpu.memref_slice %arg3[%add3A, %add3A_305, %dma_start3A_306, %dma_start3A_307] : memref<32x80x2x125xi32, #tpu.memory_space<hbm>> -> memref<1x1x2x125xi32, #tpu.memory_space<hbm>>
        %dma_start3A_309 = tpu.memref_squeeze %dma_start3A_308 : memref<1x1x2x125xi32, #tpu.memory_space<hbm>> -> memref<2x125xi32, #tpu.memory_space<hbm>>
        %dma_start3A_310 = arith.constant 0 : i32
        %dma_start3A_311 = arith.constant 0 : i32
        %dma_start3A_312 = tpu.memref_slice %arg3[%add3A, %add3A_305, %dma_start3A_310, %dma_start3A_311] : memref<32x80x2x125xi32, #tpu.memory_space<hbm>> -> memref<1x1x2x125xi32, #tpu.memory_space<hbm>>
        %dma_start3A_313 = tpu.memref_squeeze %dma_start3A_312 : memref<1x1x2x125xi32, #tpu.memory_space<hbm>> -> memref<2x125xi32, #tpu.memory_space<hbm>>
        tpu.enqueue_dma source(%dma_start3A_313 : memref<2x125xi32, #tpu.memory_space<hbm>>) target(%arg11 : memref<2x125xi32, #tpu.memory_space<vmem>>) target_semaphore(%arg24 : memref<!tpu.dma_semaphore, #tpu.memory_space<semaphore_mem>>)
      } else {
      }
      %add3A_274 = arith.constant 5 : i32
      %add3A_275 = arith.addi %mul3A_126, %add3A_274 : i32
      %dma_wait3A_276 = arith.constant 0 : i32
      %dma_wait3A_277 = arith.constant 0 : i32
      %dma_wait3A_278 = tpu.memref_slice %arg14[%dma_wait3A_276, %dma_wait3A_277] : memref<2x125xi32, #tpu.memory_space<vmem>> -> memref<1x125xi32, #tpu.memory_space<vmem>>
      %dma_wait3A_279 = tpu.memref_squeeze %dma_wait3A_278 : memref<1x125xi32, #tpu.memory_space<vmem>> -> memref<125xi32, #tpu.memory_space<vmem>>
      %dma_wait3A_280 = arith.constant 0 : i32
      %dma_wait3A_281 = arith.constant 0 : i32
      %dma_wait3A_282 = tpu.memref_slice %arg2[%dma_wait3A_280, %dma_wait3A_281] : memref<10000x64xf32, #tpu.memory_space<hbm>> -> memref<10000x64xf32, #tpu.memory_space<hbm>>
      tpu.wait_indirect_dma semaphore(%arg18 : memref<!tpu.dma_semaphore, #tpu.memory_space<semaphore_mem>>) src(%dma_wait3A_282 : memref<10000x64xf32, #tpu.memory_space<hbm>>) dst(%arg8 : memref<125x64xf32, #tpu.memory_space<vmem>>)
      %dma_start3A_283 = arith.constant 1 : i32
      %dma_start3A_284 = arith.constant 0 : i32
      %dma_start3A_285 = tpu.memref_slice %arg14[%dma_start3A_283, %dma_start3A_284] : memref<2x125xi32, #tpu.memory_space<vmem>> -> memref<1x125xi32, #tpu.memory_space<vmem>>
      %dma_start3A_286 = tpu.memref_squeeze %dma_start3A_285 : memref<1x125xi32, #tpu.memory_space<vmem>> -> memref<125xi32, #tpu.memory_space<vmem>>
      %dma_start3A_287 = arith.constant 0 : i32
      %dma_start3A_288 = arith.constant 0 : i32
      %dma_start3A_289 = tpu.memref_slice %arg15[%dma_start3A_287, %dma_start3A_288] : memref<10000x64xf32, #tpu.memory_space<vmem_shared>> -> memref<10000x64xf32, #tpu.memory_space<vmem_shared>>
      tpu.enqueue_indirect_dma source(%arg8 : memref<125x64xf32, #tpu.memory_space<vmem>>) target(%dma_start3A_289 : memref<10000x64xf32, #tpu.memory_space<vmem_shared>>) offsets(%dma_start3A_286 : memref<125xi32, #tpu.memory_space<vmem>>) semaphore(%arg21 : memref<!tpu.dma_semaphore, #tpu.memory_space<semaphore_mem>>) {add = true}
      %add3A_290 = arith.constant 2 : i32
      %add3A_291 = arith.addi %add3A_275, %add3A_290 : i32
      %lt3A_292 = arith.constant 80 : i32
      %lt3A_293 = arith.cmpi slt, %add3A_291, %lt3A_292 : i32
      %convert_element_type3A_294 = arith.extui %lt3A_293 : i1 to i32
      %cond3A_295 = arith.constant 0 : i32
      %cond3A_296 = arith.cmpi ne, %convert_element_type3A_294, %cond3A_295 : i32
      scf.if %cond3A_296 {
        %ge3A = arith.constant 1 : i32
        %ge3A_304 = arith.cmpi sge, %add3A_275, %ge3A : i32
        %convert_element_type3A_305 = arith.extui %ge3A_304 : i1 to i32
        %cond3A_306 = arith.constant 0 : i32
        %cond3A_307 = arith.cmpi ne, %convert_element_type3A_305, %cond3A_306 : i32
        scf.if %cond3A_307 {
          %sub3A = arith.constant 1 : i32
          %sub3A_327 = arith.subi %add3A_275, %sub3A : i32
          %dma_wait3A_328 = arith.constant 1 : i32
          %dma_wait3A_329 = arith.constant 0 : i32
          %dma_wait3A_330 = tpu.memref_slice %arg13[%dma_wait3A_328, %dma_wait3A_329] : memref<2x125xi32, #tpu.memory_space<vmem>> -> memref<1x125xi32, #tpu.memory_space<vmem>>
          %dma_wait3A_331 = tpu.memref_squeeze %dma_wait3A_330 : memref<1x125xi32, #tpu.memory_space<vmem>> -> memref<125xi32, #tpu.memory_space<vmem>>
          %dma_wait3A_332 = arith.constant 0 : i32
          %dma_wait3A_333 = arith.constant 0 : i32
          %dma_wait3A_334 = tpu.memref_slice %arg15[%dma_wait3A_332, %dma_wait3A_333] : memref<10000x64xf32, #tpu.memory_space<vmem_shared>> -> memref<10000x64xf32, #tpu.memory_space<vmem_shared>>
          tpu.wait_indirect_dma semaphore(%arg20 : memref<!tpu.dma_semaphore, #tpu.memory_space<semaphore_mem>>) src(%arg7 : memref<125x64xf32, #tpu.memory_space<vmem>>) dst(%dma_wait3A_334 : memref<10000x64xf32, #tpu.memory_space<vmem_shared>>)
        } else {
        }
        %add3A_308 = arith.constant 2 : i32
        %add3A_309 = arith.addi %add3A_275, %add3A_308 : i32
        %dma_wait3A_310 = arith.constant 0 : i32
        %dma_wait3A_311 = arith.constant 0 : i32
        %dma_wait3A_312 = tpu.memref_slice %arg3[%add3A, %add3A_309, %dma_wait3A_310, %dma_wait3A_311] : memref<32x80x2x125xi32, #tpu.memory_space<hbm>> -> memref<1x1x2x125xi32, #tpu.memory_space<hbm>>
        %dma_wait3A_313 = tpu.memref_squeeze %dma_wait3A_312 : memref<1x1x2x125xi32, #tpu.memory_space<hbm>> -> memref<2x125xi32, #tpu.memory_space<hbm>>
        %dma_wait3A_314 = arith.constant 0 : i32
        %dma_wait3A_315 = arith.constant 0 : i32
        %dma_wait3A_316 = tpu.memref_slice %arg3[%add3A, %add3A_309, %dma_wait3A_314, %dma_wait3A_315] : memref<32x80x2x125xi32, #tpu.memory_space<hbm>> -> memref<1x1x2x125xi32, #tpu.memory_space<hbm>>
        %dma_wait3A_317 = tpu.memref_squeeze %dma_wait3A_316 : memref<1x1x2x125xi32, #tpu.memory_space<hbm>> -> memref<2x125xi32, #tpu.memory_space<hbm>>
        tpu.wait_dma2 semaphore(%arg23 : memref<!tpu.dma_semaphore, #tpu.memory_space<semaphore_mem>>) src(%dma_wait3A_317 : memref<2x125xi32, #tpu.memory_space<hbm>>) dst(%arg10 : memref<2x125xi32, #tpu.memory_space<vmem>>)
        %add3A_318 = arith.constant 2 : i32
        %add3A_319 = arith.addi %add3A_275, %add3A_318 : i32
        %dma_start3A_320 = arith.constant 0 : i32
        %dma_start3A_321 = arith.constant 0 : i32
        %dma_start3A_322 = tpu.memref_slice %arg10[%dma_start3A_320, %dma_start3A_321] : memref<2x125xi32, #tpu.memory_space<vmem>> -> memref<1x125xi32, #tpu.memory_space<vmem>>
        %dma_start3A_323 = tpu.memref_squeeze %dma_start3A_322 : memref<1x125xi32, #tpu.memory_space<vmem>> -> memref<125xi32, #tpu.memory_space<vmem>>
        %dma_start3A_324 = arith.constant 0 : i32
        %dma_start3A_325 = arith.constant 0 : i32
        %dma_start3A_326 = tpu.memref_slice %arg2[%dma_start3A_324, %dma_start3A_325] : memref<10000x64xf32, #tpu.memory_space<hbm>> -> memref<10000x64xf32, #tpu.memory_space<hbm>>
        tpu.enqueue_indirect_dma source(%dma_start3A_326 : memref<10000x64xf32, #tpu.memory_space<hbm>>) target(%arg7 : memref<125x64xf32, #tpu.memory_space<vmem>>) offsets(%dma_start3A_323 : memref<125xi32, #tpu.memory_space<vmem>>) semaphore(%arg17 : memref<!tpu.dma_semaphore, #tpu.memory_space<semaphore_mem>>)
      } else {
      }
      %add3A_297 = arith.constant 4 : i32
      %add3A_298 = arith.addi %add3A_275, %add3A_297 : i32
      %lt3A_299 = arith.constant 80 : i32
      %lt3A_300 = arith.cmpi slt, %add3A_298, %lt3A_299 : i32
      %convert_element_type3A_301 = arith.extui %lt3A_300 : i1 to i32
      %cond3A_302 = arith.constant 0 : i32
      %cond3A_303 = arith.cmpi ne, %convert_element_type3A_301, %cond3A_302 : i32
      scf.if %cond3A_303 {
        %add3A_304 = arith.constant 4 : i32
        %add3A_305 = arith.addi %add3A_275, %add3A_304 : i32
        %dma_start3A_306 = arith.constant 0 : i32
        %dma_start3A_307 = arith.constant 0 : i32
        %dma_start3A_308 = tpu.memref_slice %arg3[%add3A, %add3A_305, %dma_start3A_306, %dma_start3A_307] : memref<32x80x2x125xi32, #tpu.memory_space<hbm>> -> memref<1x1x2x125xi32, #tpu.memory_space<hbm>>
        %dma_start3A_309 = tpu.memref_squeeze %dma_start3A_308 : memref<1x1x2x125xi32, #tpu.memory_space<hbm>> -> memref<2x125xi32, #tpu.memory_space<hbm>>
        %dma_start3A_310 = arith.constant 0 : i32
        %dma_start3A_311 = arith.constant 0 : i32
        %dma_start3A_312 = tpu.memref_slice %arg3[%add3A, %add3A_305, %dma_start3A_310, %dma_start3A_311] : memref<32x80x2x125xi32, #tpu.memory_space<hbm>> -> memref<1x1x2x125xi32, #tpu.memory_space<hbm>>
        %dma_start3A_313 = tpu.memref_squeeze %dma_start3A_312 : memref<1x1x2x125xi32, #tpu.memory_space<hbm>> -> memref<2x125xi32, #tpu.memory_space<hbm>>
        tpu.enqueue_dma source(%dma_start3A_313 : memref<2x125xi32, #tpu.memory_space<hbm>>) target(%arg12 : memref<2x125xi32, #tpu.memory_space<vmem>>) target_semaphore(%arg25 : memref<!tpu.dma_semaphore, #tpu.memory_space<semaphore_mem>>)
      } else {
      }
    }
    %scan3A_73 = arith.constant 13 : i32
    %dma_wait3A_74 = arith.constant 0 : i32
    %dma_wait3A_75 = arith.constant 0 : i32
    %dma_wait3A_76 = tpu.memref_slice %arg9[%dma_wait3A_74, %dma_wait3A_75] : memref<2x125xi32, #tpu.memory_space<vmem>> -> memref<1x125xi32, #tpu.memory_space<vmem>>
    %dma_wait3A_77 = tpu.memref_squeeze %dma_wait3A_76 : memref<1x125xi32, #tpu.memory_space<vmem>> -> memref<125xi32, #tpu.memory_space<vmem>>
    %dma_wait3A_78 = arith.constant 0 : i32
    %dma_wait3A_79 = arith.constant 0 : i32
    %dma_wait3A_80 = tpu.memref_slice %arg2[%dma_wait3A_78, %dma_wait3A_79] : memref<10000x64xf32, #tpu.memory_space<hbm>> -> memref<10000x64xf32, #tpu.memory_space<hbm>>
    tpu.wait_indirect_dma semaphore(%arg16 : memref<!tpu.dma_semaphore, #tpu.memory_space<semaphore_mem>>) src(%dma_wait3A_80 : memref<10000x64xf32, #tpu.memory_space<hbm>>) dst(%arg6 : memref<125x64xf32, #tpu.memory_space<vmem>>)
    %dma_start3A_81 = arith.constant 1 : i32
    %dma_start3A_82 = arith.constant 0 : i32
    %dma_start3A_83 = tpu.memref_slice %arg9[%dma_start3A_81, %dma_start3A_82] : memref<2x125xi32, #tpu.memory_space<vmem>> -> memref<1x125xi32, #tpu.memory_space<vmem>>
    %dma_start3A_84 = tpu.memref_squeeze %dma_start3A_83 : memref<1x125xi32, #tpu.memory_space<vmem>> -> memref<125xi32, #tpu.memory_space<vmem>>
    %dma_start3A_85 = arith.constant 0 : i32
    %dma_start3A_86 = arith.constant 0 : i32
    %dma_start3A_87 = tpu.memref_slice %arg15[%dma_start3A_85, %dma_start3A_86] : memref<10000x64xf32, #tpu.memory_space<vmem_shared>> -> memref<10000x64xf32, #tpu.memory_space<vmem_shared>>
    tpu.enqueue_indirect_dma source(%arg6 : memref<125x64xf32, #tpu.memory_space<vmem>>) target(%dma_start3A_87 : memref<10000x64xf32, #tpu.memory_space<vmem_shared>>) offsets(%dma_start3A_84 : memref<125xi32, #tpu.memory_space<vmem>>) semaphore(%arg19 : memref<!tpu.dma_semaphore, #tpu.memory_space<semaphore_mem>>) {add = true}
    %dma_wait3A_88 = arith.constant 0 : i32
    %dma_wait3A_89 = arith.constant 0 : i32
    %dma_wait3A_90 = tpu.memref_slice %arg10[%dma_wait3A_88, %dma_wait3A_89] : memref<2x125xi32, #tpu.memory_space<vmem>> -> memref<1x125xi32, #tpu.memory_space<vmem>>
    %dma_wait3A_91 = tpu.memref_squeeze %dma_wait3A_90 : memref<1x125xi32, #tpu.memory_space<vmem>> -> memref<125xi32, #tpu.memory_space<vmem>>
    %dma_wait3A_92 = arith.constant 0 : i32
    %dma_wait3A_93 = arith.constant 0 : i32
    %dma_wait3A_94 = tpu.memref_slice %arg2[%dma_wait3A_92, %dma_wait3A_93] : memref<10000x64xf32, #tpu.memory_space<hbm>> -> memref<10000x64xf32, #tpu.memory_space<hbm>>
    tpu.wait_indirect_dma semaphore(%arg17 : memref<!tpu.dma_semaphore, #tpu.memory_space<semaphore_mem>>) src(%dma_wait3A_94 : memref<10000x64xf32, #tpu.memory_space<hbm>>) dst(%arg7 : memref<125x64xf32, #tpu.memory_space<vmem>>)
    %dma_start3A_95 = arith.constant 1 : i32
    %dma_start3A_96 = arith.constant 0 : i32
    %dma_start3A_97 = tpu.memref_slice %arg10[%dma_start3A_95, %dma_start3A_96] : memref<2x125xi32, #tpu.memory_space<vmem>> -> memref<1x125xi32, #tpu.memory_space<vmem>>
    %dma_start3A_98 = tpu.memref_squeeze %dma_start3A_97 : memref<1x125xi32, #tpu.memory_space<vmem>> -> memref<125xi32, #tpu.memory_space<vmem>>
    %dma_start3A_99 = arith.constant 0 : i32
    %dma_start3A_100 = arith.constant 0 : i32
    %dma_start3A_101 = tpu.memref_slice %arg15[%dma_start3A_99, %dma_start3A_100] : memref<10000x64xf32, #tpu.memory_space<vmem_shared>> -> memref<10000x64xf32, #tpu.memory_space<vmem_shared>>
    tpu.enqueue_indirect_dma source(%arg7 : memref<125x64xf32, #tpu.memory_space<vmem>>) target(%dma_start3A_101 : memref<10000x64xf32, #tpu.memory_space<vmem_shared>>) offsets(%dma_start3A_98 : memref<125xi32, #tpu.memory_space<vmem>>) semaphore(%arg20 : memref<!tpu.dma_semaphore, #tpu.memory_space<semaphore_mem>>) {add = true}
    %dma_wait3A_102 = arith.constant 1 : i32
    %dma_wait3A_103 = arith.constant 0 : i32
    %dma_wait3A_104 = tpu.memref_slice %arg14[%dma_wait3A_102, %dma_wait3A_103] : memref<2x125xi32, #tpu.memory_space<vmem>> -> memref<1x125xi32, #tpu.memory_space<vmem>>
    %dma_wait3A_105 = tpu.memref_squeeze %dma_wait3A_104 : memref<1x125xi32, #tpu.memory_space<vmem>> -> memref<125xi32, #tpu.memory_space<vmem>>
    %dma_wait3A_106 = arith.constant 0 : i32
    %dma_wait3A_107 = arith.constant 0 : i32
    %dma_wait3A_108 = tpu.memref_slice %arg15[%dma_wait3A_106, %dma_wait3A_107] : memref<10000x64xf32, #tpu.memory_space<vmem_shared>> -> memref<10000x64xf32, #tpu.memory_space<vmem_shared>>
    tpu.wait_indirect_dma semaphore(%arg21 : memref<!tpu.dma_semaphore, #tpu.memory_space<semaphore_mem>>) src(%arg8 : memref<125x64xf32, #tpu.memory_space<vmem>>) dst(%dma_wait3A_108 : memref<10000x64xf32, #tpu.memory_space<vmem_shared>>)
    %dma_wait3A_109 = arith.constant 1 : i32
    %dma_wait3A_110 = arith.constant 0 : i32
    %dma_wait3A_111 = tpu.memref_slice %arg9[%dma_wait3A_109, %dma_wait3A_110] : memref<2x125xi32, #tpu.memory_space<vmem>> -> memref<1x125xi32, #tpu.memory_space<vmem>>
    %dma_wait3A_112 = tpu.memref_squeeze %dma_wait3A_111 : memref<1x125xi32, #tpu.memory_space<vmem>> -> memref<125xi32, #tpu.memory_space<vmem>>
    %dma_wait3A_113 = arith.constant 0 : i32
    %dma_wait3A_114 = arith.constant 0 : i32
    %dma_wait3A_115 = tpu.memref_slice %arg15[%dma_wait3A_113, %dma_wait3A_114] : memref<10000x64xf32, #tpu.memory_space<vmem_shared>> -> memref<10000x64xf32, #tpu.memory_space<vmem_shared>>
    tpu.wait_indirect_dma semaphore(%arg19 : memref<!tpu.dma_semaphore, #tpu.memory_space<semaphore_mem>>) src(%arg6 : memref<125x64xf32, #tpu.memory_space<vmem>>) dst(%dma_wait3A_115 : memref<10000x64xf32, #tpu.memory_space<vmem_shared>>)
    %dma_wait3A_116 = arith.constant 1 : i32
    %dma_wait3A_117 = arith.constant 0 : i32
    %dma_wait3A_118 = tpu.memref_slice %arg10[%dma_wait3A_116, %dma_wait3A_117] : memref<2x125xi32, #tpu.memory_space<vmem>> -> memref<1x125xi32, #tpu.memory_space<vmem>>
    %dma_wait3A_119 = tpu.memref_squeeze %dma_wait3A_118 : memref<1x125xi32, #tpu.memory_space<vmem>> -> memref<125xi32, #tpu.memory_space<vmem>>
    %dma_wait3A_120 = arith.constant 0 : i32
    %dma_wait3A_121 = arith.constant 0 : i32
    %dma_wait3A_122 = tpu.memref_slice %arg15[%dma_wait3A_120, %dma_wait3A_121] : memref<10000x64xf32, #tpu.memory_space<vmem_shared>> -> memref<10000x64xf32, #tpu.memory_space<vmem_shared>>
    tpu.wait_indirect_dma semaphore(%arg20 : memref<!tpu.dma_semaphore, #tpu.memory_space<semaphore_mem>>) src(%arg7 : memref<125x64xf32, #tpu.memory_space<vmem>>) dst(%dma_wait3A_122 : memref<10000x64xf32, #tpu.memory_space<vmem_shared>>)
    %barrier3A_123 = arith.constant 0 : index
    tpu.barrier barrier_id(%barrier3A_123)
    %run_scoped3A = arith.constant 0 : i32
    "tpu.region"() ({
      %run_scoped3A_124 = tpu.sem_alloc : memref<!tpu.dma_semaphore, #tpu.memory_space<semaphore_mem>>
      %dma_start3A_125 = arith.constant 0 : i32
      %dma_start3A_126 = tpu.memref_slice %arg5[%run_scoped3A, %arg0, %mul3A_2, %dma_start3A_125] : memref<1x2x10000x64xf32, #tpu.memory_space<hbm>> -> memref<1x1x625x64xf32, #tpu.memory_space<hbm>>
      %dma_start3A_127 = tpu.memref_squeeze %dma_start3A_126 : memref<1x1x625x64xf32, #tpu.memory_space<hbm>> -> memref<625x64xf32, #tpu.memory_space<hbm>>
      %dma_start3A_128 = arith.constant 0 : i32
      %dma_start3A_129 = tpu.memref_slice %arg15[%mul3A_2, %dma_start3A_128] : memref<10000x64xf32, #tpu.memory_space<vmem_shared>> -> memref<625x64xf32, #tpu.memory_space<vmem_shared>>
      tpu.enqueue_dma source(%dma_start3A_129 : memref<625x64xf32, #tpu.memory_space<vmem_shared>>) target(%dma_start3A_127 : memref<625x64xf32, #tpu.memory_space<hbm>>) target_semaphore(%run_scoped3A_124 : memref<!tpu.dma_semaphore, #tpu.memory_space<semaphore_mem>>)
      %dma_wait3A_130 = arith.constant 0 : i32
      %dma_wait3A_131 = tpu.memref_slice %arg5[%run_scoped3A, %arg0, %mul3A_2, %dma_wait3A_130] : memref<1x2x10000x64xf32, #tpu.memory_space<hbm>> -> memref<1x1x625x64xf32, #tpu.memory_space<hbm>>
      %dma_wait3A_132 = tpu.memref_squeeze %dma_wait3A_131 : memref<1x1x625x64xf32, #tpu.memory_space<hbm>> -> memref<625x64xf32, #tpu.memory_space<hbm>>
      %dma_wait3A_133 = arith.constant 0 : i32
      %dma_wait3A_134 = tpu.memref_slice %arg15[%mul3A_2, %dma_wait3A_133] : memref<10000x64xf32, #tpu.memory_space<vmem_shared>> -> memref<625x64xf32, #tpu.memory_space<vmem_shared>>
      tpu.wait_dma2 semaphore(%run_scoped3A_124 : memref<!tpu.dma_semaphore, #tpu.memory_space<semaphore_mem>>) src(%dma_wait3A_134 : memref<625x64xf32, #tpu.memory_space<vmem_shared>>) dst(%dma_wait3A_132 : memref<625x64xf32, #tpu.memory_space<hbm>>)
      tpu.yield
    }) : () -> ()
    return
  }
}

module attributes {stable_mosaic.version = 14 : i64} {
  func.func @_mm1_body(%arg0: i32, %arg1: memref<5000x128xf32, #tpu.memory_space<vmem>>, %arg2: memref<128x256xf32, #tpu.memory_space<vmem>>, %arg3: memref<5000x32xf32, #tpu.memory_space<vmem>>, %arg4: memref<5000x128xf32, #tpu.memory_space<vmem>>, %arg5: memref<5000x128xf32, #tpu.memory_space<vmem>>, %arg6: memref<5000x8xf32, #tpu.memory_space<vmem>>) attributes {dimension_semantics = [#tpu.dimension_semantics<arbitrary>], iteration_bounds = array<i64: 2>, scalar_prefetch = 0 : i64, scratch_operands = 0 : i64, tpu.core_type = #tpu.core_type<tc>, window_params = [{transform_indices = @transform_0, window_bounds = array<i64: 5000, 128>}, {pipeline_mode = #tpu.pipeline_mode<synchronous>, transform_indices = @transform_1, window_bounds = array<i64: 128, 256>}, {transform_indices = @transform_2, window_bounds = array<i64: 5000, 32>}, {transform_indices = @transform_3, window_bounds = array<i64: 5000, 128>}, {transform_indices = @transform_4, window_bounds = array<i64: 5000, 128>}, {transform_indices = @transform_5, window_bounds = array<i64: 5000, 8>}]} {
    %get3A = arith.constant 0 : index
    %get3A_0 = arith.constant 0 : index
    %get3A_1 = vector.load %arg3[%get3A, %get3A_0] : memref<5000x32xf32, #tpu.memory_space<vmem>>, vector<5000x32xf32>
    %reduce_sum3A = arith.constant dense<0.000000e+00> : vector<5000xf32>
    %reduce_sum3A_2 = vector.multi_reduction <add>, %get3A_1, %reduce_sum3A [1] : vector<5000x32xf32> to vector<5000xf32>
    %broadcast_in_dim3A = vector.shape_cast %reduce_sum3A_2 : vector<5000xf32> to vector<5000x1xf32>
    %add3A = arith.constant 1.000000e+00 : f32
    %add3A_3 = vector.broadcast %add3A : f32 to vector<5000x1xf32>
    %add3A_4 = arith.addf %add3A_3, %broadcast_in_dim3A : vector<5000x1xf32>
    %rsqrt3A = math.rsqrt %add3A_4 : vector<5000x1xf32>
    %get3A_5 = arith.constant 0 : index
    %get3A_6 = arith.constant 0 : index
    %get3A_7 = vector.load %arg1[%get3A_5, %get3A_6] : memref<5000x128xf32, #tpu.memory_space<vmem>>, vector<5000x128xf32>
    %get3A_8 = arith.constant 0 : index
    %get3A_9 = arith.constant 0 : index
    %get3A_10 = vector.load %arg2[%get3A_8, %get3A_9] : memref<128x256xf32, #tpu.memory_space<vmem>>, vector<128x256xf32>
    %dot_general3A = arith.constant dense<0.000000e+00> : vector<5000x256xf32>
    %dot_general3A_11 = tpu.matmul %get3A_7, %get3A_10, %dot_general3A {dimension_numbers = #tpu.dot_dimension_numbers<[1], [0], [0], [1], [0, 0, 1, 1], [], []>, transpose_lhs_hint = false} : vector<5000x128xf32>, vector<128x256xf32>, vector<5000x256xf32> -> vector<5000x256xf32>
    %mul3A = vector.broadcast %rsqrt3A : vector<5000x1xf32> to vector<5000x256xf32>
    %mul3A_12 = arith.mulf %dot_general3A_11, %mul3A : vector<5000x256xf32>
    %slice3A = vector.extract_strided_slice %mul3A_12 {offsets = [0, 0], sizes = [5000, 128], strides = [1, 1]} : vector<5000x256xf32> to vector<5000x128xf32>
    %swap3A = arith.constant 0 : index
    %swap3A_13 = arith.constant 0 : index
    %swap3A_14 = vector.load %arg4[%swap3A, %swap3A_13] : memref<5000x128xf32, #tpu.memory_space<vmem>>, vector<5000x128xf32>
    tpu.vector_store %arg4[%swap3A, %swap3A_13], %slice3A {strides = array<i32>} : memref<5000x128xf32, #tpu.memory_space<vmem>>, vector<5000x128xf32>,
    %slice3A_15 = vector.extract_strided_slice %mul3A_12 {offsets = [0, 128], sizes = [5000, 128], strides = [1, 1]} : vector<5000x256xf32> to vector<5000x128xf32>
    %swap3A_16 = arith.constant 0 : index
    %swap3A_17 = arith.constant 0 : index
    %swap3A_18 = vector.load %arg5[%swap3A_16, %swap3A_17] : memref<5000x128xf32, #tpu.memory_space<vmem>>, vector<5000x128xf32>
    tpu.vector_store %arg5[%swap3A_16, %swap3A_17], %slice3A_15 {strides = array<i32>} : memref<5000x128xf32, #tpu.memory_space<vmem>>, vector<5000x128xf32>,
    %broadcast_in_dim3A_19 = vector.shape_cast %rsqrt3A : vector<5000x1xf32> to vector<5000x1xf32>
    %broadcast_in_dim3A_20 = vector.broadcast %broadcast_in_dim3A_19 : vector<5000x1xf32> to vector<5000x8xf32>
    %swap3A_21 = arith.constant 0 : index
    %swap3A_22 = arith.constant 0 : index
    %swap3A_23 = vector.load %arg6[%swap3A_21, %swap3A_22] : memref<5000x8xf32, #tpu.memory_space<vmem>>, vector<5000x8xf32>
    tpu.vector_store %arg6[%swap3A_21, %swap3A_22], %broadcast_in_dim3A_20 {strides = array<i32>} : memref<5000x8xf32, #tpu.memory_space<vmem>>, vector<5000x8xf32>,
    return
  }
  func.func @transform_0(%arg0: i32) -> (i32, i32) {
    %c0_i32 = arith.constant 0 : i32
    %c0_i32_0 = arith.constant 0 : i32
    return %arg0, %c0_i32 : i32, i32
  }
  func.func @transform_1(%arg0: i32) -> (i32, i32) {
    %c0_i32 = arith.constant 0 : i32
    %c0_i32_0 = arith.constant 0 : i32
    %c0_i32_1 = arith.constant 0 : i32
    return %c0_i32, %c0_i32_0 : i32, i32
  }
  func.func @transform_2(%arg0: i32) -> (i32, i32) {
    %c0_i32 = arith.constant 0 : i32
    %c0_i32_0 = arith.constant 0 : i32
    return %arg0, %c0_i32 : i32, i32
  }
  func.func @transform_3(%arg0: i32) -> (i32, i32) {
    %c0_i32 = arith.constant 0 : i32
    %c0_i32_0 = arith.constant 0 : i32
    return %arg0, %c0_i32 : i32, i32
  }
  func.func @transform_4(%arg0: i32) -> (i32, i32) {
    %c0_i32 = arith.constant 0 : i32
    %c0_i32_0 = arith.constant 0 : i32
    return %arg0, %c0_i32 : i32, i32
  }
  func.func @transform_5(%arg0: i32) -> (i32, i32) {
    %c0_i32 = arith.constant 0 : i32
    %c0_i32_0 = arith.constant 0 : i32
    return %arg0, %c0_i32 : i32, i32
  }
}

module attributes {stable_mosaic.version = 14 : i64} {
  func.func @_mid_body(%arg0: i32, %arg1: memref<2x2x5000x128xf32, #tpu.memory_space<vmem>>, %arg2: memref<5000x128xf32, #tpu.memory_space<vmem>>, %arg3: memref<5000x128xf32, #tpu.memory_space<vmem>>, %arg4: memref<5000x8xf32, #tpu.memory_space<vmem>>, %arg5: memref<1x256xf32, #tpu.memory_space<vmem>>, %arg6: memref<2x128x64xf32, #tpu.memory_space<vmem>>, %arg7: memref<5000x64xf32, #tpu.memory_space<vmem>>) attributes {dimension_semantics = [#tpu.dimension_semantics<arbitrary>], iteration_bounds = array<i64: 2>, scalar_prefetch = 0 : i64, scratch_operands = 0 : i64, tpu.core_type = #tpu.core_type<tc>, window_params = [{transform_indices = @transform_0, window_bounds = array<i64: 2, 2, 5000, 128>}, {transform_indices = @transform_1, window_bounds = array<i64: 5000, 128>}, {transform_indices = @transform_2, window_bounds = array<i64: 5000, 128>}, {transform_indices = @transform_3, window_bounds = array<i64: 5000, 8>}, {pipeline_mode = #tpu.pipeline_mode<synchronous>, transform_indices = @transform_4, window_bounds = array<i64: 1, 256>}, {pipeline_mode = #tpu.pipeline_mode<synchronous>, transform_indices = @transform_5, window_bounds = array<i64: 2, 128, 64>}, {transform_indices = @transform_6, window_bounds = array<i64: 5000, 64>}]} {
    %get3A = arith.constant 0 : index
    %get3A_0 = arith.constant 0 : index
    %get3A_1 = vector.load %arg4[%get3A, %get3A_0] : memref<5000x8xf32, #tpu.memory_space<vmem>>, vector<5000x8xf32>
    %slice3A = vector.extract_strided_slice %get3A_1 {offsets = [0, 0], sizes = [5000, 1], strides = [1, 1]} : vector<5000x8xf32> to vector<5000x1xf32>
    %get3A_2 = arith.constant 0 : index
    %get3A_3 = arith.constant 0 : index
    %get3A_4 = vector.load %arg5[%get3A_2, %get3A_3] : memref<1x256xf32, #tpu.memory_space<vmem>>, vector<1x256xf32>
    %get3A_5 = arith.constant 0 : index
    %get3A_6 = arith.constant 0 : index
    %get3A_7 = arith.constant 0 : index
    %get3A_8 = arith.constant 0 : index
    %get3A_9 = vector.load %arg1[%get3A_5, %get3A_6, %get3A_7, %get3A_8] : memref<2x2x5000x128xf32, #tpu.memory_space<vmem>>, vector<1x1x5000x128xf32>
    %get3A_10 = vector.shape_cast %get3A_9 : vector<1x1x5000x128xf32> to vector<5000x128xf32>
    %get3A_11 = arith.constant 0 : index
    %get3A_12 = arith.constant 1 : index
    %get3A_13 = arith.constant 0 : index
    %get3A_14 = arith.constant 0 : index
    %get3A_15 = vector.load %arg1[%get3A_11, %get3A_12, %get3A_13, %get3A_14] : memref<2x2x5000x128xf32, #tpu.memory_space<vmem>>, vector<1x1x5000x128xf32>
    %get3A_16 = vector.shape_cast %get3A_15 : vector<1x1x5000x128xf32> to vector<5000x128xf32>
    %add3A = arith.addf %get3A_10, %get3A_16 : vector<5000x128xf32>
    %get3A_17 = arith.constant 0 : index
    %get3A_18 = arith.constant 0 : index
    %get3A_19 = vector.load %arg2[%get3A_17, %get3A_18] : memref<5000x128xf32, #tpu.memory_space<vmem>>, vector<5000x128xf32>
    %add3A_20 = arith.addf %add3A, %get3A_19 : vector<5000x128xf32>
    %mul3A = vector.broadcast %slice3A : vector<5000x1xf32> to vector<5000x128xf32>
    %mul3A_21 = arith.mulf %mul3A, %add3A_20 : vector<5000x128xf32>
    %slice3A_22 = vector.extract_strided_slice %get3A_4 {offsets = [0, 0], sizes = [1, 128], strides = [1, 1]} : vector<1x256xf32> to vector<1x128xf32>
    %add3A_23 = vector.broadcast %slice3A_22 : vector<1x128xf32> to vector<5000x128xf32>
    %add3A_24 = arith.addf %mul3A_21, %add3A_23 : vector<5000x128xf32>
    %max3A = arith.constant 0.000000e+00 : f32
    %max3A_25 = vector.broadcast %max3A : f32 to vector<5000x128xf32>
    %max3A_26 = arith.maximumf %add3A_24, %max3A_25 : vector<5000x128xf32>
    %get3A_27 = arith.constant 1 : index
    %get3A_28 = arith.constant 0 : index
    %get3A_29 = arith.constant 0 : index
    %get3A_30 = arith.constant 0 : index
    %get3A_31 = vector.load %arg1[%get3A_27, %get3A_28, %get3A_29, %get3A_30] : memref<2x2x5000x128xf32, #tpu.memory_space<vmem>>, vector<1x1x5000x128xf32>
    %get3A_32 = vector.shape_cast %get3A_31 : vector<1x1x5000x128xf32> to vector<5000x128xf32>
    %get3A_33 = arith.constant 1 : index
    %get3A_34 = arith.constant 1 : index
    %get3A_35 = arith.constant 0 : index
    %get3A_36 = arith.constant 0 : index
    %get3A_37 = vector.load %arg1[%get3A_33, %get3A_34, %get3A_35, %get3A_36] : memref<2x2x5000x128xf32, #tpu.memory_space<vmem>>, vector<1x1x5000x128xf32>
    %get3A_38 = vector.shape_cast %get3A_37 : vector<1x1x5000x128xf32> to vector<5000x128xf32>
    %add3A_39 = arith.addf %get3A_32, %get3A_38 : vector<5000x128xf32>
    %get3A_40 = arith.constant 0 : index
    %get3A_41 = arith.constant 0 : index
    %get3A_42 = vector.load %arg3[%get3A_40, %get3A_41] : memref<5000x128xf32, #tpu.memory_space<vmem>>, vector<5000x128xf32>
    %add3A_43 = arith.addf %add3A_39, %get3A_42 : vector<5000x128xf32>
    %mul3A_44 = vector.broadcast %slice3A : vector<5000x1xf32> to vector<5000x128xf32>
    %mul3A_45 = arith.mulf %mul3A_44, %add3A_43 : vector<5000x128xf32>
    %slice3A_46 = vector.extract_strided_slice %get3A_4 {offsets = [0, 128], sizes = [1, 128], strides = [1, 1]} : vector<1x256xf32> to vector<1x128xf32>
    %add3A_47 = vector.broadcast %slice3A_46 : vector<1x128xf32> to vector<5000x128xf32>
    %add3A_48 = arith.addf %mul3A_45, %add3A_47 : vector<5000x128xf32>
    %max3A_49 = arith.constant 0.000000e+00 : f32
    %max3A_50 = vector.broadcast %max3A_49 : f32 to vector<5000x128xf32>
    %max3A_51 = arith.maximumf %add3A_48, %max3A_50 : vector<5000x128xf32>
    %get3A_52 = arith.constant 0 : index
    %get3A_53 = arith.constant 0 : index
    %get3A_54 = arith.constant 0 : index
    %get3A_55 = vector.load %arg6[%get3A_52, %get3A_53, %get3A_54] : memref<2x128x64xf32, #tpu.memory_space<vmem>>, vector<1x128x64xf32>
    %get3A_56 = vector.shape_cast %get3A_55 : vector<1x128x64xf32> to vector<128x64xf32>
    %dot_general3A = arith.constant dense<0.000000e+00> : vector<5000x64xf32>
    %dot_general3A_57 = tpu.matmul %max3A_26, %get3A_56, %dot_general3A {dimension_numbers = #tpu.dot_dimension_numbers<[1], [0], [0], [1], [0, 0, 1, 1], [], []>, transpose_lhs_hint = false} : vector<5000x128xf32>, vector<128x64xf32>, vector<5000x64xf32> -> vector<5000x64xf32>
    %get3A_58 = arith.constant 1 : index
    %get3A_59 = arith.constant 0 : index
    %get3A_60 = arith.constant 0 : index
    %get3A_61 = vector.load %arg6[%get3A_58, %get3A_59, %get3A_60] : memref<2x128x64xf32, #tpu.memory_space<vmem>>, vector<1x128x64xf32>
    %get3A_62 = vector.shape_cast %get3A_61 : vector<1x128x64xf32> to vector<128x64xf32>
    %dot_general3A_63 = arith.constant dense<0.000000e+00> : vector<5000x64xf32>
    %dot_general3A_64 = tpu.matmul %max3A_51, %get3A_62, %dot_general3A_63 {dimension_numbers = #tpu.dot_dimension_numbers<[1], [0], [0], [1], [0, 0, 1, 1], [], []>, transpose_lhs_hint = false} : vector<5000x128xf32>, vector<128x64xf32>, vector<5000x64xf32> -> vector<5000x64xf32>
    %add3A_65 = arith.addf %dot_general3A_57, %dot_general3A_64 : vector<5000x64xf32>
    %mul3A_66 = vector.broadcast %slice3A : vector<5000x1xf32> to vector<5000x64xf32>
    %mul3A_67 = arith.mulf %add3A_65, %mul3A_66 : vector<5000x64xf32>
    %swap3A = arith.constant 0 : index
    %swap3A_68 = arith.constant 0 : index
    %swap3A_69 = vector.load %arg7[%swap3A, %swap3A_68] : memref<5000x64xf32, #tpu.memory_space<vmem>>, vector<5000x64xf32>
    tpu.vector_store %arg7[%swap3A, %swap3A_68], %mul3A_67 {strides = array<i32>} : memref<5000x64xf32, #tpu.memory_space<vmem>>, vector<5000x64xf32>,
    return
  }
  func.func @transform_0(%arg0: i32) -> (i32, i32, i32, i32) {
    %c0_i32 = arith.constant 0 : i32
    %c0_i32_0 = arith.constant 0 : i32
    %c0_i32_1 = arith.constant 0 : i32
    %c0_i32_2 = arith.constant 0 : i32
    return %c0_i32, %c0_i32_0, %arg0, %c0_i32_1 : i32, i32, i32, i32
  }
  func.func @transform_1(%arg0: i32) -> (i32, i32) {
    %c0_i32 = arith.constant 0 : i32
    %c0_i32_0 = arith.constant 0 : i32
    return %arg0, %c0_i32 : i32, i32
  }
  func.func @transform_2(%arg0: i32) -> (i32, i32) {
    %c0_i32 = arith.constant 0 : i32
    %c0_i32_0 = arith.constant 0 : i32
    return %arg0, %c0_i32 : i32, i32
  }
  func.func @transform_3(%arg0: i32) -> (i32, i32) {
    %c0_i32 = arith.constant 0 : i32
    %c0_i32_0 = arith.constant 0 : i32
    return %arg0, %c0_i32 : i32, i32
  }
  func.func @transform_4(%arg0: i32) -> (i32, i32) {
    %c0_i32 = arith.constant 0 : i32
    %c0_i32_0 = arith.constant 0 : i32
    %c0_i32_1 = arith.constant 0 : i32
    return %c0_i32, %c0_i32_0 : i32, i32
  }
  func.func @transform_5(%arg0: i32) -> (i32, i32, i32) {
    %c0_i32 = arith.constant 0 : i32
    %c0_i32_0 = arith.constant 0 : i32
    %c0_i32_1 = arith.constant 0 : i32
    %c0_i32_2 = arith.constant 0 : i32
    return %c0_i32, %c0_i32_0, %c0_i32_1 : i32, i32, i32
  }
  func.func @transform_6(%arg0: i32) -> (i32, i32) {
    %c0_i32 = arith.constant 0 : i32
    %c0_i32_0 = arith.constant 0 : i32
    return %arg0, %c0_i32 : i32, i32
  }
}

module attributes {stable_mosaic.version = 14 : i64} {
  func.func @_fin_body(%arg0: i32, %arg1: memref<1x2x5000x64xf32, #tpu.memory_space<vmem>>, %arg2: memref<5000x64xf32, #tpu.memory_space<vmem>>, %arg3: memref<5000x8xf32, #tpu.memory_space<vmem>>, %arg4: memref<1x64xf32, #tpu.memory_space<vmem>>, %arg5: memref<5000x64xf32, #tpu.memory_space<vmem>>) attributes {dimension_semantics = [#tpu.dimension_semantics<arbitrary>], iteration_bounds = array<i64: 2>, scalar_prefetch = 0 : i64, scratch_operands = 0 : i64, tpu.core_type = #tpu.core_type<tc>, window_params = [{transform_indices = @transform_0, window_bounds = array<i64: 1, 2, 5000, 64>}, {transform_indices = @transform_1, window_bounds = array<i64: 5000, 64>}, {transform_indices = @transform_2, window_bounds = array<i64: 5000, 8>}, {pipeline_mode = #tpu.pipeline_mode<synchronous>, transform_indices = @transform_3, window_bounds = array<i64: 1, 64>}, {transform_indices = @transform_4, window_bounds = array<i64: 5000, 64>}]} {
    %get3A = arith.constant 0 : index
    %get3A_0 = arith.constant 0 : index
    %get3A_1 = vector.load %arg3[%get3A, %get3A_0] : memref<5000x8xf32, #tpu.memory_space<vmem>>, vector<5000x8xf32>
    %slice3A = vector.extract_strided_slice %get3A_1 {offsets = [0, 0], sizes = [5000, 1], strides = [1, 1]} : vector<5000x8xf32> to vector<5000x1xf32>
    %get3A_2 = arith.constant 0 : index
    %get3A_3 = arith.constant 0 : index
    %get3A_4 = arith.constant 0 : index
    %get3A_5 = arith.constant 0 : index
    %get3A_6 = vector.load %arg1[%get3A_2, %get3A_3, %get3A_4, %get3A_5] : memref<1x2x5000x64xf32, #tpu.memory_space<vmem>>, vector<1x1x5000x64xf32>
    %get3A_7 = vector.shape_cast %get3A_6 : vector<1x1x5000x64xf32> to vector<5000x64xf32>
    %get3A_8 = arith.constant 0 : index
    %get3A_9 = arith.constant 1 : index
    %get3A_10 = arith.constant 0 : index
    %get3A_11 = arith.constant 0 : index
    %get3A_12 = vector.load %arg1[%get3A_8, %get3A_9, %get3A_10, %get3A_11] : memref<1x2x5000x64xf32, #tpu.memory_space<vmem>>, vector<1x1x5000x64xf32>
    %get3A_13 = vector.shape_cast %get3A_12 : vector<1x1x5000x64xf32> to vector<5000x64xf32>
    %add3A = arith.addf %get3A_7, %get3A_13 : vector<5000x64xf32>
    %get3A_14 = arith.constant 0 : index
    %get3A_15 = arith.constant 0 : index
    %get3A_16 = vector.load %arg2[%get3A_14, %get3A_15] : memref<5000x64xf32, #tpu.memory_space<vmem>>, vector<5000x64xf32>
    %add3A_17 = arith.addf %add3A, %get3A_16 : vector<5000x64xf32>
    %mul3A = vector.broadcast %slice3A : vector<5000x1xf32> to vector<5000x64xf32>
    %mul3A_18 = arith.mulf %mul3A, %add3A_17 : vector<5000x64xf32>
    %get3A_19 = arith.constant 0 : index
    %get3A_20 = arith.constant 0 : index
    %get3A_21 = vector.load %arg4[%get3A_19, %get3A_20] : memref<1x64xf32, #tpu.memory_space<vmem>>, vector<1x64xf32>
    %add3A_22 = vector.broadcast %get3A_21 : vector<1x64xf32> to vector<5000x64xf32>
    %add3A_23 = arith.addf %mul3A_18, %add3A_22 : vector<5000x64xf32>
    %swap3A = arith.constant 0 : index
    %swap3A_24 = arith.constant 0 : index
    %swap3A_25 = vector.load %arg5[%swap3A, %swap3A_24] : memref<5000x64xf32, #tpu.memory_space<vmem>>, vector<5000x64xf32>
    tpu.vector_store %arg5[%swap3A, %swap3A_24], %add3A_23 {strides = array<i32>} : memref<5000x64xf32, #tpu.memory_space<vmem>>, vector<5000x64xf32>,
    return
  }
  func.func @transform_0(%arg0: i32) -> (i32, i32, i32, i32) {
    %c0_i32 = arith.constant 0 : i32
    %c0_i32_0 = arith.constant 0 : i32
    %c0_i32_1 = arith.constant 0 : i32
    %c0_i32_2 = arith.constant 0 : i32
    return %c0_i32, %c0_i32_0, %arg0, %c0_i32_1 : i32, i32, i32, i32
  }
  func.func @transform_1(%arg0: i32) -> (i32, i32) {
    %c0_i32 = arith.constant 0 : i32
    %c0_i32_0 = arith.constant 0 : i32
    return %arg0, %c0_i32 : i32, i32
  }
  func.func @transform_2(%arg0: i32) -> (i32, i32) {
    %c0_i32 = arith.constant 0 : i32
    %c0_i32_0 = arith.constant 0 : i32
    return %arg0, %c0_i32 : i32, i32
  }
  func.func @transform_3(%arg0: i32) -> (i32, i32) {
    %c0_i32 = arith.constant 0 : i32
    %c0_i32_0 = arith.constant 0 : i32
    %c0_i32_1 = arith.constant 0 : i32
    return %c0_i32, %c0_i32_0 : i32, i32
  }
  func.func @transform_4(%arg0: i32) -> (i32, i32) {
    %c0_i32 = arith.constant 0 : i32
    %c0_i32_0 = arith.constant 0 : i32
    return %arg0, %c0_i32 : i32, i32
  }
}

</mosaic_0001>

<sc_bundles>
// kernel: kernel.11.cloned.1.call-start
scs
__scs_entry_jumppad:
0x0: {  	(pc) =	sbr.rel $0x88, $3  }
0x1: {  	(tag) =	ssettag $0x0;
	lr =	simm.s32 $0x1  }
0x2: {  	[smem:$0x3F9B] =	sst lr;
	_ =	strace $0xD0000000  }
0x3: {  	_ = 	snop  }
0x4: {  	_ = 	snop  }
0x5: {  	_ = 	snop  }
0x6: {  	_ = 	snop  }
0x7: {  	_ = 	snop  }
__scs_overlays_trampoline_lowered:
0x8: {  	[smem:$0x3FAA] =	sst s0  }
0x9: {  	[smem:$0x3FAB] =	sst s1  }
0xa: {  	[smem:$0x3FAC] =	sst s2  }
0xb: {  	[smem:$0x3FAD] =	sst s3  }
0xc: {  	[smem:$0x3FAE] =	sst s4  }
0xd: {  	[smem:$0x3FAF] =	sst s5  }
0xe: {  	[smem:$0x3FB0] =	sst s6  }
0xf: {  	[smem:$0x3FB1] =	sst s7  }
0x10: {  	[smem:$0x3FB2] =	sst s8  }
0x11: {  	[smem:$0x3FB3] =	sst s9;
	s0 =	simm.s32 @!p0 $0x0  }
0x12: {  	s1 =	sld [smem:$0x3F99];
	s0 =	simm.s32 @p0 $0x1  }
0x13: {  	[smem:$0x3FB4] =	sst s0;
	s0 =	simm.s32 @!p1 $0x0  }
0x14: {  	s2 =	sld [smem:$0x3F98];
	s0 =	simm.s32 @p1 $0x1  }
0x15: {  	[smem:$0x3FB5] =	sst s0;
	s0 =	simm.s32 @!p2 $0x0  }
0x16: {  	s3 =	sld [smem:$0x3FDB];
	s0 =	simm.s32 @p2 $0x1  }
0x17: {  	s4 =	simm.s32 $0x1BF5;
	[smem:$0x3FB7] =	sst s0  }
0x18: {  	s0 =	sld [smem:$0x3F9A];
	_ =	swait.ge [sflag:s4], $0x0  }
0x19: {  	s7 =	sld [smem:$0x3F9B]  }
0x1a: {  	s8 =	sadd.s32 $0xFFFFE003, lr  }
0x1b: {  	s9 =	sadd.s32 $0xFFFFFEF7, lr;
	s5 =	simm.s32 $0xFFFFFFFF;
	p2 =	slt.u32 s8, $0xFFFFF086  }
0x1c: {  	p1 =	slt.u32 s9, $0xF7A;
	s5 =	simm.s32 @!p2 $0x0  }
0x1d: {  	s5 =	simm.s32 @p1 $0x1;
	p0 =	seq.s32 s7, s2  }
0x1e: {  	s7 =	smul.u32 @!p0 $0xF7A, s2;
	p2 =	seq.s32 @!p0 s5, $0x0  }
0x1f: {  	s9 =	smul.u32 $0xF7A, s1;
	s8 =	simm.s32 @!p0 $0x1BF5;
	p2 =	por !p2, p0  }
0x20: {  	[sflag:s8] =	ssyncset.s32 @!p0 $0xFFFFF086;
	s6 =	sadd.s32 @!p0 s3, s7;
	s7 =	simm.s32 @!p0 $0x108  }
0x21: {  	s3 =	sadd.s32 s3, s9;
	s6 =	sadd.s32 @!p0 $0x88, s6;
	s7 =	simm.s32 @p2 $0x1082  }
0x22: {  	[simem:s7], [sflag:s8] =	dma.local @!p0 [hbm:s6], $0xF7A  }
0x23: {  	s9 =	sor.u32 $0xD0000000, s2;
	s6 =	simm.s32 $0x108;
	_ =	swait.ge @!p0 [sflag:s8], $0x0  }
0x24: {  	s3 =	sadd.s32 $0x88, s3;
	s6 =	simm.s32 @!p1 $0x1082;
	[sflag:s4] =	ssyncset.s32 $0xFFFFF086  }
0x25: {  	[simem:s6], [sflag:s4] =	dma.local [hbm:s3], $0xF7A  }
0x26: {  	[smem:$0x3F9B] =	sst s1;
	(tag) =	ssettag s2;
	_ =	strace s9  }
0x27: {  	s1 =	sld [smem:$0x3FAB]  }
0x28: {  	s2 =	sld [smem:$0x3FAC]  }
0x29: {  	s4 =	sld [smem:$0x3FAE]  }
0x2a: {  	p0 =	seq.s32 s5, $0x0;
	s5 =	sld [smem:$0x3FAF]  }
0x2b: {  	s6 =	sld [smem:$0x3FB0]  }
0x2c: {  	s7 =	sld [smem:$0x3FB1]  }
0x2d: {  	s3 =	simm.s32 $0x108;
	s8 =	sld [smem:$0x3FB2]  }
0x2e: {  	s3 =	simm.s32 @!p0 $0x1082;
	s9 =	sld [smem:$0x3FB3]  }
0x2f: {  	lr =	sadd.s32 s0, s3;
	s0 =	sld [smem:$0x3FAA]  }
0x30: {  	s3 =	sld [smem:$0x3FAD]  }
0x31: {  	[smem:$0x3FB6] =	sst s10  }
0x32: {  	s10 =	sld [smem:$0x3FB4];
	_ =	sdelay $0x3  }
0x33: {  	p0 =	seq.s32 s10, $0x1;
	s10 =	sld [smem:$0x3FB6];
	_ =	sdelay $0x3  }
0x34: {  	[smem:$0x3FB6] =	sst s10  }
0x35: {  	s10 =	sld [smem:$0x3FB5];
	_ =	sdelay $0x3  }
0x36: {  	p1 =	seq.s32 s10, $0x1;
	s10 =	sld [smem:$0x3FB6];
	_ =	sdelay $0x3  }
0x37: {  	[smem:$0x3FB6] =	sst s10  }
0x38: {  	s10 =	sld [smem:$0x3FB7]  }
0x39: {  	_ = 	snop;
	(pc) =	sbr.ind lr, $3  }
0x3a: {  	_ = 	snop  }
0x3b: {  	_ = 	snop  }
0x3c: {  	p2 =	seq.s32 s10, $0x1;
	s10 =	sld [smem:$0x3FB6]  }
0x3d: {  	_ =	shalt  }
0x3e: {  	_ =	shalt  }
0x3f: {  	_ =	shalt  }
0x40: {  	_ =	shalt  }
0x41: {  	_ =	shalt  }
0x42: {  	_ =	shalt  }
0x43: {  	_ =	shalt  }
0x44: {  	_ =	shalt  }
0x45: {  	_ =	shalt  }
0x46: {  	_ =	shalt  }
0x47: {  	_ =	shalt  }
0x48: {  	_ =	shalt  }
0x49: {  	_ =	shalt  }
0x4a: {  	_ =	shalt  }
0x4b: {  	_ =	shalt  }
0x4c: {  	_ =	shalt  }
0x4d: {  	_ =	shalt  }
0x4e: {  	_ =	shalt  }
0x4f: {  	_ =	shalt  }
0x50: {  	_ =	shalt  }
0x51: {  	_ =	shalt  }
0x52: {  	_ =	shalt  }
0x53: {  	_ =	shalt  }
0x54: {  	_ =	shalt  }
0x55: {  	_ =	shalt  }
0x56: {  	_ =	shalt  }
0x57: {  	_ =	shalt  }
0x58: {  	_ =	shalt  }
0x59: {  	_ =	shalt  }
0x5a: {  	_ =	shalt  }
0x5b: {  	_ =	shalt  }
0x5c: {  	_ =	shalt  }
0x5d: {  	_ =	shalt  }
0x5e: {  	_ =	shalt  }
0x5f: {  	_ =	shalt  }
0x60: {  	_ =	shalt  }
0x61: {  	_ =	shalt  }
0x62: {  	_ =	shalt  }
0x63: {  	_ =	shalt  }
0x64: {  	_ =	shalt  }
0x65: {  	_ =	shalt  }
0x66: {  	_ =	shalt  }
0x67: {  	_ =	shalt  }
0x68: {  	_ =	shalt  }
0x69: {  	_ =	shalt  }
0x6a: {  	_ =	shalt  }
0x6b: {  	_ =	shalt  }
0x6c: {  	_ =	shalt  }
0x6d: {  	_ =	shalt  }
0x6e: {  	_ =	shalt  }
0x6f: {  	_ =	shalt  }
0x70: {  	_ =	shalt  }
0x71: {  	_ =	shalt  }
0x72: {  	_ =	shalt  }
0x73: {  	_ =	shalt  }
0x74: {  	_ =	shalt  }
0x75: {  	_ =	shalt  }
0x76: {  	_ =	shalt  }
0x77: {  	_ =	shalt  }
0x78: {  	_ =	shalt  }
0x79: {  	_ =	shalt  }
0x7a: {  	_ =	shalt  }
0x7b: {  	_ =	shalt  }
0x7c: {  	_ =	shalt  }
0x7d: {  	_ =	shalt  }
0x7e: {  	_ =	shalt  }
0x7f: {  	_ =	shalt  }
0x80: {  	_ =	shalt  }
0x81: {  	_ =	shalt  }
0x82: {  	_ =	shalt  }
0x83: {  	_ =	shalt  }
0x84: {  	_ =	shalt  }
0x85: {  	_ =	shalt  }
0x86: {  	_ =	shalt  }
0x87: {  	_ =	shalt  }
.Lfunc_end0:
.L_simem_size_0:
called_computation.1_lowered:
.L_overlay_start_0:
0x88: {  	s2 =	sld [smem:$0x3FD9]  }
0x89: {  	s3 =	sld [smem:$0x3FFE];
	_ =	sdelay $0x1  }
0x8a: {  	s1 =	srdreg.scid  }
0x8b: {  	s0 =	sand.u32 $0x1, s1  }
0x8c: {  	s16 =	sshll.u32 s0, $0xA;
	s2 =	sadd.s32 s3, s2  }
0x8d: {  	s2 =	sadd.s32 s2, s16  }
0x8e: {  	[smem:$0x3FC2] =	sst s2  }
0x8f: {  	_ = 	snop  }
0x90: {  	(tm) =	ssettm $0x1  }
0x91: {  	s17 =	sld [smem:$0x3FFB];
	_ =	sdelay $0x3  }
0x92: {  	_ =	strace s17  }
0x93: {  	s2 =	sld [smem:$0x3FFC];
	_ =	sdelay $0x3  }
0x94: {  	_ =	strace s2  }
0x95: {  	s2 =	sld [smem:$0x3FFD];
	_ =	sdelay $0x3  }
0x96: {  	_ =	strace s2  }
0x97: {  	_ =	strace $0x8FFFFFFF  }
0x98: {  	s18 =	sld [smem:$0x3FDB];
	_ =	sdelay $0x1  }
0x99: {  	s19 =	simm.s32 $_scs_section_size  }
0x9a: {  	s4 =	simm.s32 $_size__tile_overlayer_lowered;
	s5 =	simm.s32 $_tile_overlayer_lowered  }
0x9b: {  	s22 =	simm.s32 $0x1BFF;
	s21 =	sshll.u32 s5, $0x1;
	s2 =	sadd.s32 s19, s18  }
0x9c: {  	s6 =	simm.s32 $0x0;
	s20 =	sshll.u32 s4, $0x1;
	s4 =	sadd.s32 s21, s2  }
0x9d: {  	[timem:s6], [sflag:s22] =	dma.local [hbm:s4], s20  }
0x9e: {  	_ =	swait.ge [sflag:s22], s20  }
0x9f: {  	s3 =	ssub.s32 $0x0, s20;
	[sflag:s22] =	ssyncset.done $0x0  }
0xa0: {  	[sflag:s22] =	ssyncadd.s32 s3;
	_ =	sdelay $0x1  }
0xa1: {  	s23 =	simm.s32 $0x1B8B  }
0xa2: {  	_ =	swait.ge [sflag:s23], $0x1  }
0xa3: {  	[sflag:s23] =	ssyncset.done $0x0  }
0xa4: {  	s25 =	simm.s32 $0x1B8E;
	s24 =	sld [smem:$0x3FFE];
	[sflag:s23] =	ssyncadd.s32 $0xFFFFFFFF  }
0xa5: {  	s26 =	simm.s32 $execute0_lowered;
	[smem:$0x3FD2] =	sst s25  }
0xa6: {  	s4 =	sshll.u32 s26, $0x1;
	_ =	strace $0x80000049;
	[dreg:$0x1] =	wrdreg $0xFFFFFFFF  }
0xa7: {  	s28 =	simm.s32 $_size_execute0_lowered;
	s2 =	sadd.s32 s2, s4;
	[dreg:$0x0] =	wrdreg $0x0  }
0xa8: {  	s4 =	sshll.u32 s28, $0x1;
	[dreg:$0x2] =	wrdreg s2  }
0xa9: {  	[dreg:$0x3] =	wrdreg s4  }
0xaa: {  	[dreg:$0x4] =	wrdreg $0xC0  }
0xab: {  	_ =	task [dreg:s6], $0x5FFFF  }
0xac: {  	[dreg:$0x1] =	wrdreg $0xFFFFFFFF  }
0xad: {  	[dreg:$0x0] =	wrdreg $0x60  }
0xae: {  	[dreg:$0x2] =	wrdreg s24  }
0xaf: {  	[dreg:$0x3] =	wrdreg $0xC1800  }
0xb0: {  	[dreg:$0x4] =	wrdreg $0x9  }
0xb1: {  	_ =	task.clear_ibuf [dreg:s6], $0x5FFFF;
	_ =	strace $0x90000049  }
0xb2: {  	s29 =	simm.s32 $0x9;
	_ =	strace $0x8000004B  }
0xb3: {  	_ =	swait.ge [sflag:s29], $0x1  }
0xb4: {  	[sflag:s29] =	ssyncadd.s32 $0xFFFFFFFF  }
0xb5: {  	_ =	strace $0x9000004B  }
0xb6: {  	_ =	sfence  }
0xb7: {  	s30 =	sld [smem:$0x0];
	_ =	sdelay $0x2  }
0xb8: {  	s31 =	sshll.u32 s1, $0xD;
	s1 =	sshrl.u32 s1, $0x2  }
0xb9: {  	s3 =	sand.u32 $0x4000, s31;
	s1 =	sadd.s32 s1, s30  }
0xba: {  	s0 =	sor.u32 s3, s0;
	s1 =	sshll.u32 s1, $0x11  }
0xbb: {  	s0 =	sor.u32 s1, s0  }
0xbc: {  	s0 =	sadd.s32 $0x8F2B, s0  }
0xbd: {  	[sflag:s0] =	ssyncadd.remote.s32 $0x1  }
0xbe: {  	_ =	sfence.sel $0xFFFF  }
0xbf: {  	[dreg:$0x0] =	wrdreg $0xFFFFFFFF;
	(pc) =	sbr.abs _section_cstart, $3  }
0xc0: {  	[dreg:$0x1] =	wrdreg $0xFFFFFFFF  }
0xc1: {  	_ =	task.clear_ibuf [dreg:s6], $0x2FFFF;
	_ =	strace $0x9FFFFFFF  }
0xc2: {  	(tm) =	ssettm $0x7FFFFFFF  }
0xc3: {  	_ =	shalt  }
tec
execute0_lowered:
.L_overlay_start_1:
0x0: {  	(tag) =	ssettag $0x1  }
0x1: {  	s0 =	rddreg [dreg:$0x0]  }
0x2: {  	s2 =	rddreg [dreg:$0x1]  }
0x3: {  	s3 =	simm.s32 $0x0;
	s13 =	stileid.u32;
	s1 =	srdreg.scid  }
0x4: {  	s28 =	simm.s32 $0x7;
	s29 =	simm.s32 $0x7D;
	s30 =	simm.s32 $0x8  }
0x5: {  	s31 =	simm.s32 $0x3E80;
	[smem:$0x7FF] =	sst s3;
	s6 =	smul.u32 $0x13880, s13  }
0x6: {  	s1 =	sand.u32 $0x1, s1;
	s4 =	sadd.s32 $0x47C00, s0;
	s5 =	sadd.s32 $0x20A00, s0  }
0x7: {  	s8 =	sadd.s32 $0xCA00, s0;
	s10 =	sshll.u32 s13, $0x1;
	s14 =	smul.u32 $0xA000, s13  }
0x8: {  	_ =	strace $0x8000004A;
	s7 =	smul.u32 $0x138800, s1;
	s11 =	ssub.s32 $0x2, s1  }
0x9: {  	s10 =	sor.u32 s1, s10;
	s1 =	smul.u32 $0x5000, s1;
	s9 =	sshrl.u32 s6, $0x3  }
0xa: {  	s12 =	sshrl.u32 s11, $0x1;
	s10 =	smul.u32 $0x5000, s10;
	s7 =	sadd.s32 s6, s7  }
0xb: {  	s9 =	sadd.s32 s9, s0;
	s26 =	ssub.s32 s11, s12;
	s6 =	sadd.s32 s6, s2  }
0xc: {  	s11 =	sshll.u32 s13, $0x6;
	s21 =	sadd.s32 s1, s14;
	s13 =	simm.s32 $0x7D00  }
0xd: {  	s14 =	simm.s32 $0xBF80;
	s7 =	sshrl.u32 s7, $0x3;
	s9 =	sadd.s32 $0x6EE00, s9  }
0xe: {  	s10 =	sshrl.u32 s10, $0x3;
	s15 =	sor.u32 $0x1C0D, s11;
	s20 =	smax.u32 s26, $0x1  }
0xf: {  	s1 =	sor.u32 $0x900, s21;
	s22 =	sor.u32 $0x800, s21;
	s25 =	sor.u32 $0x600, s21  }
0x10: {  	s26 =	sor.u32 $0x500, s21;
	s11 =	simm.s32 $0xA;
	[dreg:$0x3] =	wrdreg s9  }
0x11: {  	s0 =	sadd.s32 s7, s0;
	s12 =	sadd.s32 s8, s10;
	[dreg:$0xb] =	wrdreg s20  }
0x12: {  	s9 =	sor.u32 $0x700, s21;
	s1 =	sshrl.u32 s1, $0x3;
	[dreg:$0x5] =	wrdreg s15  }
0x13: {  	s7 =	sshrl.u32 s22, $0x3;
	s16 =	sadd.s32 $0x20, s12;
	[dreg:$0x4] =	wrdreg s12  }
0x14: {  	s10 =	simm.s32 $0x4;
	s17 =	sadd.s32 $0x40, s12;
	[dreg:$0x6] =	wrdreg s16  }
0x15: {  	s22 =	simm.s32 $0x5;
	s18 =	sadd.s32 $0x60, s12;
	[dreg:$0x7] =	wrdreg s17  }
0x16: {  	s19 =	sadd.s32 $0x96000, s0;
	s0 =	sadd.s32 $0xE4200, s0;
	[dreg:$0x8] =	wrdreg s18  }
0x17: {  	s9 =	sshrl.u32 s9, $0x3;
	s1 =	sadd.s32 s1, s8;
	[dreg:$0x9] =	wrdreg s19  }
0x18: {  	s23 =	sadd.s32 s7, s8;
	s7 =	sshrl.u32 s26, $0x3;
	[dreg:$0xa] =	wrdreg s0  }
0x19: {  	s26 =	simm.s32 $0xBE80;
	s12 =	simm.s32 $0x9;
	[dreg:$0xc] =	wrdreg s1  }
0x1a: {  	[dreg:$0xd] =	wrdreg s23;
	s24 =	sadd.s32 s9, s8;
	s0 =	sor.u32 $0x400, s21  }
0x1b: {  	s1 =	sshrl.u32 s25, $0x3;
	s19 =	sadd.s32 s7, s8;
	s16 =	sshrl.u32 s6, $0x3  }
0x1c: {  	s17 =	simm.s32 $0xD;
	s23 =	simm.s32 $0xBB80;
	s6 =	simm.s32 $0x2  }
.Ltmp0:
0x1d: {  	s7 =	simm.s32 $0xC080;
	s25 =	simm.s32 $0xB;
	(pc) =	sbr.rel .LBB2_1-.Ltmp0, $4  }
0x1e: {  	s21 =	simm.s32 $0x6;
	s9 =	simm.s32 $0x0;
	[dreg:$0xe] =	wrdreg s24  }
0x1f: {  	s0 =	sshrl.u32 s0, $0x3;
	s18 =	sadd.s32 s1, s8;
	[dreg:$0x10] =	wrdreg s9  }
0x20: {  	s24 =	simm.s32 $0xBC80;
	s1 =	simm.s32 $0xC;
	[dreg:$0xf] =	wrdreg s16  }
0x21: {  	s20 =	sadd.s32 s0, s8;
	s0 =	simm.s32 $0x1;
	s8 =	simm.s32 $0x3  }
.LBB2_7:
0x22: {  	_ =	swait.ge [sflag:s0], $0x3E80  }
0x23: {  	[sflag:s0] =	ssyncset.done $0x0  }
0x24: {  	s9 =	simm.s32 $0xBC00;
	[sflag:s0] =	ssyncadd.s32 $0xFFFFC180  }
0x25: {  	[spmem:s2] =	stream.indirect.scatter.add.f32 [tilespmem:s3], [sflag:$0x4], $0x80, s9, s29, $0xb8;
	[tilespmem:$0x1FA00] =	vst v63  }
0x26: {  	_ =	swait.ge [sflag:s6], $0x3E80  }
0x27: {  	[sflag:s6] =	ssyncset.done $0x0  }
0x28: {  	s16 =	simm.s32 $0xBD00;
	[sflag:s6] =	ssyncadd.s32 $0xFFFFC180  }
0x29: {  	[spmem:s2] =	stream.indirect.scatter.add.f32 [tilespmem:s31], [sflag:$0x5], $0x80, s16, s29, $0xb8;
	[tilespmem:$0x1FA00] =	vst v63  }
0x2a: {  	_ =	swait.ge [sflag:s21], $0x3E80  }
0x2b: {  	[sflag:s21] =	ssyncset.done $0x0  }
0x2c: {  	[sflag:s21] =	ssyncadd.s32 $0xFFFFC180  }
0x2d: {  	_ =	swait.ge [sflag:s10], $0x3E80  }
0x2e: {  	[sflag:s10] =	ssyncset.done $0x0  }
0x2f: {  	[sflag:s10] =	ssyncadd.s32 $0xFFFFC180  }
0x30: {  	_ =	swait.ge [sflag:s22], $0x3E80  }
0x31: {  	[sflag:s22] =	ssyncset.done $0x0  }
0x32: {  	[sflag:s22] =	ssyncadd.s32 $0xFFFFC180  }
0x33: {  	[bflag:$0x0] =	sbarrier.arrive $0xFFFF  }
0x34: {  	s15 =	rddreg [dreg:$0x5]  }
0x35: {  	s17 =	rddreg [dreg:$0xa]  }
0x36: {  	s16 =	rddreg [dreg:$0xf]  }
0x37: {  	[hbm:s17], [sflag:s15] =	dma.local [spmem:s16], $0x2710  }
0x38: {  	s17 =	simm.s32 $0xD  }
0x39: {  	_ =	swait.ge [sflag:s17], $0x2710  }
0x3a: {  	s9 =	rddreg [dreg:$0x10]  }
0x3b: {  	s15 =	sadd.s32 $0x1, s9;
	s9 =	rddreg [dreg:$0xb]  }
0x3c: {  	p0 =	sne.s32 s15, s9  }
.Ltmp1:
0x3d: {  	_ = 	snop;
	(pc) =	sbr.rel @!p0 .LBB2_8-.Ltmp1, $3  }
0x3e: {  	_ =	sdelay $0x1  }
0x3f: {  	[sflag:s17] =	ssyncset.done $0x0;
	[dreg:$0x10] =	wrdreg s15  }
0x40: {  	[sflag:s17] =	ssyncadd.s32 $0xFFFFD8F0;
	s15 =	rddreg [dreg:$0x5]  }
.LBB2_1:
0x41: {  	s9 =	rddreg [dreg:$0x3]  }
0x42: {  	[spmem:s16], [sflag:s15] =	dma.local [hbm:s9], $0x2710  }
0x43: {  	_ =	swait.ge [sflag:s17], $0x2710  }
0x44: {  	[sflag:s17] =	ssyncset.done $0x0  }
0x45: {  	[sflag:s17] =	ssyncadd.s32 $0xFFFFD8F0  }
0x46: {  	[bflag:$0x0] =	sbarrier.arrive $0xFFFF  }
0x47: {  	s16 =	rddreg [dreg:$0x4]  }
0x48: {  	[tilespmem:s23], [sflag:$0x7] =	stream.linear.gather [hbm4b:s16+s3], $0x100, $0x38;
	[tilespmem:$0x1FA00] =	vst v63  }
0x49: {  	s17 =	rddreg [dreg:$0x6]  }
0x4a: {  	[tilespmem:s24], [sflag:$0x8] =	stream.linear.gather [hbm4b:s17+s3], $0x100, $0x38;
	[tilespmem:$0x1FA00] =	vst v63  }
0x4b: {  	s15 =	rddreg [dreg:$0x7];
	s16 =	simm.s32 $0xBD80  }
0x4c: {  	[tilespmem:s16], [sflag:$0x9] =	stream.linear.gather [hbm4b:s15+s3], $0x100, $0x38;
	[tilespmem:$0x1FA00] =	vst v63  }
0x4d: {  	s17 =	rddreg [dreg:$0x8]  }
0x4e: {  	[tilespmem:s26], [sflag:$0xA] =	stream.linear.gather [hbm4b:s17+s3], $0x100, $0x38;
	[tilespmem:$0x1FA00] =	vst v63  }
0x4f: {  	_ =	swait.ge [sflag:s28], $0x100  }
0x50: {  	[sflag:s28] =	ssyncset.done $0x0  }
0x51: {  	[sflag:s28] =	ssyncadd.s32 $0xFFFFFF00  }
0x52: {  	[tilespmem:s3], [sflag:$0x1] =	stream.indirect.gather [hbm4b:s4+s29], $0x80, s23, s29, $0xb8;
	[tilespmem:$0x1FA00] =	vst v63  }
0x53: {  	_ =	swait.ge [sflag:s30], $0x100  }
0x54: {  	[sflag:s30] =	ssyncset.done $0x0  }
0x55: {  	s9 =	simm.s32 $0x0;
	[sflag:s30] =	ssyncadd.s32 $0xFFFFFF00  }
0x56: {  	[tilespmem:s31], [sflag:$0x2] =	stream.indirect.gather [hbm4b:s4+s29], $0x80, s24, s29, $0xb8;
	[tilespmem:$0x1FA00] =	vst v63  }
.LBB2_2:
0x57: {  	_ =	swait.ge [sflag:s0], $0x3E80  }
0x58: {  	[sflag:s0] =	ssyncset.done $0x0  }
0x59: {  	s15 =	simm.s32 $0xBC00;
	p0 =	seq.s32 s9, $0x0;
	[sflag:s0] =	ssyncadd.s32 $0xFFFFC180  }
0x5a: {  	[spmem:s2] =	stream.indirect.scatter.add.f32 [tilespmem:s3], [sflag:$0x4], $0x80, s15, s29, $0xb8;
	[tilespmem:$0x1FA00] =	vst v63  }
0x5b: {  	s15 =	simm.s32 @!p0 $0x6  }
0x5c: {  	_ =	swait.ge @!p0 [sflag:s15], $0x3E80  }
0x5d: {  	[sflag:s15] =	ssyncset.done @!p0 $0x0  }
0x5e: {  	[sflag:s15] =	ssyncadd.s32 @!p0 $0xFFFFC180  }
0x5f: {  	_ =	swait.ge [sflag:s12], $0x100  }
0x60: {  	[sflag:s12] =	ssyncset.done $0x0  }
0x61: {  	s16 =	simm.s32 $0xBD80;
	[sflag:s12] =	ssyncadd.s32 $0xFFFFFF00  }
0x62: {  	[tilespmem:s13], [sflag:$0x3] =	stream.indirect.gather [hbm4b:s4+s29], $0x80, s16, s29, $0xb8;
	[tilespmem:$0x1FA00] =	vst v63  }
0x63: {  	s17 =	sadd.s32 s9, s20  }
0x64: {  	[tilespmem:s14], [sflag:$0xB] =	stream.linear.gather [hbm4b:s17+s3], $0x100, $0x38;
	[tilespmem:$0x1FA00] =	vst v63  }
0x65: {  	_ =	swait.ge [sflag:s6], $0x3E80  }
0x66: {  	[sflag:s6] =	ssyncset.done $0x0  }
0x67: {  	s16 =	simm.s32 $0xBD00;
	[sflag:s6] =	ssyncadd.s32 $0xFFFFC180  }
0x68: {  	[spmem:s2] =	stream.indirect.scatter.add.f32 [tilespmem:s31], [sflag:$0x5], $0x80, s16, s29, $0xb8;
	[tilespmem:$0x1FA00] =	vst v63  }
0x69: {  	_ =	swait.ge [sflag:s10], $0x3E80  }
0x6a: {  	[sflag:s10] =	ssyncset.done $0x0  }
0x6b: {  	[sflag:s10] =	ssyncadd.s32 $0xFFFFC180  }
0x6c: {  	_ =	swait.ge [sflag:s11], $0x100  }
0x6d: {  	[sflag:s11] =	ssyncset.done $0x0  }
0x6e: {  	[sflag:s11] =	ssyncadd.s32 $0xFFFFFF00  }
0x6f: {  	[tilespmem:s3], [sflag:$0x1] =	stream.indirect.gather [hbm4b:s4+s29], $0x80, s26, s29, $0xb8;
	[tilespmem:$0x1FA00] =	vst v63  }
0x70: {  	s17 =	sadd.s32 s9, s19  }
0x71: {  	[tilespmem:s7], [sflag:$0xC] =	stream.linear.gather [hbm4b:s17+s3], $0x100, $0x38;
	[tilespmem:$0x1FA00] =	vst v63  }
0x72: {  	_ =	swait.ge [sflag:s8], $0x3E80  }
0x73: {  	[sflag:s8] =	ssyncset.done $0x0  }
0x74: {  	s16 =	simm.s32 $0xBE00;
	[sflag:s8] =	ssyncadd.s32 $0xFFFFC180  }
0x75: {  	[spmem:s2] =	stream.indirect.scatter.add.f32 [tilespmem:s13], [sflag:$0x6], $0x80, s16, s29, $0xb8;
	[tilespmem:$0x1FA00] =	vst v63  }
0x76: {  	_ =	swait.ge [sflag:s22], $0x3E80  }
0x77: {  	[sflag:s22] =	ssyncset.done $0x0  }
0x78: {  	[sflag:s22] =	ssyncadd.s32 $0xFFFFC180  }
0x79: {  	_ =	swait.ge [sflag:s25], $0x100  }
0x7a: {  	[sflag:s25] =	ssyncset.done $0x0  }
0x7b: {  	[sflag:s25] =	ssyncadd.s32 $0xFFFFFF00  }
0x7c: {  	[tilespmem:s31], [sflag:$0x2] =	stream.indirect.gather [hbm4b:s4+s29], $0x80, s14, s29, $0xb8;
	[tilespmem:$0x1FA00] =	vst v63  }
0x7d: {  	s17 =	sadd.s32 s9, s18  }
0x7e: {  	[tilespmem:s23], [sflag:$0x7] =	stream.linear.gather [hbm4b:s17+s3], $0x100, $0x38;
	[tilespmem:$0x1FA00] =	vst v63  }
0x7f: {  	_ =	swait.ge [sflag:s0], $0x3E80  }
0x80: {  	[sflag:s0] =	ssyncset.done $0x0  }
0x81: {  	s16 =	simm.s32 $0xBF00;
	[sflag:s0] =	ssyncadd.s32 $0xFFFFC180  }
0x82: {  	[spmem:s2] =	stream.indirect.scatter.add.f32 [tilespmem:s3], [sflag:$0x4], $0x80, s16, s29, $0xb8;
	[tilespmem:$0x1FA00] =	vst v63  }
0x83: {  	_ =	swait.ge [sflag:s21], $0x3E80  }
0x84: {  	[sflag:s21] =	ssyncset.done $0x0  }
0x85: {  	[sflag:s21] =	ssyncadd.s32 $0xFFFFC180  }
0x86: {  	_ =	swait.ge [sflag:s1], $0x100  }
0x87: {  	[sflag:s1] =	ssyncset.done $0x0  }
0x88: {  	s17 =	rddreg [dreg:$0xe];
	[sflag:s1] =	ssyncadd.s32 $0xFFFFFF00  }
0x89: {  	[tilespmem:s13], [sflag:$0x3] =	stream.indirect.gather [hbm4b:s4+s29], $0x80, s7, s29, $0xb8;
	[tilespmem:$0x1FA00] =	vst v63  }
0x8a: {  	s15 =	sadd.s32 s9, s17  }
0x8b: {  	[tilespmem:s24], [sflag:$0x8] =	stream.linear.gather [hbm4b:s15+s3], $0x100, $0x38;
	[tilespmem:$0x1FA00] =	vst v63  }
0x8c: {  	_ =	swait.ge [sflag:s6], $0x3E80  }
0x8d: {  	[sflag:s6] =	ssyncset.done $0x0  }
0x8e: {  	s16 =	simm.s32 $0xC000;
	[sflag:s6] =	ssyncadd.s32 $0xFFFFC180  }
0x8f: {  	[spmem:s2] =	stream.indirect.scatter.add.f32 [tilespmem:s31], [sflag:$0x5], $0x80, s16, s29, $0xb8;
	[tilespmem:$0x1FA00] =	vst v63  }
0x90: {  	_ =	swait.ge [sflag:s10], $0x3E80  }
0x91: {  	[sflag:s10] =	ssyncset.done $0x0  }
0x92: {  	[sflag:s10] =	ssyncadd.s32 $0xFFFFC180  }
0x93: {  	_ =	swait.ge [sflag:s28], $0x100  }
0x94: {  	[sflag:s28] =	ssyncset.done $0x0  }
0x95: {  	p0 =	seq.s32 s9, $0x900;
	s15 =	rddreg [dreg:$0xd];
	[sflag:s28] =	ssyncadd.s32 $0xFFFFFF00  }
0x96: {  	[tilespmem:s3], [sflag:$0x1] =	stream.indirect.gather [hbm4b:s4+s29], $0x80, s23, s29, $0xb8;
	[tilespmem:$0x1FA00] =	vst v63  }
0x97: {  	s17 =	simm.s32 @!p0 $0xBD80;
	s16 =	simm.s32 @!p0 $0x0;
	s15 =	sadd.s32 @!p0 s9, s15  }
0x98: {  	[tilespmem:s17], [sflag:$0x9] =	stream.linear.gather @!p0 [hbm4b:s15+s16], $0x100, $0x38;
	[tilespmem:$0x1FA00] =	vst v63  }
0x99: {  	_ =	swait.ge [sflag:s8], $0x3E80  }
0x9a: {  	[sflag:s8] =	ssyncset.done $0x0  }
0x9b: {  	s17 =	simm.s32 $0xC100;
	[sflag:s8] =	ssyncadd.s32 $0xFFFFC180  }
0x9c: {  	[spmem:s2] =	stream.indirect.scatter.add.f32 [tilespmem:s13], [sflag:$0x6], $0x80, s17, s29, $0xb8;
	[tilespmem:$0x1FA00] =	vst v63  }
0x9d: {  	_ =	swait.ge [sflag:s22], $0x3E80  }
0x9e: {  	[sflag:s22] =	ssyncset.done $0x0  }
.Ltmp2:
0x9f: {  	[sflag:s22] =	ssyncadd.s32 $0xFFFFC180;
	(pc) =	sbr.rel @p0 .LBB2_4-.Ltmp2, $4  }
0xa0: {  	_ =	swait.ge [sflag:s30], $0x100  }
0xa1: {  	[sflag:s30] =	ssyncset.done $0x0  }
0xa2: {  	[sflag:s30] =	ssyncadd.s32 $0xFFFFFF00  }
0xa3: {  	[tilespmem:s31], [sflag:$0x2] =	stream.indirect.gather [hbm4b:s4+s29], $0x80, s24, s29, $0xb8;
	[tilespmem:$0x1FA00] =	vst v63  }
.Ltmp3:
0xa4: {  	(pc) =	sbr.rel .LBB2_2-.Ltmp3, $4  }
0xa5: {  	_ = 	snop  }
0xa6: {  	s15 =	rddreg [dreg:$0xc]  }
0xa7: {  	s15 =	sadd.s32 s9, s15;
	s9 =	sadd.s32 $0xC0, s9  }
0xa8: {  	[tilespmem:s26], [sflag:$0xA] =	stream.linear.gather [hbm4b:s15+s3], $0x100, $0x38;
	[tilespmem:$0x1FA00] =	vst v63  }
.LBB2_4:
0xa9: {  	_ =	swait.ge [sflag:s0], $0x3E80  }
0xaa: {  	[sflag:s0] =	ssyncset.done $0x0  }
0xab: {  	s9 =	simm.s32 $0x0;
	s15 =	simm.s32 $0xBC00;
	[sflag:s0] =	ssyncadd.s32 $0xFFFFC180  }
0xac: {  	[spmem:s2] =	stream.indirect.scatter.add.f32 [tilespmem:s9], [sflag:$0x4], $0x80, s15, s29, $0xb8;
	[tilespmem:$0x1FA00] =	vst v63  }
0xad: {  	_ =	swait.ge [sflag:s6], $0x3E80  }
0xae: {  	[sflag:s6] =	ssyncset.done $0x0  }
0xaf: {  	s17 =	simm.s32 $0xBD00;
	[sflag:s6] =	ssyncadd.s32 $0xFFFFC180  }
0xb0: {  	[spmem:s2] =	stream.indirect.scatter.add.f32 [tilespmem:s31], [sflag:$0x5], $0x80, s17, s29, $0xb8;
	[tilespmem:$0x1FA00] =	vst v63  }
0xb1: {  	_ =	swait.ge [sflag:s21], $0x3E80  }
0xb2: {  	[sflag:s21] =	ssyncset.done $0x0  }
0xb3: {  	[sflag:s21] =	ssyncadd.s32 $0xFFFFC180  }
0xb4: {  	_ =	swait.ge [sflag:s10], $0x3E80  }
0xb5: {  	[sflag:s10] =	ssyncset.done $0x0  }
0xb6: {  	[sflag:s10] =	ssyncadd.s32 $0xFFFFC180  }
0xb7: {  	_ =	swait.ge [sflag:s22], $0x3E80  }
0xb8: {  	[sflag:s22] =	ssyncset.done $0x0  }
0xb9: {  	[sflag:s22] =	ssyncadd.s32 $0xFFFFC180  }
0xba: {  	[bflag:$0x0] =	sbarrier.arrive $0xFFFF  }
0xbb: {  	s17 =	rddreg [dreg:$0x5]  }
0xbc: {  	s15 =	rddreg [dreg:$0x9]  }
0xbd: {  	s16 =	rddreg [dreg:$0xf]  }
0xbe: {  	[hbm:s15], [sflag:s17] =	dma.local [spmem:s16], $0x2710  }
0xbf: {  	s16 =	simm.s32 $0xD  }
0xc0: {  	_ =	swait.ge [sflag:s16], $0x2710  }
0xc1: {  	s15 =	rddreg [dreg:$0x3]  }
0xc2: {  	[sflag:s16] =	ssyncset.done $0x0;
	s17 =	rddreg [dreg:$0xf]  }
0xc3: {  	[sflag:s16] =	ssyncadd.s32 $0xFFFFD8F0;
	s16 =	rddreg [dreg:$0x5]  }
0xc4: {  	[spmem:s17], [sflag:s16] =	dma.local [hbm:s15], $0x2710  }
0xc5: {  	s17 =	simm.s32 $0xD  }
0xc6: {  	_ =	swait.ge [sflag:s17], $0x2710  }
0xc7: {  	[sflag:s17] =	ssyncset.done $0x0  }
0xc8: {  	[sflag:s17] =	ssyncadd.s32 $0xFFFFD8F0  }
0xc9: {  	[bflag:$0x0] =	sbarrier.arrive $0xFFFF  }
0xca: {  	s16 =	rddreg [dreg:$0x4]  }
0xcb: {  	[tilespmem:s23], [sflag:$0x7] =	stream.linear.gather [hbm4b:s16+s9], $0x100, $0x38;
	[tilespmem:$0x1FA00] =	vst v63  }
0xcc: {  	s17 =	rddreg [dreg:$0x6]  }
0xcd: {  	[tilespmem:s24], [sflag:$0x8] =	stream.linear.gather [hbm4b:s17+s9], $0x100, $0x38;
	[tilespmem:$0x1FA00] =	vst v63  }
0xce: {  	s16 =	rddreg [dreg:$0x7];
	s17 =	simm.s32 $0xBD80  }
0xcf: {  	[tilespmem:s17], [sflag:$0x9] =	stream.linear.gather [hbm4b:s16+s9], $0x100, $0x38;
	[tilespmem:$0x1FA00] =	vst v63  }
0xd0: {  	s17 =	rddreg [dreg:$0x8]  }
0xd1: {  	[tilespmem:s26], [sflag:$0xA] =	stream.linear.gather [hbm4b:s17+s9], $0x100, $0x38;
	[tilespmem:$0x1FA00] =	vst v63  }
0xd2: {  	_ =	swait.ge [sflag:s28], $0x100  }
0xd3: {  	[sflag:s28] =	ssyncset.done $0x0  }
0xd4: {  	[sflag:s28] =	ssyncadd.s32 $0xFFFFFF00  }
0xd5: {  	[tilespmem:s9], [sflag:$0x1] =	stream.indirect.gather [hbm4b:s5+s29], $0x80, s23, s29, $0xb8;
	[tilespmem:$0x1FA00] =	vst v63  }
0xd6: {  	_ =	swait.ge [sflag:s30], $0x100  }
0xd7: {  	[sflag:s30] =	ssyncset.done $0x0  }
0xd8: {  	[sflag:s30] =	ssyncadd.s32 $0xFFFFFF00  }
0xd9: {  	[tilespmem:s31], [sflag:$0x2] =	stream.indirect.gather [hbm4b:s5+s29], $0x80, s24, s29, $0xb8;
	[tilespmem:$0x1FA00] =	vst v63  }
.LBB2_5:
0xda: {  	_ =	swait.ge [sflag:s0], $0x3E80  }
0xdb: {  	[sflag:s0] =	ssyncset.done $0x0  }
0xdc: {  	s15 =	simm.s32 $0xBC00;
	p0 =	seq.s32 s9, $0x0;
	[sflag:s0] =	ssyncadd.s32 $0xFFFFC180  }
0xdd: {  	[spmem:s2] =	stream.indirect.scatter.add.f32 [tilespmem:s3], [sflag:$0x4], $0x80, s15, s29, $0xb8;
	[tilespmem:$0x1FA00] =	vst v63  }
0xde: {  	s15 =	simm.s32 @!p0 $0x6  }
0xdf: {  	_ =	swait.ge @!p0 [sflag:s15], $0x3E80  }
0xe0: {  	[sflag:s15] =	ssyncset.done @!p0 $0x0  }
0xe1: {  	[sflag:s15] =	ssyncadd.s32 @!p0 $0xFFFFC180  }
0xe2: {  	_ =	swait.ge [sflag:s12], $0x100  }
0xe3: {  	[sflag:s12] =	ssyncset.done $0x0  }
0xe4: {  	s16 =	simm.s32 $0xBD80;
	[sflag:s12] =	ssyncadd.s32 $0xFFFFFF00  }
0xe5: {  	[tilespmem:s13], [sflag:$0x3] =	stream.indirect.gather [hbm4b:s5+s29], $0x80, s16, s29, $0xb8;
	[tilespmem:$0x1FA00] =	vst v63  }
0xe6: {  	s17 =	sadd.s32 s9, s20  }
0xe7: {  	[tilespmem:s14], [sflag:$0xB] =	stream.linear.gather [hbm4b:s17+s3], $0x100, $0x38;
	[tilespmem:$0x1FA00] =	vst v63  }
0xe8: {  	_ =	swait.ge [sflag:s6], $0x3E80  }
0xe9: {  	[sflag:s6] =	ssyncset.done $0x0  }
0xea: {  	s16 =	simm.s32 $0xBD00;
	[sflag:s6] =	ssyncadd.s32 $0xFFFFC180  }
0xeb: {  	[spmem:s2] =	stream.indirect.scatter.add.f32 [tilespmem:s31], [sflag:$0x5], $0x80, s16, s29, $0xb8;
	[tilespmem:$0x1FA00] =	vst v63  }
0xec: {  	_ =	swait.ge [sflag:s10], $0x3E80  }
0xed: {  	[sflag:s10] =	ssyncset.done $0x0  }
0xee: {  	[sflag:s10] =	ssyncadd.s32 $0xFFFFC180  }
0xef: {  	_ =	swait.ge [sflag:s11], $0x100  }
0xf0: {  	[sflag:s11] =	ssyncset.done $0x0  }
0xf1: {  	[sflag:s11] =	ssyncadd.s32 $0xFFFFFF00  }
0xf2: {  	[tilespmem:s3], [sflag:$0x1] =	stream.indirect.gather [hbm4b:s5+s29], $0x80, s26, s29, $0xb8;
	[tilespmem:$0x1FA00] =	vst v63  }
0xf3: {  	s17 =	sadd.s32 s9, s19  }
0xf4: {  	[tilespmem:s7], [sflag:$0xC] =	stream.linear.gather [hbm4b:s17+s3], $0x100, $0x38;
	[tilespmem:$0x1FA00] =	vst v63  }
0xf5: {  	_ =	swait.ge [sflag:s8], $0x3E80  }
0xf6: {  	[sflag:s8] =	ssyncset.done $0x0  }
0xf7: {  	s16 =	simm.s32 $0xBE00;
	[sflag:s8] =	ssyncadd.s32 $0xFFFFC180  }
0xf8: {  	[spmem:s2] =	stream.indirect.scatter.add.f32 [tilespmem:s13], [sflag:$0x6], $0x80, s16, s29, $0xb8;
	[tilespmem:$0x1FA00] =	vst v63  }
0xf9: {  	_ =	swait.ge [sflag:s22], $0x3E80  }
0xfa: {  	[sflag:s22] =	ssyncset.done $0x0  }
0xfb: {  	[sflag:s22] =	ssyncadd.s32 $0xFFFFC180  }
0xfc: {  	_ =	swait.ge [sflag:s25], $0x100  }
0xfd: {  	[sflag:s25] =	ssyncset.done $0x0  }
0xfe: {  	[sflag:s25] =	ssyncadd.s32 $0xFFFFFF00  }
0xff: {  	[tilespmem:s31], [sflag:$0x2] =	stream.indirect.gather [hbm4b:s5+s29], $0x80, s14, s29, $0xb8;
	[tilespmem:$0x1FA00] =	vst v63  }
0x100: {  	s17 =	sadd.s32 s9, s18  }
0x101: {  	[tilespmem:s23], [sflag:$0x7] =	stream.linear.gather [hbm4b:s17+s3], $0x100, $0x38;
	[tilespmem:$0x1FA00] =	vst v63  }
0x102: {  	_ =	swait.ge [sflag:s0], $0x3E80  }
0x103: {  	[sflag:s0] =	ssyncset.done $0x0  }
0x104: {  	s16 =	simm.s32 $0xBF00;
	[sflag:s0] =	ssyncadd.s32 $0xFFFFC180  }
0x105: {  	[spmem:s2] =	stream.indirect.scatter.add.f32 [tilespmem:s3], [sflag:$0x4], $0x80, s16, s29, $0xb8;
	[tilespmem:$0x1FA00] =	vst v63  }
0x106: {  	_ =	swait.ge [sflag:s21], $0x3E80  }
0x107: {  	[sflag:s21] =	ssyncset.done $0x0  }
0x108: {  	[sflag:s21] =	ssyncadd.s32 $0xFFFFC180  }
0x109: {  	_ =	swait.ge [sflag:s1], $0x100  }
0x10a: {  	[sflag:s1] =	ssyncset.done $0x0  }
0x10b: {  	s17 =	rddreg [dreg:$0xe];
	[sflag:s1] =	ssyncadd.s32 $0xFFFFFF00  }
0x10c: {  	[tilespmem:s13], [sflag:$0x3] =	stream.indirect.gather [hbm4b:s5+s29], $0x80, s7, s29, $0xb8;
	[tilespmem:$0x1FA00] =	vst v63  }
0x10d: {  	s15 =	sadd.s32 s9, s17  }
0x10e: {  	[tilespmem:s24], [sflag:$0x8] =	stream.linear.gather [hbm4b:s15+s3], $0x100, $0x38;
	[tilespmem:$0x1FA00] =	vst v63  }
0x10f: {  	_ =	swait.ge [sflag:s6], $0x3E80  }
0x110: {  	[sflag:s6] =	ssyncset.done $0x0  }
0x111: {  	s16 =	simm.s32 $0xC000;
	[sflag:s6] =	ssyncadd.s32 $0xFFFFC180  }
0x112: {  	[spmem:s2] =	stream.indirect.scatter.add.f32 [tilespmem:s31], [sflag:$0x5], $0x80, s16, s29, $0xb8;
	[tilespmem:$0x1FA00] =	vst v63  }
0x113: {  	_ =	swait.ge [sflag:s10], $0x3E80  }
0x114: {  	[sflag:s10] =	ssyncset.done $0x0  }
0x115: {  	[sflag:s10] =	ssyncadd.s32 $0xFFFFC180  }
0x116: {  	_ =	swait.ge [sflag:s28], $0x100  }
0x117: {  	[sflag:s28] =	ssyncset.done $0x0  }
0x118: {  	p0 =	seq.s32 s9, $0x900;
	s15 =	rddreg [dreg:$0xd];
	[sflag:s28] =	ssyncadd.s32 $0xFFFFFF00  }
0x119: {  	[tilespmem:s3], [sflag:$0x1] =	stream.indirect.gather [hbm4b:s5+s29], $0x80, s23, s29, $0xb8;
	[tilespmem:$0x1FA00] =	vst v63  }
0x11a: {  	s17 =	simm.s32 @!p0 $0xBD80;
	s16 =	simm.s32 @!p0 $0x0;
	s15 =	sadd.s32 @!p0 s9, s15  }
0x11b: {  	[tilespmem:s17], [sflag:$0x9] =	stream.linear.gather @!p0 [hbm4b:s15+s16], $0x100, $0x38;
	[tilespmem:$0x1FA00] =	vst v63  }
0x11c: {  	_ =	swait.ge [sflag:s8], $0x3E80  }
0x11d: {  	[sflag:s8] =	ssyncset.done $0x0  }
0x11e: {  	s17 =	simm.s32 $0xC100;
	[sflag:s8] =	ssyncadd.s32 $0xFFFFC180  }
0x11f: {  	[spmem:s2] =	stream.indirect.scatter.add.f32 [tilespmem:s13], [sflag:$0x6], $0x80, s17, s29, $0xb8;
	[tilespmem:$0x1FA00] =	vst v63  }
0x120: {  	_ =	swait.ge [sflag:s22], $0x3E80  }
0x121: {  	[sflag:s22] =	ssyncset.done $0x0  }
.Ltmp4:
0x122: {  	[sflag:s22] =	ssyncadd.s32 $0xFFFFC180;
	(pc) =	sbr.rel @p0 .LBB2_7-.Ltmp4, $4  }
0x123: {  	_ =	swait.ge [sflag:s30], $0x100  }
0x124: {  	[sflag:s30] =	ssyncset.done $0x0  }
0x125: {  	[sflag:s30] =	ssyncadd.s32 $0xFFFFFF00  }
0x126: {  	[tilespmem:s31], [sflag:$0x2] =	stream.indirect.gather [hbm4b:s5+s29], $0x80, s24, s29, $0xb8;
	[tilespmem:$0x1FA00] =	vst v63  }
.Ltmp5:
0x127: {  	(pc) =	sbr.rel .LBB2_5-.Ltmp5, $4  }
0x128: {  	_ = 	snop  }
0x129: {  	s15 =	rddreg [dreg:$0xc]  }
0x12a: {  	s15 =	sadd.s32 s9, s15;
	s9 =	sadd.s32 $0xC0, s9  }
0x12b: {  	[tilespmem:s26], [sflag:$0xA] =	stream.linear.gather [hbm4b:s15+s3], $0x100, $0x38;
	[tilespmem:$0x1FA00] =	vst v63  }
.LBB2_8:
0x12c: {  	_ =	sfence.sel $0x180000  }
0x12d: {  	[bflag:$0x0] =	sbarrier.arrive $0xFFFF  }
0x12e: {  	_ =	strace $0x9000004A  }
0x12f: {  	s0 =	stileid.u32;
	[bflag:$0x2] =	sbarrier.arrive $0xFFFF  }
0x130: {  	p0 =	sne.s32 s0, $0x0;
	s0 =	rddreg [dreg:$0x2]  }
0x131: {  	s0 =	sadd.s32 @!p0 $0x100000, s0  }
0x132: {  	[sflag:s0] =	ssyncadd.tile.s32 @!p0 $0x1;
	_ =	shalt  }
.Lfunc_end2:
_tile_overlayer_lowered:
.L_overlay_start_2:
0x133: {  	(tag) =	ssettag $0x2  }
0x134: {  	s0 =	rddreg [dreg:$0x0];
	s2 =	stileid.u32  }
0x135: {  	s1 =	rddreg [dreg:$0x1];
	p0 =	sne.s32 s2, $0x0  }
0x136: {  	s3 =	rddreg [dreg:$0x2];
	[bflag:$0x3] =	sbarrier.arrive $0xFFFF;
	s2 =	simm.s32 @!p0 $0x1C0D  }
0x137: {  	[timem:s3], [sflag:s2] =	dma.local @!p0 [hbm:s0], s1  }
0x138: {  	s0 =	simm.s32 @!p0 $0xD  }
0x139: {  	_ =	swait.ge @!p0 [sflag:s0], s1  }
0x13a: {  	s1 =	ssub.s32 @!p0 $0x0, s1;
	[sflag:s0] =	ssyncset.done @!p0 $0x0  }
0x13b: {  	[sflag:s0] =	ssyncadd.s32 @!p0 s1  }
0x13c: {  	[bflag:$0x3] =	sbarrier.arrive $0xFFFF  }
0x13d: {  	_ =	shalt  }

// kernel: kernel.14.cloned.1.call-start
scs
__scs_entry_jumppad:
0x0: {  	(pc) =	sbr.rel $0x88, $3  }
0x1: {  	(tag) =	ssettag $0x0;
	lr =	simm.s32 $0x1  }
0x2: {  	[smem:$0x3F9B] =	sst lr;
	_ =	strace $0xD0000000  }
0x3: {  	_ = 	snop  }
0x4: {  	_ = 	snop  }
0x5: {  	_ = 	snop  }
0x6: {  	_ = 	snop  }
0x7: {  	_ = 	snop  }
__scs_overlays_trampoline_lowered:
0x8: {  	[smem:$0x3FAA] =	sst s0  }
0x9: {  	[smem:$0x3FAB] =	sst s1  }
0xa: {  	[smem:$0x3FAC] =	sst s2  }
0xb: {  	[smem:$0x3FAD] =	sst s3  }
0xc: {  	[smem:$0x3FAE] =	sst s4  }
0xd: {  	[smem:$0x3FAF] =	sst s5  }
0xe: {  	[smem:$0x3FB0] =	sst s6  }
0xf: {  	[smem:$0x3FB1] =	sst s7  }
0x10: {  	[smem:$0x3FB2] =	sst s8  }
0x11: {  	[smem:$0x3FB3] =	sst s9;
	s0 =	simm.s32 @!p0 $0x0  }
0x12: {  	s1 =	sld [smem:$0x3F99];
	s0 =	simm.s32 @p0 $0x1  }
0x13: {  	[smem:$0x3FB4] =	sst s0;
	s0 =	simm.s32 @!p1 $0x0  }
0x14: {  	s2 =	sld [smem:$0x3F98];
	s0 =	simm.s32 @p1 $0x1  }
0x15: {  	[smem:$0x3FB5] =	sst s0;
	s0 =	simm.s32 @!p2 $0x0  }
0x16: {  	s3 =	sld [smem:$0x3FDB];
	s0 =	simm.s32 @p2 $0x1  }
0x17: {  	s4 =	simm.s32 $0x1BF5;
	[smem:$0x3FB7] =	sst s0  }
0x18: {  	s0 =	sld [smem:$0x3F9A];
	_ =	swait.ge [sflag:s4], $0x0  }
0x19: {  	s7 =	sld [smem:$0x3F9B]  }
0x1a: {  	s8 =	sadd.s32 $0xFFFFE003, lr  }
0x1b: {  	s9 =	sadd.s32 $0xFFFFFEF7, lr;
	s5 =	simm.s32 $0xFFFFFFFF;
	p2 =	slt.u32 s8, $0xFFFFF086  }
0x1c: {  	p1 =	slt.u32 s9, $0xF7A;
	s5 =	simm.s32 @!p2 $0x0  }
0x1d: {  	s5 =	simm.s32 @p1 $0x1;
	p0 =	seq.s32 s7, s2  }
0x1e: {  	s7 =	smul.u32 @!p0 $0xF7A, s2;
	p2 =	seq.s32 @!p0 s5, $0x0  }
0x1f: {  	s9 =	smul.u32 $0xF7A, s1;
	s8 =	simm.s32 @!p0 $0x1BF5;
	p2 =	por !p2, p0  }
0x20: {  	[sflag:s8] =	ssyncset.s32 @!p0 $0xFFFFF086;
	s6 =	sadd.s32 @!p0 s3, s7;
	s7 =	simm.s32 @!p0 $0x108  }
0x21: {  	s3 =	sadd.s32 s3, s9;
	s6 =	sadd.s32 @!p0 $0x88, s6;
	s7 =	simm.s32 @p2 $0x1082  }
0x22: {  	[simem:s7], [sflag:s8] =	dma.local @!p0 [hbm:s6], $0xF7A  }
0x23: {  	s9 =	sor.u32 $0xD0000000, s2;
	s6 =	simm.s32 $0x108;
	_ =	swait.ge @!p0 [sflag:s8], $0x0  }
0x24: {  	s3 =	sadd.s32 $0x88, s3;
	s6 =	simm.s32 @!p1 $0x1082;
	[sflag:s4] =	ssyncset.s32 $0xFFFFF086  }
0x25: {  	[simem:s6], [sflag:s4] =	dma.local [hbm:s3], $0xF7A  }
0x26: {  	[smem:$0x3F9B] =	sst s1;
	(tag) =	ssettag s2;
	_ =	strace s9  }
0x27: {  	s1 =	sld [smem:$0x3FAB]  }
0x28: {  	s2 =	sld [smem:$0x3FAC]  }
0x29: {  	s4 =	sld [smem:$0x3FAE]  }
0x2a: {  	p0 =	seq.s32 s5, $0x0;
	s5 =	sld [smem:$0x3FAF]  }
0x2b: {  	s6 =	sld [smem:$0x3FB0]  }
0x2c: {  	s7 =	sld [smem:$0x3FB1]  }
0x2d: {  	s3 =	simm.s32 $0x108;
	s8 =	sld [smem:$0x3FB2]  }
0x2e: {  	s3 =	simm.s32 @!p0 $0x1082;
	s9 =	sld [smem:$0x3FB3]  }
0x2f: {  	lr =	sadd.s32 s0, s3;
	s0 =	sld [smem:$0x3FAA]  }
0x30: {  	s3 =	sld [smem:$0x3FAD]  }
0x31: {  	[smem:$0x3FB6] =	sst s10  }
0x32: {  	s10 =	sld [smem:$0x3FB4];
	_ =	sdelay $0x3  }
0x33: {  	p0 =	seq.s32 s10, $0x1;
	s10 =	sld [smem:$0x3FB6];
	_ =	sdelay $0x3  }
0x34: {  	[smem:$0x3FB6] =	sst s10  }
0x35: {  	s10 =	sld [smem:$0x3FB5];
	_ =	sdelay $0x3  }
0x36: {  	p1 =	seq.s32 s10, $0x1;
	s10 =	sld [smem:$0x3FB6];
	_ =	sdelay $0x3  }
0x37: {  	[smem:$0x3FB6] =	sst s10  }
0x38: {  	s10 =	sld [smem:$0x3FB7]  }
0x39: {  	_ = 	snop;
	(pc) =	sbr.ind lr, $3  }
0x3a: {  	_ = 	snop  }
0x3b: {  	_ = 	snop  }
0x3c: {  	p2 =	seq.s32 s10, $0x1;
	s10 =	sld [smem:$0x3FB6]  }
0x3d: {  	_ =	shalt  }
0x3e: {  	_ =	shalt  }
0x3f: {  	_ =	shalt  }
0x40: {  	_ =	shalt  }
0x41: {  	_ =	shalt  }
0x42: {  	_ =	shalt  }
0x43: {  	_ =	shalt  }
0x44: {  	_ =	shalt  }
0x45: {  	_ =	shalt  }
0x46: {  	_ =	shalt  }
0x47: {  	_ =	shalt  }
0x48: {  	_ =	shalt  }
0x49: {  	_ =	shalt  }
0x4a: {  	_ =	shalt  }
0x4b: {  	_ =	shalt  }
0x4c: {  	_ =	shalt  }
0x4d: {  	_ =	shalt  }
0x4e: {  	_ =	shalt  }
0x4f: {  	_ =	shalt  }
0x50: {  	_ =	shalt  }
0x51: {  	_ =	shalt  }
0x52: {  	_ =	shalt  }
0x53: {  	_ =	shalt  }
0x54: {  	_ =	shalt  }
0x55: {  	_ =	shalt  }
0x56: {  	_ =	shalt  }
0x57: {  	_ =	shalt  }
0x58: {  	_ =	shalt  }
0x59: {  	_ =	shalt  }
0x5a: {  	_ =	shalt  }
0x5b: {  	_ =	shalt  }
0x5c: {  	_ =	shalt  }
0x5d: {  	_ =	shalt  }
0x5e: {  	_ =	shalt  }
0x5f: {  	_ =	shalt  }
0x60: {  	_ =	shalt  }
0x61: {  	_ =	shalt  }
0x62: {  	_ =	shalt  }
0x63: {  	_ =	shalt  }
0x64: {  	_ =	shalt  }
0x65: {  	_ =	shalt  }
0x66: {  	_ =	shalt  }
0x67: {  	_ =	shalt  }
0x68: {  	_ =	shalt  }
0x69: {  	_ =	shalt  }
0x6a: {  	_ =	shalt  }
0x6b: {  	_ =	shalt  }
0x6c: {  	_ =	shalt  }
0x6d: {  	_ =	shalt  }
0x6e: {  	_ =	shalt  }
0x6f: {  	_ =	shalt  }
0x70: {  	_ =	shalt  }
0x71: {  	_ =	shalt  }
0x72: {  	_ =	shalt  }
0x73: {  	_ =	shalt  }
0x74: {  	_ =	shalt  }
0x75: {  	_ =	shalt  }
0x76: {  	_ =	shalt  }
0x77: {  	_ =	shalt  }
0x78: {  	_ =	shalt  }
0x79: {  	_ =	shalt  }
0x7a: {  	_ =	shalt  }
0x7b: {  	_ =	shalt  }
0x7c: {  	_ =	shalt  }
0x7d: {  	_ =	shalt  }
0x7e: {  	_ =	shalt  }
0x7f: {  	_ =	shalt  }
0x80: {  	_ =	shalt  }
0x81: {  	_ =	shalt  }
0x82: {  	_ =	shalt  }
0x83: {  	_ =	shalt  }
0x84: {  	_ =	shalt  }
0x85: {  	_ =	shalt  }
0x86: {  	_ =	shalt  }
0x87: {  	_ =	shalt  }
.Lfunc_end0:
.L_simem_size_0:
called_computation.2_lowered:
.L_overlay_start_0:
0x88: {  	s2 =	sld [smem:$0x3FD9]  }
0x89: {  	s3 =	sld [smem:$0x3FFE];
	_ =	sdelay $0x1  }
0x8a: {  	s1 =	srdreg.scid  }
0x8b: {  	s0 =	sand.u32 $0x1, s1  }
0x8c: {  	s17 =	sshll.u32 s0, $0xA;
	s2 =	sadd.s32 s3, s2  }
0x8d: {  	s2 =	sadd.s32 s2, s17  }
0x8e: {  	[smem:$0x3FC2] =	sst s2  }
0x8f: {  	_ = 	snop  }
0x90: {  	s2 =	sld [smem:$0x3FD0];
	(tm) =	ssettm $0x1  }
0x91: {  	s18 =	sld [smem:$0x3FFB];
	_ =	sdelay $0x3  }
0x92: {  	_ =	strace s18  }
0x93: {  	s3 =	sld [smem:$0x3FFC];
	_ =	sdelay $0x3  }
0x94: {  	_ =	strace s3  }
0x95: {  	s3 =	sld [smem:$0x3FFD];
	_ =	sdelay $0x3  }
0x96: {  	_ =	strace s3  }
0x97: {  	_ =	strace $0x8FFFFFFF  }
0x98: {  	s19 =	sld [smem:$0x3FDB];
	_ =	sdelay $0x1  }
0x99: {  	s4 =	simm.s32 $_scs_section_size  }
0x9a: {  	s5 =	simm.s32 $_size__tile_overlayer_lowered;
	s6 =	simm.s32 $_tile_overlayer_lowered  }
0x9b: {  	s22 =	simm.s32 $0x1BFF;
	s21 =	sshll.u32 s6, $0x1;
	s3 =	sadd.s32 s4, s19  }
0x9c: {  	s7 =	simm.s32 $0x0;
	s20 =	sshll.u32 s5, $0x1;
	s5 =	sadd.s32 s21, s3  }
0x9d: {  	[timem:s7], [sflag:s22] =	dma.local [hbm:s5], s20  }
0x9e: {  	_ =	swait.ge [sflag:s22], s20  }
0x9f: {  	s4 =	ssub.s32 $0x0, s20;
	[sflag:s22] =	ssyncset.done $0x0  }
0xa0: {  	[sflag:s22] =	ssyncadd.s32 s4;
	_ =	sdelay $0x1  }
0xa1: {  	s23 =	simm.s32 $0x1B8B  }
0xa2: {  	_ =	swait.ge [sflag:s23], $0x1  }
0xa3: {  	[sflag:s23] =	ssyncset.done $0x0  }
0xa4: {  	s25 =	simm.s32 $0x1B8E;
	s24 =	sld [smem:$0x3FFE];
	[sflag:s23] =	ssyncadd.s32 $0xFFFFFFFF  }
0xa5: {  	s26 =	simm.s32 $execute0_lowered;
	[smem:$0x3FD2] =	sst s25  }
0xa6: {  	s5 =	sshll.u32 s26, $0x1;
	_ =	strace $0x8000004C;
	[dreg:$0x1] =	wrdreg $0xFFFFFFFF  }
0xa7: {  	s28 =	simm.s32 $_size_execute0_lowered;
	s3 =	sadd.s32 s3, s5;
	[dreg:$0x0] =	wrdreg $0x0  }
0xa8: {  	s5 =	sshll.u32 s28, $0x1;
	[dreg:$0x2] =	wrdreg s3  }
0xa9: {  	[dreg:$0x3] =	wrdreg s5  }
0xaa: {  	[dreg:$0x4] =	wrdreg $0xC0  }
0xab: {  	_ =	task [dreg:s7], $0x5FFFF  }
0xac: {  	[dreg:$0x1] =	wrdreg $0xFFFFFFFF  }
0xad: {  	[dreg:$0x0] =	wrdreg $0x60  }
0xae: {  	[dreg:$0x2] =	wrdreg s2  }
0xaf: {  	[dreg:$0x3] =	wrdreg s24  }
0xb0: {  	[dreg:$0x4] =	wrdreg $0x63C00  }
0xb1: {  	[dreg:$0x5] =	wrdreg $0x9  }
0xb2: {  	_ =	task.clear_ibuf [dreg:s7], $0x6FFFF;
	_ =	strace $0x9000004C  }
0xb3: {  	s29 =	simm.s32 $0x9;
	_ =	strace $0x8000004E  }
0xb4: {  	_ =	swait.ge [sflag:s29], $0x1  }
0xb5: {  	[sflag:s29] =	ssyncadd.s32 $0xFFFFFFFF  }
0xb6: {  	_ =	strace $0x9000004E  }
0xb7: {  	_ =	sfence  }
0xb8: {  	s30 =	sld [smem:$0x0];
	_ =	sdelay $0x2  }
0xb9: {  	s31 =	sshll.u32 s1, $0xD;
	s1 =	sshrl.u32 s1, $0x2  }
0xba: {  	s3 =	sand.u32 $0x4000, s31;
	s1 =	sadd.s32 s1, s30  }
0xbb: {  	s0 =	sor.u32 s3, s0;
	s1 =	sshll.u32 s1, $0x11  }
0xbc: {  	s0 =	sor.u32 s1, s0  }
0xbd: {  	s0 =	sadd.s32 $0x8F2B, s0  }
0xbe: {  	[sflag:s0] =	ssyncadd.remote.s32 $0x1  }
0xbf: {  	_ =	sfence.sel $0xFFFF  }
0xc0: {  	[dreg:$0x0] =	wrdreg $0xFFFFFFFF;
	(pc) =	sbr.abs _section_cstart, $3  }
0xc1: {  	[dreg:$0x1] =	wrdreg $0xFFFFFFFF  }
0xc2: {  	_ =	task.clear_ibuf [dreg:s7], $0x2FFFF;
	_ =	strace $0x9FFFFFFF  }
0xc3: {  	(tm) =	ssettm $0x7FFFFFFF  }
tec
execute0_lowered:
.L_overlay_start_1:
0x0: {  	(tag) =	ssettag $0x1  }
0x1: {  	s2 =	rddreg [dreg:$0x0]  }
0x2: {  	s0 =	rddreg [dreg:$0x1]  }
0x3: {  	s3 =	rddreg [dreg:$0x2];
	s11 =	stileid.u32  }
0x4: {  	s1 =	srdreg.scid;
	s4 =	simm.s32 $0x0;
	s28 =	simm.s32 $0x8  }
0x5: {  	s29 =	simm.s32 $0x1F40;
	s30 =	simm.s32 $0x1;
	s12 =	simm.s32 $0x62C0  }
0x6: {  	s31 =	simm.s32 $0x6;
	s5 =	smul.u32 $0x9C40, s11;
	s1 =	sand.u32 $0x1, s1  }
0x7: {  	[smem:$0x7FF] =	sst s4;
	s7 =	sadd.s32 $0xCA00, s0;
	s9 =	sshll.u32 s11, $0x1  }
0x8: {  	s16 =	sshll.u32 s11, $0x6;
	s17 =	smul.u32 $0xA000, s11;
	s11 =	simm.s32 $0xA  }
0x9: {  	s6 =	smul.u32 $0x9C400, s1;
	_ =	strace $0x8000004D;
	s10 =	ssub.s32 $0x2, s1  }
0xa: {  	s9 =	sor.u32 s1, s9;
	s13 =	sor.u32 $0x1C0D, s16;
	s1 =	smul.u32 $0x5000, s1  }
0xb: {  	s8 =	sshrl.u32 s5, $0x3;
	s15 =	sshrl.u32 s10, $0x1;
	s9 =	smul.u32 $0x5000, s9  }
0xc: {  	[dreg:$0x5] =	wrdreg s13;
	s8 =	sadd.s32 s8, s0;
	s6 =	sadd.s32 s5, s6  }
0xd: {  	s5 =	sadd.s32 s5, s3;
	s21 =	sadd.s32 s1, s17;
	s6 =	sshrl.u32 s6, $0x3  }
0xe: {  	s8 =	sadd.s32 $0x20A00, s8;
	s9 =	sshrl.u32 s9, $0x3;
	s1 =	sor.u32 $0x900, s21  }
0xf: {  	s22 =	sor.u32 $0x800, s21;
	s23 =	sor.u32 $0x700, s21;
	s25 =	sor.u32 $0x600, s21  }
0x10: {  	s26 =	sor.u32 $0x500, s21;
	s14 =	sshrl.u32 s5, $0x3;
	[dreg:$0x4] =	wrdreg s8  }
0x11: {  	s5 =	simm.s32 $0x61C0;
	s18 =	sadd.s32 s7, s9;
	[dreg:$0xe] =	wrdreg s14  }
0x12: {  	s0 =	sadd.s32 s6, s0;
	s9 =	sadd.s32 $0x20, s18;
	[dreg:$0x6] =	wrdreg s18  }
0x13: {  	s6 =	ssub.s32 s10, s15;
	s19 =	sadd.s32 $0x40, s18;
	[dreg:$0x7] =	wrdreg s9  }
0x14: {  	s1 =	sshrl.u32 s1, $0x3;
	s8 =	sadd.s32 $0x60, s18;
	[dreg:$0x8] =	wrdreg s19  }
0x15: {  	s10 =	simm.s32 $0x4;
	s0 =	sadd.s32 $0x34400, s0;
	[dreg:$0x9] =	wrdreg s8  }
0x16: {  	s20 =	smax.u32 s6, $0x1;
	s6 =	sshrl.u32 s22, $0x3;
	[dreg:$0xa] =	wrdreg s0  }
0x17: {  	s1 =	sadd.s32 s1, s7;
	s22 =	simm.s32 $0x5EC0;
	[dreg:$0xb] =	wrdreg s20  }
0x18: {  	s8 =	sshrl.u32 s23, $0x3;
	[dreg:$0xc] =	wrdreg s1;
	s24 =	sadd.s32 s6, s7  }
0x19: {  	s0 =	sor.u32 $0x400, s21;
	s1 =	sshrl.u32 s25, $0x3;
	s6 =	sshrl.u32 s26, $0x3  }
0x1a: {  	s23 =	simm.s32 $0xD;
	s21 =	simm.s32 $0x5DC0;
	s25 =	simm.s32 $0x7  }
0x1b: {  	s26 =	simm.s32 $0x7D;
	s19 =	simm.s32 $0x5;
	s20 =	simm.s32 $0xB  }
.Ltmp0:
0x1c: {  	s9 =	simm.s32 $0x0;
	[dreg:$0xd] =	wrdreg s24;
	(pc) =	sbr.rel .LBB2_1-.Ltmp0, $4  }
0x1d: {  	s15 =	sadd.s32 s8, s7;
	s0 =	sshrl.u32 s0, $0x3;
	s16 =	sadd.s32 s1, s7  }
0x1e: {  	s17 =	sadd.s32 s6, s7;
	s24 =	simm.s32 $0x60C0;
	s1 =	simm.s32 $0x3E80  }
0x1f: {  	s8 =	simm.s32 $0x2;
	s6 =	simm.s32 $0xC;
	[dreg:$0xf] =	wrdreg s9  }
0x20: {  	s18 =	sadd.s32 s0, s7;
	s0 =	simm.s32 $0x9;
	s7 =	simm.s32 $0x3  }
.LBB2_4:
0x21: {  	_ =	swait.ge [sflag:s30], $0x1F40  }
0x22: {  	[sflag:s30] =	ssyncset.done $0x0  }
0x23: {  	s9 =	simm.s32 $0x5E40;
	[sflag:s30] =	ssyncadd.s32 $0xFFFFE0C0  }
0x24: {  	[spmem:s3] =	stream.indirect.scatter.add.f32 [tilespmem:s4], [sflag:$0x4], $0x40, s9, s26, $0xb8;
	[tilespmem:$0x10000] =	vst v63  }
0x25: {  	_ =	swait.ge [sflag:s8], $0x1F40  }
0x26: {  	[sflag:s8] =	ssyncset.done $0x0  }
0x27: {  	s14 =	simm.s32 $0x5F40;
	[sflag:s8] =	ssyncadd.s32 $0xFFFFE0C0  }
0x28: {  	[spmem:s3] =	stream.indirect.scatter.add.f32 [tilespmem:s29], [sflag:$0x5], $0x40, s14, s26, $0xb8;
	[tilespmem:$0x10000] =	vst v63  }
0x29: {  	_ =	swait.ge [sflag:s31], $0x1F40  }
0x2a: {  	[sflag:s31] =	ssyncset.done $0x0  }
0x2b: {  	[sflag:s31] =	ssyncadd.s32 $0xFFFFE0C0  }
0x2c: {  	_ =	swait.ge [sflag:s10], $0x1F40  }
0x2d: {  	[sflag:s10] =	ssyncset.done $0x0  }
0x2e: {  	[sflag:s10] =	ssyncadd.s32 $0xFFFFE0C0  }
0x2f: {  	_ =	swait.ge [sflag:s19], $0x1F40  }
0x30: {  	[sflag:s19] =	ssyncset.done $0x0  }
0x31: {  	[sflag:s19] =	ssyncadd.s32 $0xFFFFE0C0  }
0x32: {  	[bflag:$0x0] =	sbarrier.arrive $0xFFFF  }
0x33: {  	s13 =	rddreg [dreg:$0x5]  }
0x34: {  	s23 =	rddreg [dreg:$0xa]  }
0x35: {  	s14 =	rddreg [dreg:$0xe]  }
0x36: {  	[hbm:s23], [sflag:s13] =	dma.local [spmem:s14], $0x1388  }
0x37: {  	s23 =	simm.s32 $0xD  }
0x38: {  	_ =	swait.ge [sflag:s23], $0x1388  }
0x39: {  	s9 =	rddreg [dreg:$0xf]  }
0x3a: {  	s13 =	sadd.s32 $0x1, s9;
	s9 =	rddreg [dreg:$0xb]  }
0x3b: {  	p0 =	sne.s32 s13, s9  }
.Ltmp1:
0x3c: {  	_ = 	snop;
	(pc) =	sbr.rel @!p0 .LBB2_5-.Ltmp1, $3  }
0x3d: {  	_ =	sdelay $0x1  }
0x3e: {  	[sflag:s23] =	ssyncset.done $0x0;
	[dreg:$0xf] =	wrdreg s13  }
0x3f: {  	[sflag:s23] =	ssyncadd.s32 $0xFFFFEC78;
	s13 =	rddreg [dreg:$0x5]  }
.LBB2_1:
0x40: {  	s9 =	rddreg [dreg:$0x4]  }
0x41: {  	[spmem:s14], [sflag:s13] =	dma.local [hbm:s9], $0x1388  }
0x42: {  	_ =	swait.ge [sflag:s23], $0x1388  }
0x43: {  	[sflag:s23] =	ssyncset.done $0x0  }
0x44: {  	[sflag:s23] =	ssyncadd.s32 $0xFFFFEC78  }
0x45: {  	[bflag:$0x0] =	sbarrier.arrive $0xFFFF  }
0x46: {  	s14 =	rddreg [dreg:$0x6]  }
0x47: {  	[tilespmem:s21], [sflag:$0x7] =	stream.linear.gather [hbm4b:s14+s4], $0x100, $0x38;
	[tilespmem:$0x10000] =	vst v63  }
0x48: {  	s23 =	rddreg [dreg:$0x7]  }
0x49: {  	[tilespmem:s22], [sflag:$0x8] =	stream.linear.gather [hbm4b:s23+s4], $0x100, $0x38;
	[tilespmem:$0x10000] =	vst v63  }
0x4a: {  	s13 =	rddreg [dreg:$0x8];
	s14 =	simm.s32 $0x5FC0  }
0x4b: {  	[tilespmem:s14], [sflag:$0x9] =	stream.linear.gather [hbm4b:s13+s4], $0x100, $0x38;
	[tilespmem:$0x10000] =	vst v63  }
0x4c: {  	s23 =	rddreg [dreg:$0x9]  }
0x4d: {  	[tilespmem:s24], [sflag:$0xA] =	stream.linear.gather [hbm4b:s23+s4], $0x100, $0x38;
	[tilespmem:$0x10000] =	vst v63  }
0x4e: {  	_ =	swait.ge [sflag:s25], $0x100  }
0x4f: {  	[sflag:s25] =	ssyncset.done $0x0  }
0x50: {  	[sflag:s25] =	ssyncadd.s32 $0xFFFFFF00  }
0x51: {  	[tilespmem:s4], [sflag:$0x1] =	stream.indirect.gather [hbm4b:s2+s26], $0x40, s21, s26, $0xb8;
	[tilespmem:$0x10000] =	vst v63  }
0x52: {  	_ =	swait.ge [sflag:s28], $0x100  }
0x53: {  	[sflag:s28] =	ssyncset.done $0x0  }
0x54: {  	s9 =	simm.s32 $0x0;
	[sflag:s28] =	ssyncadd.s32 $0xFFFFFF00  }
0x55: {  	[tilespmem:s29], [sflag:$0x2] =	stream.indirect.gather [hbm4b:s2+s26], $0x40, s22, s26, $0xb8;
	[tilespmem:$0x10000] =	vst v63  }
.LBB2_2:
0x56: {  	_ =	swait.ge [sflag:s30], $0x1F40  }
0x57: {  	p0 =	seq.s32 s9, $0x0;
	[sflag:s30] =	ssyncset.done $0x0  }
0x58: {  	s13 =	simm.s32 $0x5E40;
	s23 =	simm.s32 @!p0 $0x6;
	[sflag:s30] =	ssyncadd.s32 $0xFFFFE0C0  }
0x59: {  	[spmem:s3] =	stream.indirect.scatter.add.f32 [tilespmem:s4], [sflag:$0x4], $0x40, s13, s26, $0xb8;
	[tilespmem:$0x10000] =	vst v63  }
0x5a: {  	_ =	swait.ge @!p0 [sflag:s23], $0x1F40  }
0x5b: {  	[sflag:s23] =	ssyncset.done @!p0 $0x0  }
0x5c: {  	[sflag:s23] =	ssyncadd.s32 @!p0 $0xFFFFE0C0  }
0x5d: {  	_ =	swait.ge [sflag:s0], $0x100  }
0x5e: {  	[sflag:s0] =	ssyncset.done $0x0  }
0x5f: {  	s23 =	simm.s32 $0x5FC0;
	[sflag:s0] =	ssyncadd.s32 $0xFFFFFF00  }
0x60: {  	[tilespmem:s1], [sflag:$0x3] =	stream.indirect.gather [hbm4b:s2+s26], $0x40, s23, s26, $0xb8;
	[tilespmem:$0x10000] =	vst v63  }
0x61: {  	s14 =	sadd.s32 s9, s18  }
0x62: {  	[tilespmem:s5], [sflag:$0xB] =	stream.linear.gather [hbm4b:s14+s4], $0x100, $0x38;
	[tilespmem:$0x10000] =	vst v63  }
0x63: {  	_ =	swait.ge [sflag:s8], $0x1F40  }
0x64: {  	[sflag:s8] =	ssyncset.done $0x0  }
0x65: {  	s23 =	simm.s32 $0x5F40;
	[sflag:s8] =	ssyncadd.s32 $0xFFFFE0C0  }
0x66: {  	[spmem:s3] =	stream.indirect.scatter.add.f32 [tilespmem:s29], [sflag:$0x5], $0x40, s23, s26, $0xb8;
	[tilespmem:$0x10000] =	vst v63  }
0x67: {  	_ =	swait.ge [sflag:s10], $0x1F40  }
0x68: {  	[sflag:s10] =	ssyncset.done $0x0  }
0x69: {  	[sflag:s10] =	ssyncadd.s32 $0xFFFFE0C0  }
0x6a: {  	_ =	swait.ge [sflag:s11], $0x100  }
0x6b: {  	[sflag:s11] =	ssyncset.done $0x0  }
0x6c: {  	[sflag:s11] =	ssyncadd.s32 $0xFFFFFF00  }
0x6d: {  	[tilespmem:s4], [sflag:$0x1] =	stream.indirect.gather [hbm4b:s2+s26], $0x40, s24, s26, $0xb8;
	[tilespmem:$0x10000] =	vst v63  }
0x6e: {  	s14 =	sadd.s32 s9, s17  }
0x6f: {  	[tilespmem:s12], [sflag:$0xC] =	stream.linear.gather [hbm4b:s14+s4], $0x100, $0x38;
	[tilespmem:$0x10000] =	vst v63  }
0x70: {  	_ =	swait.ge [sflag:s7], $0x1F40  }
0x71: {  	[sflag:s7] =	ssyncset.done $0x0  }
0x72: {  	s23 =	simm.s32 $0x6040;
	[sflag:s7] =	ssyncadd.s32 $0xFFFFE0C0  }
0x73: {  	[spmem:s3] =	stream.indirect.scatter.add.f32 [tilespmem:s1], [sflag:$0x6], $0x40, s23, s26, $0xb8;
	[tilespmem:$0x10000] =	vst v63  }
0x74: {  	_ =	swait.ge [sflag:s19], $0x1F40  }
0x75: {  	[sflag:s19] =	ssyncset.done $0x0  }
0x76: {  	[sflag:s19] =	ssyncadd.s32 $0xFFFFE0C0  }
0x77: {  	_ =	swait.ge [sflag:s20], $0x100  }
0x78: {  	[sflag:s20] =	ssyncset.done $0x0  }
0x79: {  	[sflag:s20] =	ssyncadd.s32 $0xFFFFFF00  }
0x7a: {  	[tilespmem:s29], [sflag:$0x2] =	stream.indirect.gather [hbm4b:s2+s26], $0x40, s5, s26, $0xb8;
	[tilespmem:$0x10000] =	vst v63  }
0x7b: {  	s14 =	sadd.s32 s9, s16  }
0x7c: {  	[tilespmem:s21], [sflag:$0x7] =	stream.linear.gather [hbm4b:s14+s4], $0x100, $0x38;
	[tilespmem:$0x10000] =	vst v63  }
0x7d: {  	_ =	swait.ge [sflag:s30], $0x1F40  }
0x7e: {  	[sflag:s30] =	ssyncset.done $0x0  }
0x7f: {  	s23 =	simm.s32 $0x6140;
	[sflag:s30] =	ssyncadd.s32 $0xFFFFE0C0  }
0x80: {  	[spmem:s3] =	stream.indirect.scatter.add.f32 [tilespmem:s4], [sflag:$0x4], $0x40, s23, s26, $0xb8;
	[tilespmem:$0x10000] =	vst v63  }
0x81: {  	_ =	swait.ge [sflag:s31], $0x1F40  }
0x82: {  	[sflag:s31] =	ssyncset.done $0x0  }
0x83: {  	[sflag:s31] =	ssyncadd.s32 $0xFFFFE0C0  }
0x84: {  	_ =	swait.ge [sflag:s6], $0x100  }
0x85: {  	[sflag:s6] =	ssyncset.done $0x0  }
0x86: {  	[sflag:s6] =	ssyncadd.s32 $0xFFFFFF00  }
0x87: {  	[tilespmem:s1], [sflag:$0x3] =	stream.indirect.gather [hbm4b:s2+s26], $0x40, s12, s26, $0xb8;
	[tilespmem:$0x10000] =	vst v63  }
0x88: {  	s13 =	sadd.s32 s9, s15  }
0x89: {  	[tilespmem:s22], [sflag:$0x8] =	stream.linear.gather [hbm4b:s13+s4], $0x100, $0x38;
	[tilespmem:$0x10000] =	vst v63  }
0x8a: {  	_ =	swait.ge [sflag:s8], $0x1F40  }
0x8b: {  	[sflag:s8] =	ssyncset.done $0x0  }
0x8c: {  	s14 =	simm.s32 $0x6240;
	[sflag:s8] =	ssyncadd.s32 $0xFFFFE0C0  }
0x8d: {  	[spmem:s3] =	stream.indirect.scatter.add.f32 [tilespmem:s29], [sflag:$0x5], $0x40, s14, s26, $0xb8;
	[tilespmem:$0x10000] =	vst v63  }
0x8e: {  	_ =	swait.ge [sflag:s10], $0x1F40  }
0x8f: {  	[sflag:s10] =	ssyncset.done $0x0  }
0x90: {  	[sflag:s10] =	ssyncadd.s32 $0xFFFFE0C0  }
0x91: {  	_ =	swait.ge [sflag:s25], $0x100  }
0x92: {  	[sflag:s25] =	ssyncset.done $0x0  }
0x93: {  	p0 =	seq.s32 s9, $0x900;
	s13 =	rddreg [dreg:$0xd];
	[sflag:s25] =	ssyncadd.s32 $0xFFFFFF00  }
0x94: {  	[tilespmem:s4], [sflag:$0x1] =	stream.indirect.gather [hbm4b:s2+s26], $0x40, s21, s26, $0xb8;
	[tilespmem:$0x10000] =	vst v63  }
0x95: {  	s14 =	simm.s32 @!p0 $0x5FC0;
	s23 =	sadd.s32 @!p0 s9, s13;
	s13 =	simm.s32 @!p0 $0x0  }
0x96: {  	[tilespmem:s14], [sflag:$0x9] =	stream.linear.gather @!p0 [hbm4b:s23+s13], $0x100, $0x38;
	[tilespmem:$0x10000] =	vst v63  }
0x97: {  	_ =	swait.ge [sflag:s7], $0x1F40  }
0x98: {  	[sflag:s7] =	ssyncset.done $0x0  }
0x99: {  	s23 =	simm.s32 $0x6340;
	[sflag:s7] =	ssyncadd.s32 $0xFFFFE0C0  }
0x9a: {  	[spmem:s3] =	stream.indirect.scatter.add.f32 [tilespmem:s1], [sflag:$0x6], $0x40, s23, s26, $0xb8;
	[tilespmem:$0x10000] =	vst v63  }
0x9b: {  	_ =	swait.ge [sflag:s19], $0x1F40  }
0x9c: {  	[sflag:s19] =	ssyncset.done $0x0  }
.Ltmp2:
0x9d: {  	[sflag:s19] =	ssyncadd.s32 $0xFFFFE0C0;
	(pc) =	sbr.rel @p0 .LBB2_4-.Ltmp2, $4  }
0x9e: {  	_ =	swait.ge [sflag:s28], $0x100  }
0x9f: {  	[sflag:s28] =	ssyncset.done $0x0  }
0xa0: {  	[sflag:s28] =	ssyncadd.s32 $0xFFFFFF00  }
0xa1: {  	[tilespmem:s29], [sflag:$0x2] =	stream.indirect.gather [hbm4b:s2+s26], $0x40, s22, s26, $0xb8;
	[tilespmem:$0x10000] =	vst v63  }
.Ltmp3:
0xa2: {  	(pc) =	sbr.rel .LBB2_2-.Ltmp3, $4  }
0xa3: {  	_ = 	snop  }
0xa4: {  	s13 =	rddreg [dreg:$0xc]  }
0xa5: {  	s13 =	sadd.s32 s9, s13;
	s9 =	sadd.s32 $0xC0, s9  }
0xa6: {  	[tilespmem:s24], [sflag:$0xA] =	stream.linear.gather [hbm4b:s13+s4], $0x100, $0x38;
	[tilespmem:$0x10000] =	vst v63  }
.LBB2_5:
0xa7: {  	_ =	sfence.sel $0x180000  }
0xa8: {  	[bflag:$0x0] =	sbarrier.arrive $0xFFFF  }
0xa9: {  	_ =	strace $0x9000004D  }
0xaa: {  	s0 =	stileid.u32;
	[bflag:$0x2] =	sbarrier.arrive $0xFFFF  }
0xab: {  	p0 =	sne.s32 s0, $0x0;
	s0 =	rddreg [dreg:$0x3]  }
0xac: {  	s0 =	sadd.s32 @!p0 $0x100000, s0  }
0xad: {  	[sflag:s0] =	ssyncadd.tile.s32 @!p0 $0x1;
	_ =	shalt  }
.Lfunc_end2:
_tile_overlayer_lowered:
.L_overlay_start_2:
0xae: {  	(tag) =	ssettag $0x2  }
0xaf: {  	s0 =	rddreg [dreg:$0x0];
	s2 =	stileid.u32  }
0xb0: {  	s1 =	rddreg [dreg:$0x1];
	p0 =	sne.s32 s2, $0x0  }
0xb1: {  	s3 =	rddreg [dreg:$0x2];
	[bflag:$0x3] =	sbarrier.arrive $0xFFFF;
	s2 =	simm.s32 @!p0 $0x1C0D  }
0xb2: {  	[timem:s3], [sflag:s2] =	dma.local @!p0 [hbm:s0], s1  }
0xb3: {  	s0 =	simm.s32 @!p0 $0xD  }
0xb4: {  	_ =	swait.ge @!p0 [sflag:s0], s1  }
0xb5: {  	s1 =	ssub.s32 @!p0 $0x0, s1;
	[sflag:s0] =	ssyncset.done @!p0 $0x0  }
0xb6: {  	[sflag:s0] =	ssyncadd.s32 @!p0 s1  }
0xb7: {  	[bflag:$0x3] =	sbarrier.arrive $0xFFFF  }
0xb8: {  	_ =	shalt  }

// kernel: kernel.8.cloned.1.call-start
scs
__scs_entry_jumppad:
0x0: {  	(pc) =	sbr.rel $0x88, $3  }
0x1: {  	(tag) =	ssettag $0x0;
	lr =	simm.s32 $0x1  }
0x2: {  	[smem:$0x3F9B] =	sst lr;
	_ =	strace $0xD0000000  }
0x3: {  	_ = 	snop  }
0x4: {  	_ = 	snop  }
0x5: {  	_ = 	snop  }
0x6: {  	_ = 	snop  }
0x7: {  	_ = 	snop  }
__scs_overlays_trampoline_lowered:
0x8: {  	[smem:$0x3FAA] =	sst s0  }
0x9: {  	[smem:$0x3FAB] =	sst s1  }
0xa: {  	[smem:$0x3FAC] =	sst s2  }
0xb: {  	[smem:$0x3FAD] =	sst s3  }
0xc: {  	[smem:$0x3FAE] =	sst s4  }
0xd: {  	[smem:$0x3FAF] =	sst s5  }
0xe: {  	[smem:$0x3FB0] =	sst s6  }
0xf: {  	[smem:$0x3FB1] =	sst s7  }
0x10: {  	[smem:$0x3FB2] =	sst s8  }
0x11: {  	[smem:$0x3FB3] =	sst s9;
	s0 =	simm.s32 @!p0 $0x0  }
0x12: {  	s1 =	sld [smem:$0x3F99];
	s0 =	simm.s32 @p0 $0x1  }
0x13: {  	[smem:$0x3FB4] =	sst s0;
	s0 =	simm.s32 @!p1 $0x0  }
0x14: {  	s2 =	sld [smem:$0x3F98];
	s0 =	simm.s32 @p1 $0x1  }
0x15: {  	[smem:$0x3FB5] =	sst s0;
	s0 =	simm.s32 @!p2 $0x0  }
0x16: {  	s3 =	sld [smem:$0x3FDB];
	s0 =	simm.s32 @p2 $0x1  }
0x17: {  	s4 =	simm.s32 $0x1BF5;
	[smem:$0x3FB7] =	sst s0  }
0x18: {  	s0 =	sld [smem:$0x3F9A];
	_ =	swait.ge [sflag:s4], $0x0  }
0x19: {  	s7 =	sld [smem:$0x3F9B]  }
0x1a: {  	s8 =	sadd.s32 $0xFFFFE003, lr  }
0x1b: {  	s9 =	sadd.s32 $0xFFFFFEF7, lr;
	s5 =	simm.s32 $0xFFFFFFFF;
	p2 =	slt.u32 s8, $0xFFFFF086  }
0x1c: {  	p1 =	slt.u32 s9, $0xF7A;
	s5 =	simm.s32 @!p2 $0x0  }
0x1d: {  	s5 =	simm.s32 @p1 $0x1;
	p0 =	seq.s32 s7, s2  }
0x1e: {  	s7 =	smul.u32 @!p0 $0xF7A, s2;
	p2 =	seq.s32 @!p0 s5, $0x0  }
0x1f: {  	s9 =	smul.u32 $0xF7A, s1;
	s8 =	simm.s32 @!p0 $0x1BF5;
	p2 =	por !p2, p0  }
0x20: {  	[sflag:s8] =	ssyncset.s32 @!p0 $0xFFFFF086;
	s6 =	sadd.s32 @!p0 s3, s7;
	s7 =	simm.s32 @!p0 $0x108  }
0x21: {  	s3 =	sadd.s32 s3, s9;
	s6 =	sadd.s32 @!p0 $0x88, s6;
	s7 =	simm.s32 @p2 $0x1082  }
0x22: {  	[simem:s7], [sflag:s8] =	dma.local @!p0 [hbm:s6], $0xF7A  }
0x23: {  	s9 =	sor.u32 $0xD0000000, s2;
	s6 =	simm.s32 $0x108;
	_ =	swait.ge @!p0 [sflag:s8], $0x0  }
0x24: {  	s3 =	sadd.s32 $0x88, s3;
	s6 =	simm.s32 @!p1 $0x1082;
	[sflag:s4] =	ssyncset.s32 $0xFFFFF086  }
0x25: {  	[simem:s6], [sflag:s4] =	dma.local [hbm:s3], $0xF7A  }
0x26: {  	[smem:$0x3F9B] =	sst s1;
	(tag) =	ssettag s2;
	_ =	strace s9  }
0x27: {  	s1 =	sld [smem:$0x3FAB]  }
0x28: {  	s2 =	sld [smem:$0x3FAC]  }
0x29: {  	s4 =	sld [smem:$0x3FAE]  }
0x2a: {  	p0 =	seq.s32 s5, $0x0;
	s5 =	sld [smem:$0x3FAF]  }
0x2b: {  	s6 =	sld [smem:$0x3FB0]  }
0x2c: {  	s7 =	sld [smem:$0x3FB1]  }
0x2d: {  	s3 =	simm.s32 $0x108;
	s8 =	sld [smem:$0x3FB2]  }
0x2e: {  	s3 =	simm.s32 @!p0 $0x1082;
	s9 =	sld [smem:$0x3FB3]  }
0x2f: {  	lr =	sadd.s32 s0, s3;
	s0 =	sld [smem:$0x3FAA]  }
0x30: {  	s3 =	sld [smem:$0x3FAD]  }
0x31: {  	[smem:$0x3FB6] =	sst s10  }
0x32: {  	s10 =	sld [smem:$0x3FB4];
	_ =	sdelay $0x3  }
0x33: {  	p0 =	seq.s32 s10, $0x1;
	s10 =	sld [smem:$0x3FB6];
	_ =	sdelay $0x3  }
0x34: {  	[smem:$0x3FB6] =	sst s10  }
0x35: {  	s10 =	sld [smem:$0x3FB5];
	_ =	sdelay $0x3  }
0x36: {  	p1 =	seq.s32 s10, $0x1;
	s10 =	sld [smem:$0x3FB6];
	_ =	sdelay $0x3  }
0x37: {  	[smem:$0x3FB6] =	sst s10  }
0x38: {  	s10 =	sld [smem:$0x3FB7]  }
0x39: {  	_ = 	snop;
	(pc) =	sbr.ind lr, $3  }
0x3a: {  	_ = 	snop  }
0x3b: {  	_ = 	snop  }
0x3c: {  	p2 =	seq.s32 s10, $0x1;
	s10 =	sld [smem:$0x3FB6]  }
0x3d: {  	_ =	shalt  }
0x3e: {  	_ =	shalt  }
0x3f: {  	_ =	shalt  }
0x40: {  	_ =	shalt  }
0x41: {  	_ =	shalt  }
0x42: {  	_ =	shalt  }
0x43: {  	_ =	shalt  }
0x44: {  	_ =	shalt  }
0x45: {  	_ =	shalt  }
0x46: {  	_ =	shalt  }
0x47: {  	_ =	shalt  }
0x48: {  	_ =	shalt  }
0x49: {  	_ =	shalt  }
0x4a: {  	_ =	shalt  }
0x4b: {  	_ =	shalt  }
0x4c: {  	_ =	shalt  }
0x4d: {  	_ =	shalt  }
0x4e: {  	_ =	shalt  }
0x4f: {  	_ =	shalt  }
0x50: {  	_ =	shalt  }
0x51: {  	_ =	shalt  }
0x52: {  	_ =	shalt  }
0x53: {  	_ =	shalt  }
0x54: {  	_ =	shalt  }
0x55: {  	_ =	shalt  }
0x56: {  	_ =	shalt  }
0x57: {  	_ =	shalt  }
0x58: {  	_ =	shalt  }
0x59: {  	_ =	shalt  }
0x5a: {  	_ =	shalt  }
0x5b: {  	_ =	shalt  }
0x5c: {  	_ =	shalt  }
0x5d: {  	_ =	shalt  }
0x5e: {  	_ =	shalt  }
0x5f: {  	_ =	shalt  }
0x60: {  	_ =	shalt  }
0x61: {  	_ =	shalt  }
0x62: {  	_ =	shalt  }
0x63: {  	_ =	shalt  }
0x64: {  	_ =	shalt  }
0x65: {  	_ =	shalt  }
0x66: {  	_ =	shalt  }
0x67: {  	_ =	shalt  }
0x68: {  	_ =	shalt  }
0x69: {  	_ =	shalt  }
0x6a: {  	_ =	shalt  }
0x6b: {  	_ =	shalt  }
0x6c: {  	_ =	shalt  }
0x6d: {  	_ =	shalt  }
0x6e: {  	_ =	shalt  }
0x6f: {  	_ =	shalt  }
0x70: {  	_ =	shalt  }
0x71: {  	_ =	shalt  }
0x72: {  	_ =	shalt  }
0x73: {  	_ =	shalt  }
0x74: {  	_ =	shalt  }
0x75: {  	_ =	shalt  }
0x76: {  	_ =	shalt  }
0x77: {  	_ =	shalt  }
0x78: {  	_ =	shalt  }
0x79: {  	_ =	shalt  }
0x7a: {  	_ =	shalt  }
0x7b: {  	_ =	shalt  }
0x7c: {  	_ =	shalt  }
0x7d: {  	_ =	shalt  }
0x7e: {  	_ =	shalt  }
0x7f: {  	_ =	shalt  }
0x80: {  	_ =	shalt  }
0x81: {  	_ =	shalt  }
0x82: {  	_ =	shalt  }
0x83: {  	_ =	shalt  }
0x84: {  	_ =	shalt  }
0x85: {  	_ =	shalt  }
0x86: {  	_ =	shalt  }
0x87: {  	_ =	shalt  }
.Lfunc_end0:
.L_simem_size_0:
called_computation_lowered:
.L_overlay_start_0:
0x88: {  	s2 =	sld [smem:$0x3FD9]  }
0x89: {  	s3 =	sld [smem:$0x3FFE];
	_ =	sdelay $0x1  }
0x8a: {  	s1 =	srdreg.scid  }
0x8b: {  	s0 =	sand.u32 $0x1, s1  }
0x8c: {  	s17 =	sshll.u32 s0, $0xA;
	s2 =	sadd.s32 s3, s2  }
0x8d: {  	s2 =	sadd.s32 s2, s17  }
0x8e: {  	[smem:$0x3FC2] =	sst s2  }
0x8f: {  	_ = 	snop  }
0x90: {  	s2 =	sld [smem:$0x3FD0];
	(tm) =	ssettm $0x1  }
0x91: {  	s18 =	sld [smem:$0x3FFB];
	_ =	sdelay $0x3  }
0x92: {  	_ =	strace s18  }
0x93: {  	s3 =	sld [smem:$0x3FFC];
	_ =	sdelay $0x3  }
0x94: {  	_ =	strace s3  }
0x95: {  	s3 =	sld [smem:$0x3FFD];
	_ =	sdelay $0x3  }
0x96: {  	_ =	strace s3  }
0x97: {  	_ =	strace $0x8FFFFFFF  }
0x98: {  	s19 =	sld [smem:$0x3FDB];
	_ =	sdelay $0x1  }
0x99: {  	s4 =	simm.s32 $_scs_section_size  }
0x9a: {  	s5 =	simm.s32 $_size__tile_overlayer_lowered;
	s6 =	simm.s32 $_tile_overlayer_lowered  }
0x9b: {  	s22 =	simm.s32 $0x1BFF;
	s21 =	sshll.u32 s6, $0x1;
	s3 =	sadd.s32 s4, s19  }
0x9c: {  	s7 =	simm.s32 $0x0;
	s20 =	sshll.u32 s5, $0x1;
	s5 =	sadd.s32 s21, s3  }
0x9d: {  	[timem:s7], [sflag:s22] =	dma.local [hbm:s5], s20  }
0x9e: {  	_ =	swait.ge [sflag:s22], s20  }
0x9f: {  	s4 =	ssub.s32 $0x0, s20;
	[sflag:s22] =	ssyncset.done $0x0  }
0xa0: {  	[sflag:s22] =	ssyncadd.s32 s4;
	_ =	sdelay $0x1  }
0xa1: {  	s23 =	simm.s32 $0x1B8B  }
0xa2: {  	_ =	swait.ge [sflag:s23], $0x1  }
0xa3: {  	[sflag:s23] =	ssyncset.done $0x0  }
0xa4: {  	s25 =	simm.s32 $0x1B8E;
	s24 =	sld [smem:$0x3FFE];
	[sflag:s23] =	ssyncadd.s32 $0xFFFFFFFF  }
0xa5: {  	s26 =	simm.s32 $execute0_lowered;
	[smem:$0x3FD2] =	sst s25  }
0xa6: {  	s5 =	sshll.u32 s26, $0x1;
	_ =	strace $0x80000046;
	[dreg:$0x1] =	wrdreg $0xFFFFFFFF  }
0xa7: {  	s28 =	simm.s32 $_size_execute0_lowered;
	s3 =	sadd.s32 s3, s5;
	[dreg:$0x0] =	wrdreg $0x0  }
0xa8: {  	s5 =	sshll.u32 s28, $0x1;
	[dreg:$0x2] =	wrdreg s3  }
0xa9: {  	[dreg:$0x3] =	wrdreg s5  }
0xaa: {  	[dreg:$0x4] =	wrdreg $0xC0  }
0xab: {  	_ =	task [dreg:s7], $0x5FFFF  }
0xac: {  	[dreg:$0x1] =	wrdreg $0xFFFFFFFF  }
0xad: {  	[dreg:$0x0] =	wrdreg $0x60  }
0xae: {  	[dreg:$0x2] =	wrdreg s24  }
0xaf: {  	[dreg:$0x3] =	wrdreg s2  }
0xb0: {  	[dreg:$0x4] =	wrdreg $0x9  }
0xb1: {  	_ =	task.clear_ibuf [dreg:s7], $0x5FFFF;
	_ =	strace $0x90000046  }
0xb2: {  	s29 =	simm.s32 $0x9;
	_ =	strace $0x80000048  }
0xb3: {  	_ =	swait.ge [sflag:s29], $0x1  }
0xb4: {  	[sflag:s29] =	ssyncadd.s32 $0xFFFFFFFF  }
0xb5: {  	_ =	strace $0x90000048  }
0xb6: {  	_ =	sfence  }
0xb7: {  	s30 =	sld [smem:$0x0];
	_ =	sdelay $0x2  }
0xb8: {  	s31 =	sshll.u32 s1, $0xD;
	s1 =	sshrl.u32 s1, $0x2  }
0xb9: {  	s3 =	sand.u32 $0x4000, s31;
	s1 =	sadd.s32 s1, s30  }
0xba: {  	s0 =	sor.u32 s3, s0;
	s1 =	sshll.u32 s1, $0x11  }
0xbb: {  	s0 =	sor.u32 s1, s0  }
0xbc: {  	s0 =	sadd.s32 $0x8F2B, s0  }
0xbd: {  	[sflag:s0] =	ssyncadd.remote.s32 $0x1  }
0xbe: {  	_ =	sfence.sel $0xFFFF  }
0xbf: {  	[dreg:$0x0] =	wrdreg $0xFFFFFFFF;
	(pc) =	sbr.abs _section_cstart, $3  }
0xc0: {  	[dreg:$0x1] =	wrdreg $0xFFFFFFFF  }
0xc1: {  	_ =	task.clear_ibuf [dreg:s7], $0x2FFFF;
	_ =	strace $0x9FFFFFFF  }
0xc2: {  	(tm) =	ssettm $0x7FFFFFFF  }
0xc3: {  	_ =	shalt  }
tec
execute0_lowered:
.L_overlay_start_1:
0x0: {  	(tag) =	ssettag $0x1  }
0x1: {  	s3 =	rddreg [dreg:$0x0];
	s1 =	srdreg.scid  }
0x2: {  	s0 =	stileid.u32;
	s5 =	rddreg [dreg:$0x1]  }
0x3: {  	s9 =	simm.s32 $0x80;
	s10 =	simm.s32 $0x400;
	s11 =	simm.s32 $0x0  }
0x4: {  	s4 =	sand.u32 $0x1, s1;
	s2 =	sshll.u32 s0, $0x1;
	s8 =	sshrl.u32 s0, $0x2  }
0x5: {  	s1 =	rddreg [dreg:$0x2];
	s6 =	sor.u32 s4, s2;
	s8 =	smul.u32 $0x13C00, s8  }
0x6: {  	s2 =	simm.s32 $0x0;
	s4 =	ssub.s32 $0x2, s4;
	s7 =	smul.u32 $0x4E2, s6  }
0x7: {  	[smem:$0x7FF] =	sst s2;
	s6 =	sshll.u32 s6, $0x7;
	s31 =	sshrl.u32 s4, $0x1  }
0x8: {  	_ =	strace $0x80000047;
	s6 =	sand.u32 $0x380, s6;
	s7 =	sadd.s32 s7, s3  }
0x9: {  	s6 =	sor.u32 s8, s6;
	s3 =	sadd.s32 $0xC400, s3;
	s8 =	ssub.s32 s4, s31  }
0xa: {  	s6 =	sshrl.u32 s6, $0x3;
	s4 =	sadd.s32 $0x2600, s7;
	s7 =	simm.s32 $0x1  }
0xb: {  	v0 =	vimm.f32 $1.000000000e+00;
	s5 =	sadd.s32 s5, s6;
	s6 =	smax.u32 s8, $0x1;
	s8 =	simm.s32 $0x2780  }
.LBB2_1:
0xc: {  	[tilespmem:s2], [sflag:$0x1] =	stream.linear.gather [hbm4b:s3+s2], $0x2780, $0x38;
	[tilespmem:$0x4F00] =	vst v63  }
0xd: {  	_ =	swait.ge [sflag:s7], $0x2780  }
0xe: {  	[sflag:s7] =	ssyncset.done $0x0  }
0xf: {  	[sflag:s7] =	ssyncadd.s32 $0xFFFFD880  }
0x10: {  	[tilespmem:s8], [sflag:$0x1] =	stream.linear.gather [hbm4b:s4+s2], $0x2710, $0x38;
	[tilespmem:$0x4F00] =	vst v63  }
0x11: {  	_ =	swait.ge [sflag:s7], $0x2710  }
0x12: {  	[sflag:s7] =	ssyncset.done $0x0  }
0x13: {  	s13 =	simm.s32 $0x0;
	s12 =	simm.s32 $0x40;
	[sflag:s7] =	ssyncadd.s32 $0xFFFFD8F0  }
.LBB2_2:
0x14: {  	p0 =	sne.s32 s12, $0x9C00;
	v1 =	vld [tilespmem:s13+$0x2780];
	_ =	sdelay $0x3  }
.Ltmp0:
0x15: {  	(pc) =	sbr.rel @p0 .LBB2_2-.Ltmp0, $2  }
0x16: {  	_ =	sdelay $0x2  }
0x17: {  	s13 =	sshra.s32 s12, $0x2;
	s12 =	sadd.s32 $0x40, s12;
	[tilespmem:v1+s2+$0x0] =	vst.idx.add.f32.msk $0xffff, v0  }
0x18: {  	v1 =	vld [tilespmem:s13+$0x2780];
	_ =	sdelay $0x5  }
0x19: {  	s11 =	sadd.s32 $0x1, s11  }
0x1a: {  	p0 =	sne.s32 s11, s6  }
.Ltmp1:
0x1b: {  	[tilespmem:v1+s2+$0x0] =	vst.idx.add.f32.msk $0xffff, v0;
	(pc) =	sbr.rel @p0 .LBB2_1-.Ltmp1, $4  }
0x1c: {  	[hbm4b:s5+s9] =	stream.strided.scatter [tilespmem:s2], [sflag:$0x1], $0x2780, s10, s9, $0x38;
	[tilespmem:$0x4F00] =	vst v63  }
0x1d: {  	_ =	swait.ge [sflag:s7], $0x2780  }
0x1e: {  	[sflag:s7] =	ssyncset.done $0x0  }
0x1f: {  	[sflag:s7] =	ssyncadd.s32 $0xFFFFD880  }
0x20: {  	_ =	sfence.sel $0x180000  }
0x21: {  	[bflag:$0x0] =	sbarrier.arrive $0xFFFF  }
0x22: {  	p0 =	sne.s32 s0, $0x0;
	_ =	strace $0x90000047  }
0x23: {  	s0 =	sadd.s32 @!p0 $0x100000, s1;
	[bflag:$0x2] =	sbarrier.arrive $0xFFFF  }
0x24: {  	[sflag:s0] =	ssyncadd.tile.s32 @!p0 $0x1;
	_ =	shalt  }
.Lfunc_end2:
_tile_overlayer_lowered:
.L_overlay_start_2:
0x25: {  	(tag) =	ssettag $0x2  }
0x26: {  	s0 =	rddreg [dreg:$0x0];
	s2 =	stileid.u32  }
0x27: {  	s1 =	rddreg [dreg:$0x1];
	p0 =	sne.s32 s2, $0x0  }
0x28: {  	s3 =	rddreg [dreg:$0x2];
	[bflag:$0x3] =	sbarrier.arrive $0xFFFF;
	s2 =	simm.s32 @!p0 $0x1C01  }
0x29: {  	[timem:s3], [sflag:s2] =	dma.local @!p0 [hbm:s0], s1  }
0x2a: {  	s0 =	simm.s32 @!p0 $0x1  }
0x2b: {  	_ =	swait.ge @!p0 [sflag:s0], s1  }
0x2c: {  	s1 =	ssub.s32 @!p0 $0x0, s1;
	[sflag:s0] =	ssyncset.done @!p0 $0x0  }
0x2d: {  	[sflag:s0] =	ssyncadd.s32 @!p0 s1  }
0x2e: {  	[bflag:$0x3] =	sbarrier.arrive $0xFFFF  }
0x2f: {  	_ =	shalt  }

</sc_bundles>
